<compile_context>
chip_gen: v7x
topology: tpu7x:2x2x1
jax: 0.10.2.dev20260603
libtpu: 0.0.44.dev20260713+nightly
codegen_flags: <defaults>
</compile_context>

<pallas_src>
import jax
import jax.numpy as jnp
import numpy as np
from jax import lax
from jax.experimental import pallas as pl
from jax.experimental.pallas import tpu as pltpu
from jax.experimental.pallas import tpu_sc as plsc

N_NODES = 10000
N_EDGES = 160000
D_NODE = 256
D_EDGE = 16
INPUT_SIZE = D_NODE + D_EDGE
HIDDEN = INPUT_SIZE * 2

NC = 2
NS = 16
CWP = 96
NCHUNK = 6
LASTW = HIDDEN - (NCHUNK - 1) * CWP
KPC = NCHUNK // NC
EB = 80
EDGES_PER_SUB = N_EDGES // NS
NBLK = EDGES_PER_SUB // EB
ROWS_PER_SUB = N_NODES // NS
ZROWS = 125
OFFS = tuple(range(0, CWP, 16))

_PERM96 = np.empty(CWP, np.int32)
for _g in range(CWP // 32):
    for _j in range(16):
        _PERM96[32 * _g + 2 * _j] = 32 * _g + _j
        _PERM96[32 * _g + 2 * _j + 1] = 32 * _g + 16 + _j
_PERM_FULL = np.concatenate(
    [c * CWP + _PERM96 for c in range(NCHUNK)])


def _xp_body(x_ref, w_ref, b_ref, out_ref):
    h = jnp.dot(x_ref[...], w_ref[...], preferred_element_type=jnp.float32)
    out_ref[...] = (h + b_ref[...]).astype(jnp.bfloat16)


def _make_xp(x, w1a_x_pad, b1a_pad):
    rb = 2000
    return pl.pallas_call(
        _xp_body,
        grid=(N_NODES // rb,),
        in_specs=[
            pl.BlockSpec((rb, D_NODE), lambda i: (i, 0)),
            pl.BlockSpec((D_NODE, NCHUNK * CWP), lambda i: (0, 0)),
            pl.BlockSpec((1, NCHUNK * CWP), lambda i: (0, 0)),
        ],
        out_specs=pl.BlockSpec((rb, NCHUNK * CWP), lambda i: (i, 0)),
        out_shape=jax.ShapeDtypeStruct((N_NODES, NCHUNK * CWP), jnp.bfloat16),
    )(x, w1a_x_pad, b1a_pad)


def _ep_body(ea_ref, w_ref, b_ref, out_ref):
    ea = ea_ref[...]
    for c in range(NCHUNK):
        h = jnp.dot(ea, w_ref[c], preferred_element_type=jnp.float32)
        out_ref[c, :, :] = (h + b_ref[c]).astype(jnp.bfloat16)


def _make_ep(edge_attr, w1a_e_chunks, e_add_chunks):
    eb = 4000
    return pl.pallas_call(
        _ep_body,
        grid=(N_EDGES // eb,),
        in_specs=[
            pl.BlockSpec((eb, D_EDGE), lambda i: (i, 0)),
            pl.BlockSpec((NCHUNK, D_EDGE, CWP), lambda i: (0, 0, 0)),
            pl.BlockSpec((NCHUNK, 1, CWP), lambda i: (0, 0, 0)),
        ],
        out_specs=pl.BlockSpec((NCHUNK, eb, CWP), lambda i: (0, i, 0)),
        out_shape=jax.ShapeDtypeStruct((NCHUNK, N_EDGES, CWP), jnp.bfloat16),
    )(edge_attr, w1a_e_chunks, e_add_chunks)


def _seg_body(xp_ref, ep_ref, row_ref, col_ref, s_ref,
              row_all, col_all, gb0, gb1, eb0, eb1, sb0, sb1, zrow, acc,
              sg0, sg1):
    cid = lax.axis_index("c")
    sid = lax.axis_index("s")

    zvec = jnp.zeros((16,), jnp.float32)

    def zbody(i, _):
        for o in OFFS:
            zrow[i, pl.ds(o, 16)] = zvec
        return 0

    lax.fori_loop(0, ZROWS, zbody, 0)

    gbufs = (gb0, gb1)
    ebufs = (eb0, eb1)
    sbufs = (sb0, sb1)
    sems = (sg0, sg1)

    def start_ge(b, p, chunk):
        pltpu.async_copy(xp_ref.at[row_all.at[b]], gbufs[p], sems[p])
        pltpu.async_copy(
            ep_ref.at[pl.ds(chunk * N_EDGES + sid * EDGES_PER_SUB + b * EB,
                            EB)],
            ebufs[p], sems[p])

    def wait2(p):
        dummy = ep_ref.at[pl.ds(0, EB)]
        pltpu.make_async_copy(dummy, gbufs[p], sems[p]).wait()
        pltpu.make_async_copy(dummy, ebufs[p], sems[p]).wait()

    himask = jnp.full((16,), 0xFFFF0000, jnp.uint32)

    def _unpk(v):
        u = plsc.bitcast(v, jnp.uint32)
        lo = plsc.bitcast(u << 16, jnp.float32)
        hi = plsc.bitcast(u & himask, jnp.float32)
        return lo, hi

    def compute_scatter(b, p):
        gbuf, ebuf, sbuf = gbufs[p], ebufs[p], sbufs[p]

        def rowbody(i, _):
            for g in range(CWP // 32):
                xe, xo = _unpk(gbuf[i, pl.ds(g * 16, 16)])
                ee, eo = _unpk(ebuf[i, pl.ds(g * 16, 16)])
                sbuf[i, pl.ds(g * 32, 16)] = jnp.maximum(xe + ee, 0.0)
                sbuf[i, pl.ds(g * 32 + 16, 16)] = jnp.maximum(xo + eo, 0.0)
            return 0

        lax.fori_loop(0, EB, rowbody, 0)
        pltpu.sync_copy(sbuf, acc.at[col_all.at[b]], add=True)

    for k in range(KPC):
        chunk = KPC * cid + k

        for z in range(ROWS_PER_SUB // ZROWS):
            pltpu.sync_copy(
                zrow, acc.at[pl.ds(sid * ROWS_PER_SUB + z * ZROWS, ZROWS)])

        pltpu.sync_copy(row_ref.at[sid], row_all)
        pltpu.sync_copy(col_ref.at[sid], col_all)

        def bias_body(i, _):
            for j in range(EB // 16):
                row_all[i, pl.ds(j * 16, 16)] = (
                    row_all[i, pl.ds(j * 16, 16)] * NCHUNK + chunk)
            return 0

        lax.fori_loop(0, NBLK, bias_body, 0)
        plsc.subcore_barrier()

        start_ge(0, 0, chunk)

        def blk(b, _):
            @pl.when(lax.rem(b, 2) == 0)
            def _():
                wait2(0)

                @pl.when(b < NBLK - 1)
                def _():
                    start_ge(b + 1, 1, chunk)
                compute_scatter(b, 0)

            @pl.when(lax.rem(b, 2) == 1)
            def _():
                wait2(1)

                @pl.when(b < NBLK - 1)
                def _():
                    start_ge(b + 1, 0, chunk)
                compute_scatter(b, 1)
            return 0

        lax.fori_loop(0, NBLK, blk, 0)
        plsc.subcore_barrier()

        pltpu.sync_copy(
            acc.at[pl.ds(sid * ROWS_PER_SUB, ROWS_PER_SUB)],
            s_ref.at[pl.ds(chunk * N_NODES + sid * ROWS_PER_SUB,
                           ROWS_PER_SUB)])


def _make_seg(xp_f, ep_f, row2, col2):
    mesh = plsc.VectorSubcoreMesh(
        core_axis_name="c", subcore_axis_name="s",
        num_cores=NC, num_subcores=NS)
    fn = pl.kernel(
        _seg_body,
        out_type=jax.ShapeDtypeStruct((NCHUNK * N_NODES, CWP), jnp.float32),
        mesh=mesh,
        scratch_types=[
            pltpu.VMEM((NBLK, EB), jnp.int32),
            pltpu.VMEM((NBLK, EB), jnp.int32),
            pltpu.VMEM((EB, CWP // 2), jnp.float32),
            pltpu.VMEM((EB, CWP // 2), jnp.float32),
            pltpu.VMEM((EB, CWP // 2), jnp.float32),
            pltpu.VMEM((EB, CWP // 2), jnp.float32),
            pltpu.VMEM((EB, CWP), jnp.float32),
            pltpu.VMEM((EB, CWP), jnp.float32),
            pltpu.VMEM((ZROWS, CWP), jnp.float32),
            pltpu.VMEM_SHARED((N_NODES, CWP), jnp.float32),
            pltpu.SemaphoreType.DMA,
            pltpu.SemaphoreType.DMA,
        ],
        compiler_params=pltpu.CompilerParams(
            use_tc_tiling_on_sc=False, needs_layout_passes=False),
    )
    return fn(xp_f, ep_f, row2, col2)


def _post_body(s_ref, x_ref, w1b_ref, b1b_ref,
               w2ax_ref, w2am_ref, b2a_ref, w2b_ref, b2b_ref, out_ref):
    sums = jnp.dot(s_ref[0], w1b_ref[0], preferred_element_type=jnp.float32)
    for c in range(1, NCHUNK):
        sums = sums + jnp.dot(
            s_ref[c], w1b_ref[c], preferred_element_type=jnp.float32)
    c = s_ref[NCHUNK - 1][:, LASTW:LASTW + 1]
    sums = sums + c * b1b_ref[...]
    mean = sums / jnp.maximum(c, 1.0)
    h = jnp.dot(x_ref[...], w2ax_ref[...], preferred_element_type=jnp.float32)
    h = h + jnp.dot(mean, w2am_ref[...], preferred_element_type=jnp.float32)
    h = jnp.maximum(h + b2a_ref[...], 0.0)
    out = jnp.dot(h, w2b_ref[...], preferred_element_type=jnp.float32)
    out_ref[...] = out + b2b_ref[...]


def _make_post(s4, x, w1b, b1b_row, w2a_x, w2a_m, b2a_row, w2b, b2b_row):
    rb = 2000
    return pl.pallas_call(
        _post_body,
        grid=(N_NODES // rb,),
        in_specs=[
            pl.BlockSpec((NCHUNK, rb, CWP), lambda i: (0, i, 0)),
            pl.BlockSpec((rb, D_NODE), lambda i: (i, 0)),
            pl.BlockSpec((NCHUNK, CWP, HIDDEN), lambda i: (0, 0, 0)),
            pl.BlockSpec((1, HIDDEN), lambda i: (0, 0)),
            pl.BlockSpec((D_NODE, INPUT_SIZE), lambda i: (0, 0)),
            pl.BlockSpec((HIDDEN, INPUT_SIZE), lambda i: (0, 0)),
            pl.BlockSpec((1, INPUT_SIZE), lambda i: (0, 0)),
            pl.BlockSpec((INPUT_SIZE, D_NODE), lambda i: (0, 0)),
            pl.BlockSpec((1, D_NODE), lambda i: (0, 0)),
        ],
        out_specs=pl.BlockSpec((rb, D_NODE), lambda i: (i, 0)),
        out_shape=jax.ShapeDtypeStruct((N_NODES, D_NODE), jnp.float32),
    )(s4, x, w1b, b1b_row, w2a_x, w2a_m, b2a_row, w2b, b2b_row)


def _pad_cols(w):
    return jnp.pad(w, ((0, 0), (0, NCHUNK * CWP - HIDDEN)))


def kernel(x, edge_index, edge_attr, W1a, b1a, W1b, b1b, W2a, b2a, W2b, b2b):
    ei = edge_index.astype(jnp.int32)
    row2 = ei[0].reshape(NS, NBLK, EB)
    col2 = ei[1].reshape(NS, NBLK, EB)

    w1a_x_pad = _pad_cols(W1a[:D_NODE])[:, _PERM_FULL]
    b1a_pad = _pad_cols(b1a.reshape(1, HIDDEN))[:, _PERM_FULL]
    w1a_e = _pad_cols(W1a[D_NODE:])
    w1a_e_chunks = w1a_e.reshape(
        D_EDGE, NCHUNK, CWP).transpose(1, 0, 2)[:, :, _PERM96]
    e_add_chunks = jnp.zeros(
        (NCHUNK, 1, CWP), jnp.float32).at[NCHUNK - 1, 0, LASTW:].set(
        1.0)[:, :, _PERM96]
    w1b_rows = jnp.pad(W1b, ((0, NCHUNK * CWP - HIDDEN), (0, 0)))
    w1b_chunks = w1b_rows.reshape(NCHUNK, CWP, HIDDEN)

    xp_w = _make_xp(x, w1a_x_pad, b1a_pad)
    ep4 = _make_ep(edge_attr, w1a_e_chunks, e_add_chunks)
    xp_f = lax.bitcast_convert_type(
        xp_w.reshape(N_NODES, NCHUNK * CWP // 2, 2), jnp.float32
    ).reshape(NCHUNK * N_NODES, CWP // 2)
    ep_f = lax.bitcast_convert_type(
        ep4.reshape(NCHUNK, N_EDGES, CWP // 2, 2), jnp.float32
    ).reshape(NCHUNK * N_EDGES, CWP // 2)

    s_f = _make_seg(xp_f, ep_f, row2, col2)
    s4 = s_f.reshape(NCHUNK, N_NODES, CWP)

    return _make_post(
        s4, x, w1b_chunks, b1b.reshape(1, HIDDEN),
        W2a[:D_NODE], W2a[D_NODE:], b2a.reshape(1, INPUT_SIZE),
        W2b, b2b.reshape(1, D_NODE))

# --- scband reference (transcript-rebuilt; emitter-appended) ---
"""Pipeline reference for scband-node-model-28630251995777 (READ-ONLY COPY).

The authoritative reference and input builder live on the scoring server;
editing this copy changes nothing except your own understanding.
"""

import jax, jax.numpy as jnp
import numpy as np

N_NODES = 10000
N_EDGES = 160000
D_NODE = 256
D_EDGE = 16
INPUT_SIZE = D_NODE + D_EDGE  # 272
HIDDEN = INPUT_SIZE * 2       # 544

def setup_inputs(seed: int = 0) -> dict:
    key = jax.random.key(seed)
    ks = jax.random.split(key, 12)
    x = jax.random.normal(ks[0], (N_NODES, D_NODE), dtype=jnp.float32)
    edge_index = jax.random.randint(ks[1], (2, N_EDGES), 0, N_NODES, dtype=jnp.int64)
    edge_attr = jax.random.normal(ks[2], (N_EDGES, D_EDGE), dtype=jnp.float32)
    def lin(k, fan_in, fan_out):
        bound = 1.0 / np.sqrt(fan_in)
        kw, kb = jax.random.split(k)
        W = jax.random.uniform(kw, (fan_in, fan_out), minval=-bound, maxval=bound, dtype=jnp.float32)
        b = jax.random.uniform(kb, (fan_out,), minval=-bound, maxval=bound, dtype=jnp.float32)
        return W, b
    W1a, b1a = lin(ks[3], INPUT_SIZE, HIDDEN)
    W1b, b1b = lin(ks[4], HIDDEN, HIDDEN)
    W2a, b2a = lin(ks[5], D_NODE + HIDDEN, INPUT_SIZE)
    W2b, b2b = lin(ks[6], INPUT_SIZE, D_NODE)
    return {"x": x, "edge_index": edge_index, "edge_attr": edge_attr,
            "W1a": W1a, "b1a": b1a, "W1b": W1b, "b1b": b1b,
            "W2a": W2a, "b2a": b2a, "W2b": W2b, "b2b": b2b}

def reference(x, edge_index, edge_attr, W1a, b1a, W1b, b1b, W2a, b2a, W2b, b2b):
    row = edge_index[0]
    col = edge_index[1]
    out = jnp.concatenate([x[row], edge_attr], axis=1)
    out = jnp.maximum(out @ W1a + b1a, 0.0)
    out = out @ W1b + b1b
    sums = jax.ops.segment_sum(out, col, num_segments=x.shape[0])
    counts = jax.ops.segment_sum(jnp.ones((col.shape[0],), dtype=x.dtype), col, num_segments=x.shape[0])
    mean = sums / jnp.clip(counts, 1.0)[:, None]
    out = jnp.concatenate([x, mean], axis=1)
    out = jnp.maximum(out @ W2a + b2a, 0.0)
    return out @ W2b + b2b

if __name__ == "__main__":
    import jax
    _d = setup_inputs()
    print(jax.jit(kernel)(*tuple(_d.values())))

</pallas_src>

<mosaic_0001>
#map = affine_map<(d0, d1) -> (0, 0)>
#map1 = affine_map<(d0, d1) -> (0, 0, 0)>
module attributes {stable_mosaic.version = 14 : i64} {
  func.func @_seg_body(%arg0: i32, %arg1: i32, %arg2: memref<60000x48xf32, #tpu.memory_space<hbm>>, %arg3: memref<960000x48xf32, #tpu.memory_space<hbm>>, %arg4: memref<16x125x80xi32, #tpu.memory_space<hbm>>, %arg5: memref<16x125x80xi32, #tpu.memory_space<hbm>>, %arg6: memref<60000x96xf32, #tpu.memory_space<hbm>>, %arg7: memref<125x80xi32, #tpu.memory_space<vmem>>, %arg8: memref<125x80xi32, #tpu.memory_space<vmem>>, %arg9: memref<80x48xf32, #tpu.memory_space<vmem>>, %arg10: memref<80x48xf32, #tpu.memory_space<vmem>>, %arg11: memref<80x48xf32, #tpu.memory_space<vmem>>, %arg12: memref<80x48xf32, #tpu.memory_space<vmem>>, %arg13: memref<80x96xf32, #tpu.memory_space<vmem>>, %arg14: memref<80x96xf32, #tpu.memory_space<vmem>>, %arg15: memref<125x96xf32, #tpu.memory_space<vmem>>, %arg16: memref<10000x96xf32, #tpu.memory_space<vmem_shared>>, %arg17: memref<!tpu.dma_semaphore, #tpu.memory_space<semaphore_mem>>, %arg18: memref<!tpu.dma_semaphore, #tpu.memory_space<semaphore_mem>>) attributes {dimension_semantics = [#tpu.dimension_semantics<core_parallel>, #tpu.dimension_semantics<subcore_parallel>], iteration_bounds = array<i64: 2, 16>, scalar_prefetch = 0 : i64, scratch_operands = 12 : i64, tpu.core_type = #tpu.core_type<sc_vector_subcore>, window_params = [{transform_indices = #map}, {transform_indices = #map}, {transform_indices = #map1}, {transform_indices = #map1}, {transform_indices = #map}]} {
    %broadcast_in_dim3A = arith.constant 0.000000e+00 : f32
    %broadcast_in_dim3A_0 = vector.broadcast %broadcast_in_dim3A : f32 to vector<16xf32>
    %scan3A = arith.constant 0 : i32
    %scan3A_1 = arith.constant 0 : i32
    %scan3A_2 = arith.constant 125 : i32
    %scan3A_3 = arith.addi %scan3A_1, %scan3A_2 : i32
    %scan3A_4 = arith.constant 1 : i32
    %scan3A_5 = scf.for %scan3A_200 = %scan3A_1 to %scan3A_3 step %scan3A_4 iter_args(%scan3A_201 = %scan3A) -> (i32)  : i32 {
      %swap3A = arith.index_cast %scan3A_200 : i32 to index
      %swap3A_202 = arith.constant 0 : index
      %swap3A_203 = tpu.vector_load %arg15[%swap3A, %swap3A_202] {strides = array<i32>} : memref<125x96xf32, #tpu.memory_space<vmem>>, vector<16xf32>,
      tpu.vector_store %arg15[%swap3A, %swap3A_202], %broadcast_in_dim3A_0 {strides = array<i32>} : memref<125x96xf32, #tpu.memory_space<vmem>>, vector<16xf32>,
      %swap3A_204 = arith.index_cast %scan3A_200 : i32 to index
      %swap3A_205 = arith.constant 16 : index
      %swap3A_206 = tpu.vector_load %arg15[%swap3A_204, %swap3A_205] {strides = array<i32>} : memref<125x96xf32, #tpu.memory_space<vmem>>, vector<16xf32>,
      tpu.vector_store %arg15[%swap3A_204, %swap3A_205], %broadcast_in_dim3A_0 {strides = array<i32>} : memref<125x96xf32, #tpu.memory_space<vmem>>, vector<16xf32>,
      %swap3A_207 = arith.index_cast %scan3A_200 : i32 to index
      %swap3A_208 = arith.constant 32 : index
      %swap3A_209 = tpu.vector_load %arg15[%swap3A_207, %swap3A_208] {strides = array<i32>} : memref<125x96xf32, #tpu.memory_space<vmem>>, vector<16xf32>,
      tpu.vector_store %arg15[%swap3A_207, %swap3A_208], %broadcast_in_dim3A_0 {strides = array<i32>} : memref<125x96xf32, #tpu.memory_space<vmem>>, vector<16xf32>,
      %swap3A_210 = arith.index_cast %scan3A_200 : i32 to index
      %swap3A_211 = arith.constant 48 : index
      %swap3A_212 = tpu.vector_load %arg15[%swap3A_210, %swap3A_211] {strides = array<i32>} : memref<125x96xf32, #tpu.memory_space<vmem>>, vector<16xf32>,
      tpu.vector_store %arg15[%swap3A_210, %swap3A_211], %broadcast_in_dim3A_0 {strides = array<i32>} : memref<125x96xf32, #tpu.memory_space<vmem>>, vector<16xf32>,
      %swap3A_213 = arith.index_cast %scan3A_200 : i32 to index
      %swap3A_214 = arith.constant 64 : index
      %swap3A_215 = tpu.vector_load %arg15[%swap3A_213, %swap3A_214] {strides = array<i32>} : memref<125x96xf32, #tpu.memory_space<vmem>>, vector<16xf32>,
      tpu.vector_store %arg15[%swap3A_213, %swap3A_214], %broadcast_in_dim3A_0 {strides = array<i32>} : memref<125x96xf32, #tpu.memory_space<vmem>>, vector<16xf32>,
      %swap3A_216 = arith.index_cast %scan3A_200 : i32 to index
      %swap3A_217 = arith.constant 80 : index
      %swap3A_218 = tpu.vector_load %arg15[%swap3A_216, %swap3A_217] {strides = array<i32>} : memref<125x96xf32, #tpu.memory_space<vmem>>, vector<16xf32>,
      tpu.vector_store %arg15[%swap3A_216, %swap3A_217], %broadcast_in_dim3A_0 {strides = array<i32>} : memref<125x96xf32, #tpu.memory_space<vmem>>, vector<16xf32>,
      %scan3A_219 = arith.constant 0 : i32
      scf.yield %scan3A_219 : i32
    }
    %scan3A_6 = arith.constant 125 : i32
    %broadcast_in_dim3A_7 = arith.constant -65536 : i32
    %broadcast_in_dim3A_8 = vector.broadcast %broadcast_in_dim3A_7 : i32 to vector<16xi32>
    %mul3A = arith.constant 3 : i32
    %mul3A_9 = arith.muli %mul3A, %arg0 : i32
    %add3A = arith.constant 0 : i32
    %add3A_10 = arith.addi %mul3A_9, %add3A : i32
    %mul3A_11 = arith.constant 625 : i32
    %mul3A_12 = arith.muli %arg1, %mul3A_11 : i32
    %add3A_13 = arith.constant 0 : i32
    %add3A_14 = arith.addi %mul3A_12, %add3A_13 : i32
    "tpu.region"() ({
      %run_scoped3A = tpu.sem_alloc : memref<!tpu.dma_semaphore, #tpu.memory_space<semaphore_mem>>
      %dma_start3A_200 = arith.constant 0 : i32
      %dma_start3A_201 = tpu.memref_slice %arg16[%add3A_14, %dma_start3A_200] : memref<10000x96xf32, #tpu.memory_space<vmem_shared>> -> memref<125x96xf32, #tpu.memory_space<vmem_shared>>
      %dma_start3A_202 = arith.constant 0 : i32
      %dma_start3A_203 = tpu.memref_slice %arg16[%add3A_14, %dma_start3A_202] : memref<10000x96xf32, #tpu.memory_space<vmem_shared>> -> memref<125x96xf32, #tpu.memory_space<vmem_shared>>
      tpu.enqueue_dma source(%arg15 : memref<125x96xf32, #tpu.memory_space<vmem>>) target(%dma_start3A_203 : memref<125x96xf32, #tpu.memory_space<vmem_shared>>) target_semaphore(%run_scoped3A : memref<!tpu.dma_semaphore, #tpu.memory_space<semaphore_mem>>)
      %dma_wait3A = arith.constant 0 : i32
      %dma_wait3A_204 = tpu.memref_slice %arg16[%add3A_14, %dma_wait3A] : memref<10000x96xf32, #tpu.memory_space<vmem_shared>> -> memref<125x96xf32, #tpu.memory_space<vmem_shared>>
      %dma_wait3A_205 = arith.constant 0 : i32
      %dma_wait3A_206 = tpu.memref_slice %arg16[%add3A_14, %dma_wait3A_205] : memref<10000x96xf32, #tpu.memory_space<vmem_shared>> -> memref<125x96xf32, #tpu.memory_space<vmem_shared>>
      tpu.wait_dma2 semaphore(%run_scoped3A : memref<!tpu.dma_semaphore, #tpu.memory_space<semaphore_mem>>) src(%arg15 : memref<125x96xf32, #tpu.memory_space<vmem>>) dst(%dma_wait3A_206 : memref<125x96xf32, #tpu.memory_space<vmem_shared>>)
      tpu.yield
    }) : () -> ()
    %mul3A_15 = arith.constant 625 : i32
    %mul3A_16 = arith.muli %arg1, %mul3A_15 : i32
    %add3A_17 = arith.constant 125 : i32
    %add3A_18 = arith.addi %mul3A_16, %add3A_17 : i32
    "tpu.region"() ({
      %run_scoped3A = tpu.sem_alloc : memref<!tpu.dma_semaphore, #tpu.memory_space<semaphore_mem>>
      %dma_start3A_200 = arith.constant 0 : i32
      %dma_start3A_201 = tpu.memref_slice %arg16[%add3A_18, %dma_start3A_200] : memref<10000x96xf32, #tpu.memory_space<vmem_shared>> -> memref<125x96xf32, #tpu.memory_space<vmem_shared>>
      %dma_start3A_202 = arith.constant 0 : i32
      %dma_start3A_203 = tpu.memref_slice %arg16[%add3A_18, %dma_start3A_202] : memref<10000x96xf32, #tpu.memory_space<vmem_shared>> -> memref<125x96xf32, #tpu.memory_space<vmem_shared>>
      tpu.enqueue_dma source(%arg15 : memref<125x96xf32, #tpu.memory_space<vmem>>) target(%dma_start3A_203 : memref<125x96xf32, #tpu.memory_space<vmem_shared>>) target_semaphore(%run_scoped3A : memref<!tpu.dma_semaphore, #tpu.memory_space<semaphore_mem>>)
      %dma_wait3A = arith.constant 0 : i32
      %dma_wait3A_204 = tpu.memref_slice %arg16[%add3A_18, %dma_wait3A] : memref<10000x96xf32, #tpu.memory_space<vmem_shared>> -> memref<125x96xf32, #tpu.memory_space<vmem_shared>>
      %dma_wait3A_205 = arith.constant 0 : i32
      %dma_wait3A_206 = tpu.memref_slice %arg16[%add3A_18, %dma_wait3A_205] : memref<10000x96xf32, #tpu.memory_space<vmem_shared>> -> memref<125x96xf32, #tpu.memory_space<vmem_shared>>
      tpu.wait_dma2 semaphore(%run_scoped3A : memref<!tpu.dma_semaphore, #tpu.memory_space<semaphore_mem>>) src(%arg15 : memref<125x96xf32, #tpu.memory_space<vmem>>) dst(%dma_wait3A_206 : memref<125x96xf32, #tpu.memory_space<vmem_shared>>)
      tpu.yield
    }) : () -> ()
    %mul3A_19 = arith.constant 625 : i32
    %mul3A_20 = arith.muli %arg1, %mul3A_19 : i32
    %add3A_21 = arith.constant 250 : i32
    %add3A_22 = arith.addi %mul3A_20, %add3A_21 : i32
    "tpu.region"() ({
      %run_scoped3A = tpu.sem_alloc : memref<!tpu.dma_semaphore, #tpu.memory_space<semaphore_mem>>
      %dma_start3A_200 = arith.constant 0 : i32
      %dma_start3A_201 = tpu.memref_slice %arg16[%add3A_22, %dma_start3A_200] : memref<10000x96xf32, #tpu.memory_space<vmem_shared>> -> memref<125x96xf32, #tpu.memory_space<vmem_shared>>
      %dma_start3A_202 = arith.constant 0 : i32
      %dma_start3A_203 = tpu.memref_slice %arg16[%add3A_22, %dma_start3A_202] : memref<10000x96xf32, #tpu.memory_space<vmem_shared>> -> memref<125x96xf32, #tpu.memory_space<vmem_shared>>
      tpu.enqueue_dma source(%arg15 : memref<125x96xf32, #tpu.memory_space<vmem>>) target(%dma_start3A_203 : memref<125x96xf32, #tpu.memory_space<vmem_shared>>) target_semaphore(%run_scoped3A : memref<!tpu.dma_semaphore, #tpu.memory_space<semaphore_mem>>)
      %dma_wait3A = arith.constant 0 : i32
      %dma_wait3A_204 = tpu.memref_slice %arg16[%add3A_22, %dma_wait3A] : memref<10000x96xf32, #tpu.memory_space<vmem_shared>> -> memref<125x96xf32, #tpu.memory_space<vmem_shared>>
      %dma_wait3A_205 = arith.constant 0 : i32
      %dma_wait3A_206 = tpu.memref_slice %arg16[%add3A_22, %dma_wait3A_205] : memref<10000x96xf32, #tpu.memory_space<vmem_shared>> -> memref<125x96xf32, #tpu.memory_space<vmem_shared>>
      tpu.wait_dma2 semaphore(%run_scoped3A : memref<!tpu.dma_semaphore, #tpu.memory_space<semaphore_mem>>) src(%arg15 : memref<125x96xf32, #tpu.memory_space<vmem>>) dst(%dma_wait3A_206 : memref<125x96xf32, #tpu.memory_space<vmem_shared>>)
      tpu.yield
    }) : () -> ()
    %mul3A_23 = arith.constant 625 : i32
    %mul3A_24 = arith.muli %arg1, %mul3A_23 : i32
    %add3A_25 = arith.constant 375 : i32
    %add3A_26 = arith.addi %mul3A_24, %add3A_25 : i32
    "tpu.region"() ({
      %run_scoped3A = tpu.sem_alloc : memref<!tpu.dma_semaphore, #tpu.memory_space<semaphore_mem>>
      %dma_start3A_200 = arith.constant 0 : i32
      %dma_start3A_201 = tpu.memref_slice %arg16[%add3A_26, %dma_start3A_200] : memref<10000x96xf32, #tpu.memory_space<vmem_shared>> -> memref<125x96xf32, #tpu.memory_space<vmem_shared>>
      %dma_start3A_202 = arith.constant 0 : i32
      %dma_start3A_203 = tpu.memref_slice %arg16[%add3A_26, %dma_start3A_202] : memref<10000x96xf32, #tpu.memory_space<vmem_shared>> -> memref<125x96xf32, #tpu.memory_space<vmem_shared>>
      tpu.enqueue_dma source(%arg15 : memref<125x96xf32, #tpu.memory_space<vmem>>) target(%dma_start3A_203 : memref<125x96xf32, #tpu.memory_space<vmem_shared>>) target_semaphore(%run_scoped3A : memref<!tpu.dma_semaphore, #tpu.memory_space<semaphore_mem>>)
      %dma_wait3A = arith.constant 0 : i32
      %dma_wait3A_204 = tpu.memref_slice %arg16[%add3A_26, %dma_wait3A] : memref<10000x96xf32, #tpu.memory_space<vmem_shared>> -> memref<125x96xf32, #tpu.memory_space<vmem_shared>>
      %dma_wait3A_205 = arith.constant 0 : i32
      %dma_wait3A_206 = tpu.memref_slice %arg16[%add3A_26, %dma_wait3A_205] : memref<10000x96xf32, #tpu.memory_space<vmem_shared>> -> memref<125x96xf32, #tpu.memory_space<vmem_shared>>
      tpu.wait_dma2 semaphore(%run_scoped3A : memref<!tpu.dma_semaphore, #tpu.memory_space<semaphore_mem>>) src(%arg15 : memref<125x96xf32, #tpu.memory_space<vmem>>) dst(%dma_wait3A_206 : memref<125x96xf32, #tpu.memory_space<vmem_shared>>)
      tpu.yield
    }) : () -> ()
    %mul3A_27 = arith.constant 625 : i32
    %mul3A_28 = arith.muli %arg1, %mul3A_27 : i32
    %add3A_29 = arith.constant 500 : i32
    %add3A_30 = arith.addi %mul3A_28, %add3A_29 : i32
    "tpu.region"() ({
      %run_scoped3A = tpu.sem_alloc : memref<!tpu.dma_semaphore, #tpu.memory_space<semaphore_mem>>
      %dma_start3A_200 = arith.constant 0 : i32
      %dma_start3A_201 = tpu.memref_slice %arg16[%add3A_30, %dma_start3A_200] : memref<10000x96xf32, #tpu.memory_space<vmem_shared>> -> memref<125x96xf32, #tpu.memory_space<vmem_shared>>
      %dma_start3A_202 = arith.constant 0 : i32
      %dma_start3A_203 = tpu.memref_slice %arg16[%add3A_30, %dma_start3A_202] : memref<10000x96xf32, #tpu.memory_space<vmem_shared>> -> memref<125x96xf32, #tpu.memory_space<vmem_shared>>
      tpu.enqueue_dma source(%arg15 : memref<125x96xf32, #tpu.memory_space<vmem>>) target(%dma_start3A_203 : memref<125x96xf32, #tpu.memory_space<vmem_shared>>) target_semaphore(%run_scoped3A : memref<!tpu.dma_semaphore, #tpu.memory_space<semaphore_mem>>)
      %dma_wait3A = arith.constant 0 : i32
      %dma_wait3A_204 = tpu.memref_slice %arg16[%add3A_30, %dma_wait3A] : memref<10000x96xf32, #tpu.memory_space<vmem_shared>> -> memref<125x96xf32, #tpu.memory_space<vmem_shared>>
      %dma_wait3A_205 = arith.constant 0 : i32
      %dma_wait3A_206 = tpu.memref_slice %arg16[%add3A_30, %dma_wait3A_205] : memref<10000x96xf32, #tpu.memory_space<vmem_shared>> -> memref<125x96xf32, #tpu.memory_space<vmem_shared>>
      tpu.wait_dma2 semaphore(%run_scoped3A : memref<!tpu.dma_semaphore, #tpu.memory_space<semaphore_mem>>) src(%arg15 : memref<125x96xf32, #tpu.memory_space<vmem>>) dst(%dma_wait3A_206 : memref<125x96xf32, #tpu.memory_space<vmem_shared>>)
      tpu.yield
    }) : () -> ()
    "tpu.region"() ({
      %run_scoped3A = tpu.sem_alloc : memref<!tpu.dma_semaphore, #tpu.memory_space<semaphore_mem>>
      %dma_start3A_200 = arith.constant 0 : i32
      %dma_start3A_201 = arith.constant 0 : i32
      %dma_start3A_202 = tpu.memref_slice %arg4[%arg1, %dma_start3A_200, %dma_start3A_201] : memref<16x125x80xi32, #tpu.memory_space<hbm>> -> memref<1x125x80xi32, #tpu.memory_space<hbm>>
      %dma_start3A_203 = tpu.memref_squeeze %dma_start3A_202 : memref<1x125x80xi32, #tpu.memory_space<hbm>> -> memref<125x80xi32, #tpu.memory_space<hbm>>
      %dma_start3A_204 = arith.constant 0 : i32
      %dma_start3A_205 = arith.constant 0 : i32
      %dma_start3A_206 = tpu.memref_slice %arg4[%arg1, %dma_start3A_204, %dma_start3A_205] : memref<16x125x80xi32, #tpu.memory_space<hbm>> -> memref<1x125x80xi32, #tpu.memory_space<hbm>>
      %dma_start3A_207 = tpu.memref_squeeze %dma_start3A_206 : memref<1x125x80xi32, #tpu.memory_space<hbm>> -> memref<125x80xi32, #tpu.memory_space<hbm>>
      tpu.enqueue_dma source(%dma_start3A_207 : memref<125x80xi32, #tpu.memory_space<hbm>>) target(%arg7 : memref<125x80xi32, #tpu.memory_space<vmem>>) target_semaphore(%run_scoped3A : memref<!tpu.dma_semaphore, #tpu.memory_space<semaphore_mem>>)
      %dma_wait3A = arith.constant 0 : i32
      %dma_wait3A_208 = arith.constant 0 : i32
      %dma_wait3A_209 = tpu.memref_slice %arg4[%arg1, %dma_wait3A, %dma_wait3A_208] : memref<16x125x80xi32, #tpu.memory_space<hbm>> -> memref<1x125x80xi32, #tpu.memory_space<hbm>>
      %dma_wait3A_210 = tpu.memref_squeeze %dma_wait3A_209 : memref<1x125x80xi32, #tpu.memory_space<hbm>> -> memref<125x80xi32, #tpu.memory_space<hbm>>
      %dma_wait3A_211 = arith.constant 0 : i32
      %dma_wait3A_212 = arith.constant 0 : i32
      %dma_wait3A_213 = tpu.memref_slice %arg4[%arg1, %dma_wait3A_211, %dma_wait3A_212] : memref<16x125x80xi32, #tpu.memory_space<hbm>> -> memref<1x125x80xi32, #tpu.memory_space<hbm>>
      %dma_wait3A_214 = tpu.memref_squeeze %dma_wait3A_213 : memref<1x125x80xi32, #tpu.memory_space<hbm>> -> memref<125x80xi32, #tpu.memory_space<hbm>>
      tpu.wait_dma2 semaphore(%run_scoped3A : memref<!tpu.dma_semaphore, #tpu.memory_space<semaphore_mem>>) src(%dma_wait3A_214 : memref<125x80xi32, #tpu.memory_space<hbm>>) dst(%arg7 : memref<125x80xi32, #tpu.memory_space<vmem>>)
      tpu.yield
    }) : () -> ()
    "tpu.region"() ({
      %run_scoped3A = tpu.sem_alloc : memref<!tpu.dma_semaphore, #tpu.memory_space<semaphore_mem>>
      %dma_start3A_200 = arith.constant 0 : i32
      %dma_start3A_201 = arith.constant 0 : i32
      %dma_start3A_202 = tpu.memref_slice %arg5[%arg1, %dma_start3A_200, %dma_start3A_201] : memref<16x125x80xi32, #tpu.memory_space<hbm>> -> memref<1x125x80xi32, #tpu.memory_space<hbm>>
      %dma_start3A_203 = tpu.memref_squeeze %dma_start3A_202 : memref<1x125x80xi32, #tpu.memory_space<hbm>> -> memref<125x80xi32, #tpu.memory_space<hbm>>
      %dma_start3A_204 = arith.constant 0 : i32
      %dma_start3A_205 = arith.constant 0 : i32
      %dma_start3A_206 = tpu.memref_slice %arg5[%arg1, %dma_start3A_204, %dma_start3A_205] : memref<16x125x80xi32, #tpu.memory_space<hbm>> -> memref<1x125x80xi32, #tpu.memory_space<hbm>>
      %dma_start3A_207 = tpu.memref_squeeze %dma_start3A_206 : memref<1x125x80xi32, #tpu.memory_space<hbm>> -> memref<125x80xi32, #tpu.memory_space<hbm>>
      tpu.enqueue_dma source(%dma_start3A_207 : memref<125x80xi32, #tpu.memory_space<hbm>>) target(%arg8 : memref<125x80xi32, #tpu.memory_space<vmem>>) target_semaphore(%run_scoped3A : memref<!tpu.dma_semaphore, #tpu.memory_space<semaphore_mem>>)
      %dma_wait3A = arith.constant 0 : i32
      %dma_wait3A_208 = arith.constant 0 : i32
      %dma_wait3A_209 = tpu.memref_slice %arg5[%arg1, %dma_wait3A, %dma_wait3A_208] : memref<16x125x80xi32, #tpu.memory_space<hbm>> -> memref<1x125x80xi32, #tpu.memory_space<hbm>>
      %dma_wait3A_210 = tpu.memref_squeeze %dma_wait3A_209 : memref<1x125x80xi32, #tpu.memory_space<hbm>> -> memref<125x80xi32, #tpu.memory_space<hbm>>
      %dma_wait3A_211 = arith.constant 0 : i32
      %dma_wait3A_212 = arith.constant 0 : i32
      %dma_wait3A_213 = tpu.memref_slice %arg5[%arg1, %dma_wait3A_211, %dma_wait3A_212] : memref<16x125x80xi32, #tpu.memory_space<hbm>> -> memref<1x125x80xi32, #tpu.memory_space<hbm>>
      %dma_wait3A_214 = tpu.memref_squeeze %dma_wait3A_213 : memref<1x125x80xi32, #tpu.memory_space<hbm>> -> memref<125x80xi32, #tpu.memory_space<hbm>>
      tpu.wait_dma2 semaphore(%run_scoped3A : memref<!tpu.dma_semaphore, #tpu.memory_space<semaphore_mem>>) src(%dma_wait3A_214 : memref<125x80xi32, #tpu.memory_space<hbm>>) dst(%arg8 : memref<125x80xi32, #tpu.memory_space<vmem>>)
      tpu.yield
    }) : () -> ()
    %scan3A_31 = arith.constant 0 : i32
    %scan3A_32 = arith.constant 0 : i32
    %scan3A_33 = arith.constant 125 : i32
    %scan3A_34 = arith.addi %scan3A_32, %scan3A_33 : i32
    %scan3A_35 = arith.constant 1 : i32
    %scan3A_36 = scf.for %scan3A_200 = %scan3A_32 to %scan3A_34 step %scan3A_35 iter_args(%scan3A_201 = %scan3A_31) -> (i32)  : i32 {
      %get3A = arith.index_cast %scan3A_200 : i32 to index
      %get3A_202 = arith.constant 0 : index
      %get3A_203 = tpu.vector_load %arg7[%get3A, %get3A_202] {strides = array<i32>} : memref<125x80xi32, #tpu.memory_space<vmem>>, vector<16xi32>,
      %mul3A_204 = arith.constant 6 : i32
      %mul3A_205 = vector.broadcast %mul3A_204 : i32 to vector<16xi32>
      %mul3A_206 = arith.muli %get3A_203, %mul3A_205 : vector<16xi32>
      %add3A_207 = vector.broadcast %add3A_10 : i32 to vector<16xi32>
      %add3A_208 = arith.addi %mul3A_206, %add3A_207 : vector<16xi32>
      %swap3A = arith.index_cast %scan3A_200 : i32 to index
      %swap3A_209 = arith.constant 0 : index
      %swap3A_210 = tpu.vector_load %arg7[%swap3A, %swap3A_209] {strides = array<i32>} : memref<125x80xi32, #tpu.memory_space<vmem>>, vector<16xi32>,
      tpu.vector_store %arg7[%swap3A, %swap3A_209], %add3A_208 {strides = array<i32>} : memref<125x80xi32, #tpu.memory_space<vmem>>, vector<16xi32>,
      %get3A_211 = arith.index_cast %scan3A_200 : i32 to index
      %get3A_212 = arith.constant 16 : index
      %get3A_213 = tpu.vector_load %arg7[%get3A_211, %get3A_212] {strides = array<i32>} : memref<125x80xi32, #tpu.memory_space<vmem>>, vector<16xi32>,
      %mul3A_214 = arith.constant 6 : i32
      %mul3A_215 = vector.broadcast %mul3A_214 : i32 to vector<16xi32>
      %mul3A_216 = arith.muli %get3A_213, %mul3A_215 : vector<16xi32>
      %add3A_217 = vector.broadcast %add3A_10 : i32 to vector<16xi32>
      %add3A_218 = arith.addi %mul3A_216, %add3A_217 : vector<16xi32>
      %swap3A_219 = arith.index_cast %scan3A_200 : i32 to index
      %swap3A_220 = arith.constant 16 : index
      %swap3A_221 = tpu.vector_load %arg7[%swap3A_219, %swap3A_220] {strides = array<i32>} : memref<125x80xi32, #tpu.memory_space<vmem>>, vector<16xi32>,
      tpu.vector_store %arg7[%swap3A_219, %swap3A_220], %add3A_218 {strides = array<i32>} : memref<125x80xi32, #tpu.memory_space<vmem>>, vector<16xi32>,
      %get3A_222 = arith.index_cast %scan3A_200 : i32 to index
      %get3A_223 = arith.constant 32 : index
      %get3A_224 = tpu.vector_load %arg7[%get3A_222, %get3A_223] {strides = array<i32>} : memref<125x80xi32, #tpu.memory_space<vmem>>, vector<16xi32>,
      %mul3A_225 = arith.constant 6 : i32
      %mul3A_226 = vector.broadcast %mul3A_225 : i32 to vector<16xi32>
      %mul3A_227 = arith.muli %get3A_224, %mul3A_226 : vector<16xi32>
      %add3A_228 = vector.broadcast %add3A_10 : i32 to vector<16xi32>
      %add3A_229 = arith.addi %mul3A_227, %add3A_228 : vector<16xi32>
      %swap3A_230 = arith.index_cast %scan3A_200 : i32 to index
      %swap3A_231 = arith.constant 32 : index
      %swap3A_232 = tpu.vector_load %arg7[%swap3A_230, %swap3A_231] {strides = array<i32>} : memref<125x80xi32, #tpu.memory_space<vmem>>, vector<16xi32>,
      tpu.vector_store %arg7[%swap3A_230, %swap3A_231], %add3A_229 {strides = array<i32>} : memref<125x80xi32, #tpu.memory_space<vmem>>, vector<16xi32>,
      %get3A_233 = arith.index_cast %scan3A_200 : i32 to index
      %get3A_234 = arith.constant 48 : index
      %get3A_235 = tpu.vector_load %arg7[%get3A_233, %get3A_234] {strides = array<i32>} : memref<125x80xi32, #tpu.memory_space<vmem>>, vector<16xi32>,
      %mul3A_236 = arith.constant 6 : i32
      %mul3A_237 = vector.broadcast %mul3A_236 : i32 to vector<16xi32>
      %mul3A_238 = arith.muli %get3A_235, %mul3A_237 : vector<16xi32>
      %add3A_239 = vector.broadcast %add3A_10 : i32 to vector<16xi32>
      %add3A_240 = arith.addi %mul3A_238, %add3A_239 : vector<16xi32>
      %swap3A_241 = arith.index_cast %scan3A_200 : i32 to index
      %swap3A_242 = arith.constant 48 : index
      %swap3A_243 = tpu.vector_load %arg7[%swap3A_241, %swap3A_242] {strides = array<i32>} : memref<125x80xi32, #tpu.memory_space<vmem>>, vector<16xi32>,
      tpu.vector_store %arg7[%swap3A_241, %swap3A_242], %add3A_240 {strides = array<i32>} : memref<125x80xi32, #tpu.memory_space<vmem>>, vector<16xi32>,
      %get3A_244 = arith.index_cast %scan3A_200 : i32 to index
      %get3A_245 = arith.constant 64 : index
      %get3A_246 = tpu.vector_load %arg7[%get3A_244, %get3A_245] {strides = array<i32>} : memref<125x80xi32, #tpu.memory_space<vmem>>, vector<16xi32>,
      %mul3A_247 = arith.constant 6 : i32
      %mul3A_248 = vector.broadcast %mul3A_247 : i32 to vector<16xi32>
      %mul3A_249 = arith.muli %get3A_246, %mul3A_248 : vector<16xi32>
      %add3A_250 = vector.broadcast %add3A_10 : i32 to vector<16xi32>
      %add3A_251 = arith.addi %mul3A_249, %add3A_250 : vector<16xi32>
      %swap3A_252 = arith.index_cast %scan3A_200 : i32 to index
      %swap3A_253 = arith.constant 64 : index
      %swap3A_254 = tpu.vector_load %arg7[%swap3A_252, %swap3A_253] {strides = array<i32>} : memref<125x80xi32, #tpu.memory_space<vmem>>, vector<16xi32>,
      tpu.vector_store %arg7[%swap3A_252, %swap3A_253], %add3A_251 {strides = array<i32>} : memref<125x80xi32, #tpu.memory_space<vmem>>, vector<16xi32>,
      %scan3A_255 = arith.constant 0 : i32
      scf.yield %scan3A_255 : i32
    }
    %scan3A_37 = arith.constant 125 : i32
    %barrier3A = arith.constant 0 : index
    tpu.barrier barrier_id(%barrier3A)
    %dma_start3A = arith.constant 0 : i32
    %dma_start3A_38 = arith.constant 0 : i32
    %dma_start3A_39 = tpu.memref_slice %arg7[%dma_start3A, %dma_start3A_38] : memref<125x80xi32, #tpu.memory_space<vmem>> -> memref<1x80xi32, #tpu.memory_space<vmem>>
    %dma_start3A_40 = tpu.memref_squeeze %dma_start3A_39 : memref<1x80xi32, #tpu.memory_space<vmem>> -> memref<80xi32, #tpu.memory_space<vmem>>
    %dma_start3A_41 = arith.constant 0 : i32
    %dma_start3A_42 = arith.constant 0 : i32
    %dma_start3A_43 = tpu.memref_slice %arg2[%dma_start3A_41, %dma_start3A_42] : memref<60000x48xf32, #tpu.memory_space<hbm>> -> memref<60000x48xf32, #tpu.memory_space<hbm>>
    tpu.enqueue_indirect_dma source(%dma_start3A_43 : memref<60000x48xf32, #tpu.memory_space<hbm>>) target(%arg9 : memref<80x48xf32, #tpu.memory_space<vmem>>) offsets(%dma_start3A_40 : memref<80xi32, #tpu.memory_space<vmem>>) semaphore(%arg17 : memref<!tpu.dma_semaphore, #tpu.memory_space<semaphore_mem>>)
    %mul3A_44 = arith.constant 160000 : i32
    %mul3A_45 = arith.muli %add3A_10, %mul3A_44 : i32
    %mul3A_46 = arith.constant 10000 : i32
    %mul3A_47 = arith.muli %arg1, %mul3A_46 : i32
    %add3A_48 = arith.addi %mul3A_45, %mul3A_47 : i32
    %add3A_49 = arith.constant 0 : i32
    %add3A_50 = arith.addi %add3A_48, %add3A_49 : i32
    %dma_start3A_51 = arith.constant 0 : i32
    %dma_start3A_52 = tpu.memref_slice %arg3[%add3A_50, %dma_start3A_51] : memref<960000x48xf32, #tpu.memory_space<hbm>> -> memref<80x48xf32, #tpu.memory_space<hbm>>
    %dma_start3A_53 = arith.constant 0 : i32
    %dma_start3A_54 = tpu.memref_slice %arg3[%add3A_50, %dma_start3A_53] : memref<960000x48xf32, #tpu.memory_space<hbm>> -> memref<80x48xf32, #tpu.memory_space<hbm>>
    tpu.enqueue_dma source(%dma_start3A_54 : memref<80x48xf32, #tpu.memory_space<hbm>>) target(%arg11 : memref<80x48xf32, #tpu.memory_space<vmem>>) target_semaphore(%arg17 : memref<!tpu.dma_semaphore, #tpu.memory_space<semaphore_mem>>)
    %scan3A_55 = arith.constant 0 : i32
    %scan3A_56 = arith.constant 0 : i32
    %scan3A_57 = arith.constant 125 : i32
    %scan3A_58 = arith.addi %scan3A_56, %scan3A_57 : i32
    %scan3A_59 = arith.constant 1 : i32
    %scan3A_60 = scf.for %scan3A_200 = %scan3A_56 to %scan3A_58 step %scan3A_59 iter_args(%scan3A_201 = %scan3A_55) -> (i32)  : i32 {
      %rem3A = arith.constant 2 : i32
      %rem3A_202 = arith.remsi %scan3A_200, %rem3A : i32
      %eq3A = arith.constant 0 : i32
      %eq3A_203 = arith.cmpi eq, %rem3A_202, %eq3A : i32
      %convert_element_type3A = arith.extui %eq3A_203 : i1 to i32
      %cond3A = arith.constant 0 : i32
      %cond3A_204 = arith.cmpi ne, %convert_element_type3A, %cond3A : i32
      scf.if %cond3A_204 {
        %dma_wait3A = arith.constant 0 : i32
        %dma_wait3A_213 = arith.constant 0 : i32
        %dma_wait3A_214 = tpu.memref_slice %arg3[%dma_wait3A, %dma_wait3A_213] : memref<960000x48xf32, #tpu.memory_space<hbm>> -> memref<80x48xf32, #tpu.memory_space<hbm>>
        %dma_wait3A_215 = arith.constant 0 : i32
        %dma_wait3A_216 = arith.constant 0 : i32
        %dma_wait3A_217 = tpu.memref_slice %arg3[%dma_wait3A_215, %dma_wait3A_216] : memref<960000x48xf32, #tpu.memory_space<hbm>> -> memref<80x48xf32, #tpu.memory_space<hbm>>
        tpu.wait_dma2 semaphore(%arg17 : memref<!tpu.dma_semaphore, #tpu.memory_space<semaphore_mem>>) src(%dma_wait3A_217 : memref<80x48xf32, #tpu.memory_space<hbm>>) dst(%arg9 : memref<80x48xf32, #tpu.memory_space<vmem>>)
        %dma_wait3A_218 = arith.constant 0 : i32
        %dma_wait3A_219 = arith.constant 0 : i32
        %dma_wait3A_220 = tpu.memref_slice %arg3[%dma_wait3A_218, %dma_wait3A_219] : memref<960000x48xf32, #tpu.memory_space<hbm>> -> memref<80x48xf32, #tpu.memory_space<hbm>>
        %dma_wait3A_221 = arith.constant 0 : i32
        %dma_wait3A_222 = arith.constant 0 : i32
        %dma_wait3A_223 = tpu.memref_slice %arg3[%dma_wait3A_221, %dma_wait3A_222] : memref<960000x48xf32, #tpu.memory_space<hbm>> -> memref<80x48xf32, #tpu.memory_space<hbm>>
        tpu.wait_dma2 semaphore(%arg17 : memref<!tpu.dma_semaphore, #tpu.memory_space<semaphore_mem>>) src(%dma_wait3A_223 : memref<80x48xf32, #tpu.memory_space<hbm>>) dst(%arg11 : memref<80x48xf32, #tpu.memory_space<vmem>>)
        %lt3A = arith.constant 124 : i32
        %lt3A_224 = arith.cmpi slt, %scan3A_200, %lt3A : i32
        %convert_element_type3A_225 = arith.extui %lt3A_224 : i1 to i32
        %cond3A_226 = arith.constant 0 : i32
        %cond3A_227 = arith.cmpi ne, %convert_element_type3A_225, %cond3A_226 : i32
        scf.if %cond3A_227 {
          %add3A_235 = arith.constant 1 : i32
          %add3A_236 = arith.addi %scan3A_200, %add3A_235 : i32
          %dma_start3A_237 = arith.constant 0 : i32
          %dma_start3A_238 = tpu.memref_slice %arg7[%add3A_236, %dma_start3A_237] : memref<125x80xi32, #tpu.memory_space<vmem>> -> memref<1x80xi32, #tpu.memory_space<vmem>>
          %dma_start3A_239 = tpu.memref_squeeze %dma_start3A_238 : memref<1x80xi32, #tpu.memory_space<vmem>> -> memref<80xi32, #tpu.memory_space<vmem>>
          %dma_start3A_240 = arith.constant 0 : i32
          %dma_start3A_241 = arith.constant 0 : i32
          %dma_start3A_242 = tpu.memref_slice %arg2[%dma_start3A_240, %dma_start3A_241] : memref<60000x48xf32, #tpu.memory_space<hbm>> -> memref<60000x48xf32, #tpu.memory_space<hbm>>
          tpu.enqueue_indirect_dma source(%dma_start3A_242 : memref<60000x48xf32, #tpu.memory_space<hbm>>) target(%arg10 : memref<80x48xf32, #tpu.memory_space<vmem>>) offsets(%dma_start3A_239 : memref<80xi32, #tpu.memory_space<vmem>>) semaphore(%arg18 : memref<!tpu.dma_semaphore, #tpu.memory_space<semaphore_mem>>)
          %mul3A_243 = arith.constant 160000 : i32
          %mul3A_244 = arith.muli %add3A_10, %mul3A_243 : i32
          %mul3A_245 = arith.constant 10000 : i32
          %mul3A_246 = arith.muli %arg1, %mul3A_245 : i32
          %add3A_247 = arith.addi %mul3A_244, %mul3A_246 : i32
          %mul3A_248 = arith.constant 80 : i32
          %mul3A_249 = arith.muli %add3A_236, %mul3A_248 : i32
          %add3A_250 = arith.addi %add3A_247, %mul3A_249 : i32
          %dma_start3A_251 = arith.constant 0 : i32
          %dma_start3A_252 = tpu.memref_slice %arg3[%add3A_250, %dma_start3A_251] : memref<960000x48xf32, #tpu.memory_space<hbm>> -> memref<80x48xf32, #tpu.memory_space<hbm>>
          %dma_start3A_253 = arith.constant 0 : i32
          %dma_start3A_254 = tpu.memref_slice %arg3[%add3A_250, %dma_start3A_253] : memref<960000x48xf32, #tpu.memory_space<hbm>> -> memref<80x48xf32, #tpu.memory_space<hbm>>
          tpu.enqueue_dma source(%dma_start3A_254 : memref<80x48xf32, #tpu.memory_space<hbm>>) target(%arg12 : memref<80x48xf32, #tpu.memory_space<vmem>>) target_semaphore(%arg18 : memref<!tpu.dma_semaphore, #tpu.memory_space<semaphore_mem>>)
        } else {
        }
        %scan3A_228 = arith.constant 0 : i32
        %scan3A_229 = arith.constant 0 : i32
        %scan3A_230 = arith.constant 80 : i32
        %scan3A_231 = arith.addi %scan3A_229, %scan3A_230 : i32
        %scan3A_232 = arith.constant 1 : i32
        %scan3A_233 = scf.for %scan3A_235 = %scan3A_229 to %scan3A_231 step %scan3A_232 iter_args(%scan3A_236 = %scan3A_228) -> (i32)  : i32 {
          %get3A = arith.index_cast %scan3A_235 : i32 to index
          %get3A_237 = arith.constant 0 : index
          %get3A_238 = tpu.vector_load %arg9[%get3A, %get3A_237] {strides = array<i32>} : memref<80x48xf32, #tpu.memory_space<vmem>>, vector<16xf32>,
          %bitcast3A = vector.bitcast %get3A_238 : vector<16xf32> to vector<16xi32>
          %shift_left3A = arith.constant 16 : i32
          %shift_left3A_239 = vector.broadcast %shift_left3A : i32 to vector<16xi32>
          %shift_left3A_240 = arith.shli %bitcast3A, %shift_left3A_239 : vector<16xi32>
          %bitcast3A_241 = vector.bitcast %shift_left3A_240 : vector<16xi32> to vector<16xf32>
          %and3A = arith.andi %bitcast3A, %broadcast_in_dim3A_8 : vector<16xi32>
          %bitcast3A_242 = vector.bitcast %and3A : vector<16xi32> to vector<16xf32>
          %get3A_243 = arith.index_cast %scan3A_235 : i32 to index
          %get3A_244 = arith.constant 0 : index
          %get3A_245 = tpu.vector_load %arg11[%get3A_243, %get3A_244] {strides = array<i32>} : memref<80x48xf32, #tpu.memory_space<vmem>>, vector<16xf32>,
          %bitcast3A_246 = vector.bitcast %get3A_245 : vector<16xf32> to vector<16xi32>
          %shift_left3A_247 = arith.constant 16 : i32
          %shift_left3A_248 = vector.broadcast %shift_left3A_247 : i32 to vector<16xi32>
          %shift_left3A_249 = arith.shli %bitcast3A_246, %shift_left3A_248 : vector<16xi32>
          %bitcast3A_250 = vector.bitcast %shift_left3A_249 : vector<16xi32> to vector<16xf32>
          %and3A_251 = arith.andi %bitcast3A_246, %broadcast_in_dim3A_8 : vector<16xi32>
          %bitcast3A_252 = vector.bitcast %and3A_251 : vector<16xi32> to vector<16xf32>
          %add3A_253 = arith.addf %bitcast3A_241, %bitcast3A_250 : vector<16xf32>
          %max3A = arith.constant 0.000000e+00 : f32
          %max3A_254 = vector.broadcast %max3A : f32 to vector<16xf32>
          %max3A_255 = arith.maximumf %add3A_253, %max3A_254 : vector<16xf32>
          %swap3A = arith.index_cast %scan3A_235 : i32 to index
          %swap3A_256 = arith.constant 0 : index
          %swap3A_257 = tpu.vector_load %arg13[%swap3A, %swap3A_256] {strides = array<i32>} : memref<80x96xf32, #tpu.memory_space<vmem>>, vector<16xf32>,
          tpu.vector_store %arg13[%swap3A, %swap3A_256], %max3A_255 {strides = array<i32>} : memref<80x96xf32, #tpu.memory_space<vmem>>, vector<16xf32>,
          %add3A_258 = arith.addf %bitcast3A_242, %bitcast3A_252 : vector<16xf32>
          %max3A_259 = arith.constant 0.000000e+00 : f32
          %max3A_260 = vector.broadcast %max3A_259 : f32 to vector<16xf32>
          %max3A_261 = arith.maximumf %add3A_258, %max3A_260 : vector<16xf32>
          %swap3A_262 = arith.index_cast %scan3A_235 : i32 to index
          %swap3A_263 = arith.constant 16 : index
          %swap3A_264 = tpu.vector_load %arg13[%swap3A_262, %swap3A_263] {strides = array<i32>} : memref<80x96xf32, #tpu.memory_space<vmem>>, vector<16xf32>,
          tpu.vector_store %arg13[%swap3A_262, %swap3A_263], %max3A_261 {strides = array<i32>} : memref<80x96xf32, #tpu.memory_space<vmem>>, vector<16xf32>,
          %get3A_265 = arith.index_cast %scan3A_235 : i32 to index
          %get3A_266 = arith.constant 16 : index
          %get3A_267 = tpu.vector_load %arg9[%get3A_265, %get3A_266] {strides = array<i32>} : memref<80x48xf32, #tpu.memory_space<vmem>>, vector<16xf32>,
          %bitcast3A_268 = vector.bitcast %get3A_267 : vector<16xf32> to vector<16xi32>
          %shift_left3A_269 = arith.constant 16 : i32
          %shift_left3A_270 = vector.broadcast %shift_left3A_269 : i32 to vector<16xi32>
          %shift_left3A_271 = arith.shli %bitcast3A_268, %shift_left3A_270 : vector<16xi32>
          %bitcast3A_272 = vector.bitcast %shift_left3A_271 : vector<16xi32> to vector<16xf32>
          %and3A_273 = arith.andi %bitcast3A_268, %broadcast_in_dim3A_8 : vector<16xi32>
          %bitcast3A_274 = vector.bitcast %and3A_273 : vector<16xi32> to vector<16xf32>
          %get3A_275 = arith.index_cast %scan3A_235 : i32 to index
          %get3A_276 = arith.constant 16 : index
          %get3A_277 = tpu.vector_load %arg11[%get3A_275, %get3A_276] {strides = array<i32>} : memref<80x48xf32, #tpu.memory_space<vmem>>, vector<16xf32>,
          %bitcast3A_278 = vector.bitcast %get3A_277 : vector<16xf32> to vector<16xi32>
          %shift_left3A_279 = arith.constant 16 : i32
          %shift_left3A_280 = vector.broadcast %shift_left3A_279 : i32 to vector<16xi32>
          %shift_left3A_281 = arith.shli %bitcast3A_278, %shift_left3A_280 : vector<16xi32>
          %bitcast3A_282 = vector.bitcast %shift_left3A_281 : vector<16xi32> to vector<16xf32>
          %and3A_283 = arith.andi %bitcast3A_278, %broadcast_in_dim3A_8 : vector<16xi32>
          %bitcast3A_284 = vector.bitcast %and3A_283 : vector<16xi32> to vector<16xf32>
          %add3A_285 = arith.addf %bitcast3A_272, %bitcast3A_282 : vector<16xf32>
          %max3A_286 = arith.constant 0.000000e+00 : f32
          %max3A_287 = vector.broadcast %max3A_286 : f32 to vector<16xf32>
          %max3A_288 = arith.maximumf %add3A_285, %max3A_287 : vector<16xf32>
          %swap3A_289 = arith.index_cast %scan3A_235 : i32 to index
          %swap3A_290 = arith.constant 32 : index
          %swap3A_291 = tpu.vector_load %arg13[%swap3A_289, %swap3A_290] {strides = array<i32>} : memref<80x96xf32, #tpu.memory_space<vmem>>, vector<16xf32>,
          tpu.vector_store %arg13[%swap3A_289, %swap3A_290], %max3A_288 {strides = array<i32>} : memref<80x96xf32, #tpu.memory_space<vmem>>, vector<16xf32>,
          %add3A_292 = arith.addf %bitcast3A_274, %bitcast3A_284 : vector<16xf32>
          %max3A_293 = arith.constant 0.000000e+00 : f32
          %max3A_294 = vector.broadcast %max3A_293 : f32 to vector<16xf32>
          %max3A_295 = arith.maximumf %add3A_292, %max3A_294 : vector<16xf32>
          %swap3A_296 = arith.index_cast %scan3A_235 : i32 to index
          %swap3A_297 = arith.constant 48 : index
          %swap3A_298 = tpu.vector_load %arg13[%swap3A_296, %swap3A_297] {strides = array<i32>} : memref<80x96xf32, #tpu.memory_space<vmem>>, vector<16xf32>,
          tpu.vector_store %arg13[%swap3A_296, %swap3A_297], %max3A_295 {strides = array<i32>} : memref<80x96xf32, #tpu.memory_space<vmem>>, vector<16xf32>,
          %get3A_299 = arith.index_cast %scan3A_235 : i32 to index
          %get3A_300 = arith.constant 32 : index
          %get3A_301 = tpu.vector_load %arg9[%get3A_299, %get3A_300] {strides = array<i32>} : memref<80x48xf32, #tpu.memory_space<vmem>>, vector<16xf32>,
          %bitcast3A_302 = vector.bitcast %get3A_301 : vector<16xf32> to vector<16xi32>
          %shift_left3A_303 = arith.constant 16 : i32
          %shift_left3A_304 = vector.broadcast %shift_left3A_303 : i32 to vector<16xi32>
          %shift_left3A_305 = arith.shli %bitcast3A_302, %shift_left3A_304 : vector<16xi32>
          %bitcast3A_306 = vector.bitcast %shift_left3A_305 : vector<16xi32> to vector<16xf32>
          %and3A_307 = arith.andi %bitcast3A_302, %broadcast_in_dim3A_8 : vector<16xi32>
          %bitcast3A_308 = vector.bitcast %and3A_307 : vector<16xi32> to vector<16xf32>
          %get3A_309 = arith.index_cast %scan3A_235 : i32 to index
          %get3A_310 = arith.constant 32 : index
          %get3A_311 = tpu.vector_load %arg11[%get3A_309, %get3A_310] {strides = array<i32>} : memref<80x48xf32, #tpu.memory_space<vmem>>, vector<16xf32>,
          %bitcast3A_312 = vector.bitcast %get3A_311 : vector<16xf32> to vector<16xi32>
          %shift_left3A_313 = arith.constant 16 : i32
          %shift_left3A_314 = vector.broadcast %shift_left3A_313 : i32 to vector<16xi32>
          %shift_left3A_315 = arith.shli %bitcast3A_312, %shift_left3A_314 : vector<16xi32>
          %bitcast3A_316 = vector.bitcast %shift_left3A_315 : vector<16xi32> to vector<16xf32>
          %and3A_317 = arith.andi %bitcast3A_312, %broadcast_in_dim3A_8 : vector<16xi32>
          %bitcast3A_318 = vector.bitcast %and3A_317 : vector<16xi32> to vector<16xf32>
          %add3A_319 = arith.addf %bitcast3A_306, %bitcast3A_316 : vector<16xf32>
          %max3A_320 = arith.constant 0.000000e+00 : f32
          %max3A_321 = vector.broadcast %max3A_320 : f32 to vector<16xf32>
          %max3A_322 = arith.maximumf %add3A_319, %max3A_321 : vector<16xf32>
          %swap3A_323 = arith.index_cast %scan3A_235 : i32 to index
          %swap3A_324 = arith.constant 64 : index
          %swap3A_325 = tpu.vector_load %arg13[%swap3A_323, %swap3A_324] {strides = array<i32>} : memref<80x96xf32, #tpu.memory_space<vmem>>, vector<16xf32>,
          tpu.vector_store %arg13[%swap3A_323, %swap3A_324], %max3A_322 {strides = array<i32>} : memref<80x96xf32, #tpu.memory_space<vmem>>, vector<16xf32>,
          %add3A_326 = arith.addf %bitcast3A_308, %bitcast3A_318 : vector<16xf32>
          %max3A_327 = arith.constant 0.000000e+00 : f32
          %max3A_328 = vector.broadcast %max3A_327 : f32 to vector<16xf32>
          %max3A_329 = arith.maximumf %add3A_326, %max3A_328 : vector<16xf32>
          %swap3A_330 = arith.index_cast %scan3A_235 : i32 to index
          %swap3A_331 = arith.constant 80 : index
          %swap3A_332 = tpu.vector_load %arg13[%swap3A_330, %swap3A_331] {strides = array<i32>} : memref<80x96xf32, #tpu.memory_space<vmem>>, vector<16xf32>,
          tpu.vector_store %arg13[%swap3A_330, %swap3A_331], %max3A_329 {strides = array<i32>} : memref<80x96xf32, #tpu.memory_space<vmem>>, vector<16xf32>,
          %scan3A_333 = arith.constant 0 : i32
          scf.yield %scan3A_333 : i32
        }
        %scan3A_234 = arith.constant 80 : i32
        "tpu.region"() ({
          %run_scoped3A = tpu.sem_alloc : memref<!tpu.dma_semaphore, #tpu.memory_space<semaphore_mem>>
          %dma_start3A_235 = arith.constant 0 : i32
          %dma_start3A_236 = tpu.memref_slice %arg8[%scan3A_200, %dma_start3A_235] : memref<125x80xi32, #tpu.memory_space<vmem>> -> memref<1x80xi32, #tpu.memory_space<vmem>>
          %dma_start3A_237 = tpu.memref_squeeze %dma_start3A_236 : memref<1x80xi32, #tpu.memory_space<vmem>> -> memref<80xi32, #tpu.memory_space<vmem>>
          %dma_start3A_238 = arith.constant 0 : i32
          %dma_start3A_239 = arith.constant 0 : i32
          %dma_start3A_240 = tpu.memref_slice %arg16[%dma_start3A_238, %dma_start3A_239] : memref<10000x96xf32, #tpu.memory_space<vmem_shared>> -> memref<10000x96xf32, #tpu.memory_space<vmem_shared>>
          tpu.enqueue_indirect_dma source(%arg13 : memref<80x96xf32, #tpu.memory_space<vmem>>) target(%dma_start3A_240 : memref<10000x96xf32, #tpu.memory_space<vmem_shared>>) offsets(%dma_start3A_237 : memref<80xi32, #tpu.memory_space<vmem>>) semaphore(%run_scoped3A : memref<!tpu.dma_semaphore, #tpu.memory_space<semaphore_mem>>) {add = true}
          %dma_wait3A_241 = arith.constant 0 : i32
          %dma_wait3A_242 = tpu.memref_slice %arg8[%scan3A_200, %dma_wait3A_241] : memref<125x80xi32, #tpu.memory_space<vmem>> -> memref<1x80xi32, #tpu.memory_space<vmem>>
          %dma_wait3A_243 = tpu.memref_squeeze %dma_wait3A_242 : memref<1x80xi32, #tpu.memory_space<vmem>> -> memref<80xi32, #tpu.memory_space<vmem>>
          %dma_wait3A_244 = arith.constant 0 : i32
          %dma_wait3A_245 = arith.constant 0 : i32
          %dma_wait3A_246 = tpu.memref_slice %arg16[%dma_wait3A_244, %dma_wait3A_245] : memref<10000x96xf32, #tpu.memory_space<vmem_shared>> -> memref<10000x96xf32, #tpu.memory_space<vmem_shared>>
          tpu.wait_indirect_dma semaphore(%run_scoped3A : memref<!tpu.dma_semaphore, #tpu.memory_space<semaphore_mem>>) src(%arg13 : memref<80x96xf32, #tpu.memory_space<vmem>>) dst(%dma_wait3A_246 : memref<10000x96xf32, #tpu.memory_space<vmem_shared>>)
          tpu.yield
        }) : () -> ()
      } else {
      }
      %rem3A_205 = arith.constant 2 : i32
      %rem3A_206 = arith.remsi %scan3A_200, %rem3A_205 : i32
      %eq3A_207 = arith.constant 1 : i32
      %eq3A_208 = arith.cmpi eq, %rem3A_206, %eq3A_207 : i32
      %convert_element_type3A_209 = arith.extui %eq3A_208 : i1 to i32
      %cond3A_210 = arith.constant 0 : i32
      %cond3A_211 = arith.cmpi ne, %convert_element_type3A_209, %cond3A_210 : i32
      scf.if %cond3A_211 {
        %dma_wait3A = arith.constant 0 : i32
        %dma_wait3A_213 = arith.constant 0 : i32
        %dma_wait3A_214 = tpu.memref_slice %arg3[%dma_wait3A, %dma_wait3A_213] : memref<960000x48xf32, #tpu.memory_space<hbm>> -> memref<80x48xf32, #tpu.memory_space<hbm>>
        %dma_wait3A_215 = arith.constant 0 : i32
        %dma_wait3A_216 = arith.constant 0 : i32
        %dma_wait3A_217 = tpu.memref_slice %arg3[%dma_wait3A_215, %dma_wait3A_216] : memref<960000x48xf32, #tpu.memory_space<hbm>> -> memref<80x48xf32, #tpu.memory_space<hbm>>
        tpu.wait_dma2 semaphore(%arg18 : memref<!tpu.dma_semaphore, #tpu.memory_space<semaphore_mem>>) src(%dma_wait3A_217 : memref<80x48xf32, #tpu.memory_space<hbm>>) dst(%arg10 : memref<80x48xf32, #tpu.memory_space<vmem>>)
        %dma_wait3A_218 = arith.constant 0 : i32
        %dma_wait3A_219 = arith.constant 0 : i32
        %dma_wait3A_220 = tpu.memref_slice %arg3[%dma_wait3A_218, %dma_wait3A_219] : memref<960000x48xf32, #tpu.memory_space<hbm>> -> memref<80x48xf32, #tpu.memory_space<hbm>>
        %dma_wait3A_221 = arith.constant 0 : i32
        %dma_wait3A_222 = arith.constant 0 : i32
        %dma_wait3A_223 = tpu.memref_slice %arg3[%dma_wait3A_221, %dma_wait3A_222] : memref<960000x48xf32, #tpu.memory_space<hbm>> -> memref<80x48xf32, #tpu.memory_space<hbm>>
        tpu.wait_dma2 semaphore(%arg18 : memref<!tpu.dma_semaphore, #tpu.memory_space<semaphore_mem>>) src(%dma_wait3A_223 : memref<80x48xf32, #tpu.memory_space<hbm>>) dst(%arg12 : memref<80x48xf32, #tpu.memory_space<vmem>>)
        %lt3A = arith.constant 124 : i32
        %lt3A_224 = arith.cmpi slt, %scan3A_200, %lt3A : i32
        %convert_element_type3A_225 = arith.extui %lt3A_224 : i1 to i32
        %cond3A_226 = arith.constant 0 : i32
        %cond3A_227 = arith.cmpi ne, %convert_element_type3A_225, %cond3A_226 : i32
        scf.if %cond3A_227 {
          %add3A_235 = arith.constant 1 : i32
          %add3A_236 = arith.addi %scan3A_200, %add3A_235 : i32
          %dma_start3A_237 = arith.constant 0 : i32
          %dma_start3A_238 = tpu.memref_slice %arg7[%add3A_236, %dma_start3A_237] : memref<125x80xi32, #tpu.memory_space<vmem>> -> memref<1x80xi32, #tpu.memory_space<vmem>>
          %dma_start3A_239 = tpu.memref_squeeze %dma_start3A_238 : memref<1x80xi32, #tpu.memory_space<vmem>> -> memref<80xi32, #tpu.memory_space<vmem>>
          %dma_start3A_240 = arith.constant 0 : i32
          %dma_start3A_241 = arith.constant 0 : i32
          %dma_start3A_242 = tpu.memref_slice %arg2[%dma_start3A_240, %dma_start3A_241] : memref<60000x48xf32, #tpu.memory_space<hbm>> -> memref<60000x48xf32, #tpu.memory_space<hbm>>
          tpu.enqueue_indirect_dma source(%dma_start3A_242 : memref<60000x48xf32, #tpu.memory_space<hbm>>) target(%arg9 : memref<80x48xf32, #tpu.memory_space<vmem>>) offsets(%dma_start3A_239 : memref<80xi32, #tpu.memory_space<vmem>>) semaphore(%arg17 : memref<!tpu.dma_semaphore, #tpu.memory_space<semaphore_mem>>)
          %mul3A_243 = arith.constant 160000 : i32
          %mul3A_244 = arith.muli %add3A_10, %mul3A_243 : i32
          %mul3A_245 = arith.constant 10000 : i32
          %mul3A_246 = arith.muli %arg1, %mul3A_245 : i32
          %add3A_247 = arith.addi %mul3A_244, %mul3A_246 : i32
          %mul3A_248 = arith.constant 80 : i32
          %mul3A_249 = arith.muli %add3A_236, %mul3A_248 : i32
          %add3A_250 = arith.addi %add3A_247, %mul3A_249 : i32
          %dma_start3A_251 = arith.constant 0 : i32
          %dma_start3A_252 = tpu.memref_slice %arg3[%add3A_250, %dma_start3A_251] : memref<960000x48xf32, #tpu.memory_space<hbm>> -> memref<80x48xf32, #tpu.memory_space<hbm>>
          %dma_start3A_253 = arith.constant 0 : i32
          %dma_start3A_254 = tpu.memref_slice %arg3[%add3A_250, %dma_start3A_253] : memref<960000x48xf32, #tpu.memory_space<hbm>> -> memref<80x48xf32, #tpu.memory_space<hbm>>
          tpu.enqueue_dma source(%dma_start3A_254 : memref<80x48xf32, #tpu.memory_space<hbm>>) target(%arg11 : memref<80x48xf32, #tpu.memory_space<vmem>>) target_semaphore(%arg17 : memref<!tpu.dma_semaphore, #tpu.memory_space<semaphore_mem>>)
        } else {
        }
        %scan3A_228 = arith.constant 0 : i32
        %scan3A_229 = arith.constant 0 : i32
        %scan3A_230 = arith.constant 80 : i32
        %scan3A_231 = arith.addi %scan3A_229, %scan3A_230 : i32
        %scan3A_232 = arith.constant 1 : i32
        %scan3A_233 = scf.for %scan3A_235 = %scan3A_229 to %scan3A_231 step %scan3A_232 iter_args(%scan3A_236 = %scan3A_228) -> (i32)  : i32 {
          %get3A = arith.index_cast %scan3A_235 : i32 to index
          %get3A_237 = arith.constant 0 : index
          %get3A_238 = tpu.vector_load %arg10[%get3A, %get3A_237] {strides = array<i32>} : memref<80x48xf32, #tpu.memory_space<vmem>>, vector<16xf32>,
          %bitcast3A = vector.bitcast %get3A_238 : vector<16xf32> to vector<16xi32>
          %shift_left3A = arith.constant 16 : i32
          %shift_left3A_239 = vector.broadcast %shift_left3A : i32 to vector<16xi32>
          %shift_left3A_240 = arith.shli %bitcast3A, %shift_left3A_239 : vector<16xi32>
          %bitcast3A_241 = vector.bitcast %shift_left3A_240 : vector<16xi32> to vector<16xf32>
          %and3A = arith.andi %bitcast3A, %broadcast_in_dim3A_8 : vector<16xi32>
          %bitcast3A_242 = vector.bitcast %and3A : vector<16xi32> to vector<16xf32>
          %get3A_243 = arith.index_cast %scan3A_235 : i32 to index
          %get3A_244 = arith.constant 0 : index
          %get3A_245 = tpu.vector_load %arg12[%get3A_243, %get3A_244] {strides = array<i32>} : memref<80x48xf32, #tpu.memory_space<vmem>>, vector<16xf32>,
          %bitcast3A_246 = vector.bitcast %get3A_245 : vector<16xf32> to vector<16xi32>
          %shift_left3A_247 = arith.constant 16 : i32
          %shift_left3A_248 = vector.broadcast %shift_left3A_247 : i32 to vector<16xi32>
          %shift_left3A_249 = arith.shli %bitcast3A_246, %shift_left3A_248 : vector<16xi32>
          %bitcast3A_250 = vector.bitcast %shift_left3A_249 : vector<16xi32> to vector<16xf32>
          %and3A_251 = arith.andi %bitcast3A_246, %broadcast_in_dim3A_8 : vector<16xi32>
          %bitcast3A_252 = vector.bitcast %and3A_251 : vector<16xi32> to vector<16xf32>
          %add3A_253 = arith.addf %bitcast3A_241, %bitcast3A_250 : vector<16xf32>
          %max3A = arith.constant 0.000000e+00 : f32
          %max3A_254 = vector.broadcast %max3A : f32 to vector<16xf32>
          %max3A_255 = arith.maximumf %add3A_253, %max3A_254 : vector<16xf32>
          %swap3A = arith.index_cast %scan3A_235 : i32 to index
          %swap3A_256 = arith.constant 0 : index
          %swap3A_257 = tpu.vector_load %arg14[%swap3A, %swap3A_256] {strides = array<i32>} : memref<80x96xf32, #tpu.memory_space<vmem>>, vector<16xf32>,
          tpu.vector_store %arg14[%swap3A, %swap3A_256], %max3A_255 {strides = array<i32>} : memref<80x96xf32, #tpu.memory_space<vmem>>, vector<16xf32>,
          %add3A_258 = arith.addf %bitcast3A_242, %bitcast3A_252 : vector<16xf32>
          %max3A_259 = arith.constant 0.000000e+00 : f32
          %max3A_260 = vector.broadcast %max3A_259 : f32 to vector<16xf32>
          %max3A_261 = arith.maximumf %add3A_258, %max3A_260 : vector<16xf32>
          %swap3A_262 = arith.index_cast %scan3A_235 : i32 to index
          %swap3A_263 = arith.constant 16 : index
          %swap3A_264 = tpu.vector_load %arg14[%swap3A_262, %swap3A_263] {strides = array<i32>} : memref<80x96xf32, #tpu.memory_space<vmem>>, vector<16xf32>,
          tpu.vector_store %arg14[%swap3A_262, %swap3A_263], %max3A_261 {strides = array<i32>} : memref<80x96xf32, #tpu.memory_space<vmem>>, vector<16xf32>,
          %get3A_265 = arith.index_cast %scan3A_235 : i32 to index
          %get3A_266 = arith.constant 16 : index
          %get3A_267 = tpu.vector_load %arg10[%get3A_265, %get3A_266] {strides = array<i32>} : memref<80x48xf32, #tpu.memory_space<vmem>>, vector<16xf32>,
          %bitcast3A_268 = vector.bitcast %get3A_267 : vector<16xf32> to vector<16xi32>
          %shift_left3A_269 = arith.constant 16 : i32
          %shift_left3A_270 = vector.broadcast %shift_left3A_269 : i32 to vector<16xi32>
          %shift_left3A_271 = arith.shli %bitcast3A_268, %shift_left3A_270 : vector<16xi32>
          %bitcast3A_272 = vector.bitcast %shift_left3A_271 : vector<16xi32> to vector<16xf32>
          %and3A_273 = arith.andi %bitcast3A_268, %broadcast_in_dim3A_8 : vector<16xi32>
          %bitcast3A_274 = vector.bitcast %and3A_273 : vector<16xi32> to vector<16xf32>
          %get3A_275 = arith.index_cast %scan3A_235 : i32 to index
          %get3A_276 = arith.constant 16 : index
          %get3A_277 = tpu.vector_load %arg12[%get3A_275, %get3A_276] {strides = array<i32>} : memref<80x48xf32, #tpu.memory_space<vmem>>, vector<16xf32>,
          %bitcast3A_278 = vector.bitcast %get3A_277 : vector<16xf32> to vector<16xi32>
          %shift_left3A_279 = arith.constant 16 : i32
          %shift_left3A_280 = vector.broadcast %shift_left3A_279 : i32 to vector<16xi32>
          %shift_left3A_281 = arith.shli %bitcast3A_278, %shift_left3A_280 : vector<16xi32>
          %bitcast3A_282 = vector.bitcast %shift_left3A_281 : vector<16xi32> to vector<16xf32>
          %and3A_283 = arith.andi %bitcast3A_278, %broadcast_in_dim3A_8 : vector<16xi32>
          %bitcast3A_284 = vector.bitcast %and3A_283 : vector<16xi32> to vector<16xf32>
          %add3A_285 = arith.addf %bitcast3A_272, %bitcast3A_282 : vector<16xf32>
          %max3A_286 = arith.constant 0.000000e+00 : f32
          %max3A_287 = vector.broadcast %max3A_286 : f32 to vector<16xf32>
          %max3A_288 = arith.maximumf %add3A_285, %max3A_287 : vector<16xf32>
          %swap3A_289 = arith.index_cast %scan3A_235 : i32 to index
          %swap3A_290 = arith.constant 32 : index
          %swap3A_291 = tpu.vector_load %arg14[%swap3A_289, %swap3A_290] {strides = array<i32>} : memref<80x96xf32, #tpu.memory_space<vmem>>, vector<16xf32>,
          tpu.vector_store %arg14[%swap3A_289, %swap3A_290], %max3A_288 {strides = array<i32>} : memref<80x96xf32, #tpu.memory_space<vmem>>, vector<16xf32>,
          %add3A_292 = arith.addf %bitcast3A_274, %bitcast3A_284 : vector<16xf32>
          %max3A_293 = arith.constant 0.000000e+00 : f32
          %max3A_294 = vector.broadcast %max3A_293 : f32 to vector<16xf32>
          %max3A_295 = arith.maximumf %add3A_292, %max3A_294 : vector<16xf32>
          %swap3A_296 = arith.index_cast %scan3A_235 : i32 to index
          %swap3A_297 = arith.constant 48 : index
          %swap3A_298 = tpu.vector_load %arg14[%swap3A_296, %swap3A_297] {strides = array<i32>} : memref<80x96xf32, #tpu.memory_space<vmem>>, vector<16xf32>,
          tpu.vector_store %arg14[%swap3A_296, %swap3A_297], %max3A_295 {strides = array<i32>} : memref<80x96xf32, #tpu.memory_space<vmem>>, vector<16xf32>,
          %get3A_299 = arith.index_cast %scan3A_235 : i32 to index
          %get3A_300 = arith.constant 32 : index
          %get3A_301 = tpu.vector_load %arg10[%get3A_299, %get3A_300] {strides = array<i32>} : memref<80x48xf32, #tpu.memory_space<vmem>>, vector<16xf32>,
          %bitcast3A_302 = vector.bitcast %get3A_301 : vector<16xf32> to vector<16xi32>
          %shift_left3A_303 = arith.constant 16 : i32
          %shift_left3A_304 = vector.broadcast %shift_left3A_303 : i32 to vector<16xi32>
          %shift_left3A_305 = arith.shli %bitcast3A_302, %shift_left3A_304 : vector<16xi32>
          %bitcast3A_306 = vector.bitcast %shift_left3A_305 : vector<16xi32> to vector<16xf32>
          %and3A_307 = arith.andi %bitcast3A_302, %broadcast_in_dim3A_8 : vector<16xi32>
          %bitcast3A_308 = vector.bitcast %and3A_307 : vector<16xi32> to vector<16xf32>
          %get3A_309 = arith.index_cast %scan3A_235 : i32 to index
          %get3A_310 = arith.constant 32 : index
          %get3A_311 = tpu.vector_load %arg12[%get3A_309, %get3A_310] {strides = array<i32>} : memref<80x48xf32, #tpu.memory_space<vmem>>, vector<16xf32>,
          %bitcast3A_312 = vector.bitcast %get3A_311 : vector<16xf32> to vector<16xi32>
          %shift_left3A_313 = arith.constant 16 : i32
          %shift_left3A_314 = vector.broadcast %shift_left3A_313 : i32 to vector<16xi32>
          %shift_left3A_315 = arith.shli %bitcast3A_312, %shift_left3A_314 : vector<16xi32>
          %bitcast3A_316 = vector.bitcast %shift_left3A_315 : vector<16xi32> to vector<16xf32>
          %and3A_317 = arith.andi %bitcast3A_312, %broadcast_in_dim3A_8 : vector<16xi32>
          %bitcast3A_318 = vector.bitcast %and3A_317 : vector<16xi32> to vector<16xf32>
          %add3A_319 = arith.addf %bitcast3A_306, %bitcast3A_316 : vector<16xf32>
          %max3A_320 = arith.constant 0.000000e+00 : f32
          %max3A_321 = vector.broadcast %max3A_320 : f32 to vector<16xf32>
          %max3A_322 = arith.maximumf %add3A_319, %max3A_321 : vector<16xf32>
          %swap3A_323 = arith.index_cast %scan3A_235 : i32 to index
          %swap3A_324 = arith.constant 64 : index
          %swap3A_325 = tpu.vector_load %arg14[%swap3A_323, %swap3A_324] {strides = array<i32>} : memref<80x96xf32, #tpu.memory_space<vmem>>, vector<16xf32>,
          tpu.vector_store %arg14[%swap3A_323, %swap3A_324], %max3A_322 {strides = array<i32>} : memref<80x96xf32, #tpu.memory_space<vmem>>, vector<16xf32>,
          %add3A_326 = arith.addf %bitcast3A_308, %bitcast3A_318 : vector<16xf32>
          %max3A_327 = arith.constant 0.000000e+00 : f32
          %max3A_328 = vector.broadcast %max3A_327 : f32 to vector<16xf32>
          %max3A_329 = arith.maximumf %add3A_326, %max3A_328 : vector<16xf32>
          %swap3A_330 = arith.index_cast %scan3A_235 : i32 to index
          %swap3A_331 = arith.constant 80 : index
          %swap3A_332 = tpu.vector_load %arg14[%swap3A_330, %swap3A_331] {strides = array<i32>} : memref<80x96xf32, #tpu.memory_space<vmem>>, vector<16xf32>,
          tpu.vector_store %arg14[%swap3A_330, %swap3A_331], %max3A_329 {strides = array<i32>} : memref<80x96xf32, #tpu.memory_space<vmem>>, vector<16xf32>,
          %scan3A_333 = arith.constant 0 : i32
          scf.yield %scan3A_333 : i32
        }
        %scan3A_234 = arith.constant 80 : i32
        "tpu.region"() ({
          %run_scoped3A = tpu.sem_alloc : memref<!tpu.dma_semaphore, #tpu.memory_space<semaphore_mem>>
          %dma_start3A_235 = arith.constant 0 : i32
          %dma_start3A_236 = tpu.memref_slice %arg8[%scan3A_200, %dma_start3A_235] : memref<125x80xi32, #tpu.memory_space<vmem>> -> memref<1x80xi32, #tpu.memory_space<vmem>>
          %dma_start3A_237 = tpu.memref_squeeze %dma_start3A_236 : memref<1x80xi32, #tpu.memory_space<vmem>> -> memref<80xi32, #tpu.memory_space<vmem>>
          %dma_start3A_238 = arith.constant 0 : i32
          %dma_start3A_239 = arith.constant 0 : i32
          %dma_start3A_240 = tpu.memref_slice %arg16[%dma_start3A_238, %dma_start3A_239] : memref<10000x96xf32, #tpu.memory_space<vmem_shared>> -> memref<10000x96xf32, #tpu.memory_space<vmem_shared>>
          tpu.enqueue_indirect_dma source(%arg14 : memref<80x96xf32, #tpu.memory_space<vmem>>) target(%dma_start3A_240 : memref<10000x96xf32, #tpu.memory_space<vmem_shared>>) offsets(%dma_start3A_237 : memref<80xi32, #tpu.memory_space<vmem>>) semaphore(%run_scoped3A : memref<!tpu.dma_semaphore, #tpu.memory_space<semaphore_mem>>) {add = true}
          %dma_wait3A_241 = arith.constant 0 : i32
          %dma_wait3A_242 = tpu.memref_slice %arg8[%scan3A_200, %dma_wait3A_241] : memref<125x80xi32, #tpu.memory_space<vmem>> -> memref<1x80xi32, #tpu.memory_space<vmem>>
          %dma_wait3A_243 = tpu.memref_squeeze %dma_wait3A_242 : memref<1x80xi32, #tpu.memory_space<vmem>> -> memref<80xi32, #tpu.memory_space<vmem>>
          %dma_wait3A_244 = arith.constant 0 : i32
          %dma_wait3A_245 = arith.constant 0 : i32
          %dma_wait3A_246 = tpu.memref_slice %arg16[%dma_wait3A_244, %dma_wait3A_245] : memref<10000x96xf32, #tpu.memory_space<vmem_shared>> -> memref<10000x96xf32, #tpu.memory_space<vmem_shared>>
          tpu.wait_indirect_dma semaphore(%run_scoped3A : memref<!tpu.dma_semaphore, #tpu.memory_space<semaphore_mem>>) src(%arg14 : memref<80x96xf32, #tpu.memory_space<vmem>>) dst(%dma_wait3A_246 : memref<10000x96xf32, #tpu.memory_space<vmem_shared>>)
          tpu.yield
        }) : () -> ()
      } else {
      }
      %scan3A_212 = arith.constant 0 : i32
      scf.yield %scan3A_212 : i32
    }
    %scan3A_61 = arith.constant 125 : i32
    %barrier3A_62 = arith.constant 0 : index
    tpu.barrier barrier_id(%barrier3A_62)
    %mul3A_63 = arith.constant 625 : i32
    %mul3A_64 = arith.muli %arg1, %mul3A_63 : i32
    %mul3A_65 = arith.constant 10000 : i32
    %mul3A_66 = arith.muli %add3A_10, %mul3A_65 : i32
    %mul3A_67 = arith.constant 625 : i32
    %mul3A_68 = arith.muli %arg1, %mul3A_67 : i32
    %add3A_69 = arith.addi %mul3A_66, %mul3A_68 : i32
    "tpu.region"() ({
      %run_scoped3A = tpu.sem_alloc : memref<!tpu.dma_semaphore, #tpu.memory_space<semaphore_mem>>
      %dma_start3A_200 = arith.constant 0 : i32
      %dma_start3A_201 = tpu.memref_slice %arg6[%add3A_69, %dma_start3A_200] : memref<60000x96xf32, #tpu.memory_space<hbm>> -> memref<625x96xf32, #tpu.memory_space<hbm>>
      %dma_start3A_202 = arith.constant 0 : i32
      %dma_start3A_203 = tpu.memref_slice %arg16[%mul3A_64, %dma_start3A_202] : memref<10000x96xf32, #tpu.memory_space<vmem_shared>> -> memref<625x96xf32, #tpu.memory_space<vmem_shared>>
      tpu.enqueue_dma source(%dma_start3A_203 : memref<625x96xf32, #tpu.memory_space<vmem_shared>>) target(%dma_start3A_201 : memref<625x96xf32, #tpu.memory_space<hbm>>) target_semaphore(%run_scoped3A : memref<!tpu.dma_semaphore, #tpu.memory_space<semaphore_mem>>)
      %dma_wait3A = arith.constant 0 : i32
      %dma_wait3A_204 = tpu.memref_slice %arg6[%add3A_69, %dma_wait3A] : memref<60000x96xf32, #tpu.memory_space<hbm>> -> memref<625x96xf32, #tpu.memory_space<hbm>>
      %dma_wait3A_205 = arith.constant 0 : i32
      %dma_wait3A_206 = tpu.memref_slice %arg16[%mul3A_64, %dma_wait3A_205] : memref<10000x96xf32, #tpu.memory_space<vmem_shared>> -> memref<625x96xf32, #tpu.memory_space<vmem_shared>>
      tpu.wait_dma2 semaphore(%run_scoped3A : memref<!tpu.dma_semaphore, #tpu.memory_space<semaphore_mem>>) src(%dma_wait3A_206 : memref<625x96xf32, #tpu.memory_space<vmem_shared>>) dst(%dma_wait3A_204 : memref<625x96xf32, #tpu.memory_space<hbm>>)
      tpu.yield
    }) : () -> ()
    %mul3A_70 = arith.constant 3 : i32
    %mul3A_71 = arith.muli %mul3A_70, %arg0 : i32
    %add3A_72 = arith.constant 1 : i32
    %add3A_73 = arith.addi %mul3A_71, %add3A_72 : i32
    %mul3A_74 = arith.constant 625 : i32
    %mul3A_75 = arith.muli %arg1, %mul3A_74 : i32
    %add3A_76 = arith.constant 0 : i32
    %add3A_77 = arith.addi %mul3A_75, %add3A_76 : i32
    "tpu.region"() ({
      %run_scoped3A = tpu.sem_alloc : memref<!tpu.dma_semaphore, #tpu.memory_space<semaphore_mem>>
      %dma_start3A_200 = arith.constant 0 : i32
      %dma_start3A_201 = tpu.memref_slice %arg16[%add3A_77, %dma_start3A_200] : memref<10000x96xf32, #tpu.memory_space<vmem_shared>> -> memref<125x96xf32, #tpu.memory_space<vmem_shared>>
      %dma_start3A_202 = arith.constant 0 : i32
      %dma_start3A_203 = tpu.memref_slice %arg16[%add3A_77, %dma_start3A_202] : memref<10000x96xf32, #tpu.memory_space<vmem_shared>> -> memref<125x96xf32, #tpu.memory_space<vmem_shared>>
      tpu.enqueue_dma source(%arg15 : memref<125x96xf32, #tpu.memory_space<vmem>>) target(%dma_start3A_203 : memref<125x96xf32, #tpu.memory_space<vmem_shared>>) target_semaphore(%run_scoped3A : memref<!tpu.dma_semaphore, #tpu.memory_space<semaphore_mem>>)
      %dma_wait3A = arith.constant 0 : i32
      %dma_wait3A_204 = tpu.memref_slice %arg16[%add3A_77, %dma_wait3A] : memref<10000x96xf32, #tpu.memory_space<vmem_shared>> -> memref<125x96xf32, #tpu.memory_space<vmem_shared>>
      %dma_wait3A_205 = arith.constant 0 : i32
      %dma_wait3A_206 = tpu.memref_slice %arg16[%add3A_77, %dma_wait3A_205] : memref<10000x96xf32, #tpu.memory_space<vmem_shared>> -> memref<125x96xf32, #tpu.memory_space<vmem_shared>>
      tpu.wait_dma2 semaphore(%run_scoped3A : memref<!tpu.dma_semaphore, #tpu.memory_space<semaphore_mem>>) src(%arg15 : memref<125x96xf32, #tpu.memory_space<vmem>>) dst(%dma_wait3A_206 : memref<125x96xf32, #tpu.memory_space<vmem_shared>>)
      tpu.yield
    }) : () -> ()
    %mul3A_78 = arith.constant 625 : i32
    %mul3A_79 = arith.muli %arg1, %mul3A_78 : i32
    %add3A_80 = arith.constant 125 : i32
    %add3A_81 = arith.addi %mul3A_79, %add3A_80 : i32
    "tpu.region"() ({
      %run_scoped3A = tpu.sem_alloc : memref<!tpu.dma_semaphore, #tpu.memory_space<semaphore_mem>>
      %dma_start3A_200 = arith.constant 0 : i32
      %dma_start3A_201 = tpu.memref_slice %arg16[%add3A_81, %dma_start3A_200] : memref<10000x96xf32, #tpu.memory_space<vmem_shared>> -> memref<125x96xf32, #tpu.memory_space<vmem_shared>>
      %dma_start3A_202 = arith.constant 0 : i32
      %dma_start3A_203 = tpu.memref_slice %arg16[%add3A_81, %dma_start3A_202] : memref<10000x96xf32, #tpu.memory_space<vmem_shared>> -> memref<125x96xf32, #tpu.memory_space<vmem_shared>>
      tpu.enqueue_dma source(%arg15 : memref<125x96xf32, #tpu.memory_space<vmem>>) target(%dma_start3A_203 : memref<125x96xf32, #tpu.memory_space<vmem_shared>>) target_semaphore(%run_scoped3A : memref<!tpu.dma_semaphore, #tpu.memory_space<semaphore_mem>>)
      %dma_wait3A = arith.constant 0 : i32
      %dma_wait3A_204 = tpu.memref_slice %arg16[%add3A_81, %dma_wait3A] : memref<10000x96xf32, #tpu.memory_space<vmem_shared>> -> memref<125x96xf32, #tpu.memory_space<vmem_shared>>
      %dma_wait3A_205 = arith.constant 0 : i32
      %dma_wait3A_206 = tpu.memref_slice %arg16[%add3A_81, %dma_wait3A_205] : memref<10000x96xf32, #tpu.memory_space<vmem_shared>> -> memref<125x96xf32, #tpu.memory_space<vmem_shared>>
      tpu.wait_dma2 semaphore(%run_scoped3A : memref<!tpu.dma_semaphore, #tpu.memory_space<semaphore_mem>>) src(%arg15 : memref<125x96xf32, #tpu.memory_space<vmem>>) dst(%dma_wait3A_206 : memref<125x96xf32, #tpu.memory_space<vmem_shared>>)
      tpu.yield
    }) : () -> ()
    %mul3A_82 = arith.constant 625 : i32
    %mul3A_83 = arith.muli %arg1, %mul3A_82 : i32
    %add3A_84 = arith.constant 250 : i32
    %add3A_85 = arith.addi %mul3A_83, %add3A_84 : i32
    "tpu.region"() ({
      %run_scoped3A = tpu.sem_alloc : memref<!tpu.dma_semaphore, #tpu.memory_space<semaphore_mem>>
      %dma_start3A_200 = arith.constant 0 : i32
      %dma_start3A_201 = tpu.memref_slice %arg16[%add3A_85, %dma_start3A_200] : memref<10000x96xf32, #tpu.memory_space<vmem_shared>> -> memref<125x96xf32, #tpu.memory_space<vmem_shared>>
      %dma_start3A_202 = arith.constant 0 : i32
      %dma_start3A_203 = tpu.memref_slice %arg16[%add3A_85, %dma_start3A_202] : memref<10000x96xf32, #tpu.memory_space<vmem_shared>> -> memref<125x96xf32, #tpu.memory_space<vmem_shared>>
      tpu.enqueue_dma source(%arg15 : memref<125x96xf32, #tpu.memory_space<vmem>>) target(%dma_start3A_203 : memref<125x96xf32, #tpu.memory_space<vmem_shared>>) target_semaphore(%run_scoped3A : memref<!tpu.dma_semaphore, #tpu.memory_space<semaphore_mem>>)
      %dma_wait3A = arith.constant 0 : i32
      %dma_wait3A_204 = tpu.memref_slice %arg16[%add3A_85, %dma_wait3A] : memref<10000x96xf32, #tpu.memory_space<vmem_shared>> -> memref<125x96xf32, #tpu.memory_space<vmem_shared>>
      %dma_wait3A_205 = arith.constant 0 : i32
      %dma_wait3A_206 = tpu.memref_slice %arg16[%add3A_85, %dma_wait3A_205] : memref<10000x96xf32, #tpu.memory_space<vmem_shared>> -> memref<125x96xf32, #tpu.memory_space<vmem_shared>>
      tpu.wait_dma2 semaphore(%run_scoped3A : memref<!tpu.dma_semaphore, #tpu.memory_space<semaphore_mem>>) src(%arg15 : memref<125x96xf32, #tpu.memory_space<vmem>>) dst(%dma_wait3A_206 : memref<125x96xf32, #tpu.memory_space<vmem_shared>>)
      tpu.yield
    }) : () -> ()
    %mul3A_86 = arith.constant 625 : i32
    %mul3A_87 = arith.muli %arg1, %mul3A_86 : i32
    %add3A_88 = arith.constant 375 : i32
    %add3A_89 = arith.addi %mul3A_87, %add3A_88 : i32
    "tpu.region"() ({
      %run_scoped3A = tpu.sem_alloc : memref<!tpu.dma_semaphore, #tpu.memory_space<semaphore_mem>>
      %dma_start3A_200 = arith.constant 0 : i32
      %dma_start3A_201 = tpu.memref_slice %arg16[%add3A_89, %dma_start3A_200] : memref<10000x96xf32, #tpu.memory_space<vmem_shared>> -> memref<125x96xf32, #tpu.memory_space<vmem_shared>>
      %dma_start3A_202 = arith.constant 0 : i32
      %dma_start3A_203 = tpu.memref_slice %arg16[%add3A_89, %dma_start3A_202] : memref<10000x96xf32, #tpu.memory_space<vmem_shared>> -> memref<125x96xf32, #tpu.memory_space<vmem_shared>>
      tpu.enqueue_dma source(%arg15 : memref<125x96xf32, #tpu.memory_space<vmem>>) target(%dma_start3A_203 : memref<125x96xf32, #tpu.memory_space<vmem_shared>>) target_semaphore(%run_scoped3A : memref<!tpu.dma_semaphore, #tpu.memory_space<semaphore_mem>>)
      %dma_wait3A = arith.constant 0 : i32
      %dma_wait3A_204 = tpu.memref_slice %arg16[%add3A_89, %dma_wait3A] : memref<10000x96xf32, #tpu.memory_space<vmem_shared>> -> memref<125x96xf32, #tpu.memory_space<vmem_shared>>
      %dma_wait3A_205 = arith.constant 0 : i32
      %dma_wait3A_206 = tpu.memref_slice %arg16[%add3A_89, %dma_wait3A_205] : memref<10000x96xf32, #tpu.memory_space<vmem_shared>> -> memref<125x96xf32, #tpu.memory_space<vmem_shared>>
      tpu.wait_dma2 semaphore(%run_scoped3A : memref<!tpu.dma_semaphore, #tpu.memory_space<semaphore_mem>>) src(%arg15 : memref<125x96xf32, #tpu.memory_space<vmem>>) dst(%dma_wait3A_206 : memref<125x96xf32, #tpu.memory_space<vmem_shared>>)
      tpu.yield
    }) : () -> ()
    %mul3A_90 = arith.constant 625 : i32
    %mul3A_91 = arith.muli %arg1, %mul3A_90 : i32
    %add3A_92 = arith.constant 500 : i32
    %add3A_93 = arith.addi %mul3A_91, %add3A_92 : i32
    "tpu.region"() ({
      %run_scoped3A = tpu.sem_alloc : memref<!tpu.dma_semaphore, #tpu.memory_space<semaphore_mem>>
      %dma_start3A_200 = arith.constant 0 : i32
      %dma_start3A_201 = tpu.memref_slice %arg16[%add3A_93, %dma_start3A_200] : memref<10000x96xf32, #tpu.memory_space<vmem_shared>> -> memref<125x96xf32, #tpu.memory_space<vmem_shared>>
      %dma_start3A_202 = arith.constant 0 : i32
      %dma_start3A_203 = tpu.memref_slice %arg16[%add3A_93, %dma_start3A_202] : memref<10000x96xf32, #tpu.memory_space<vmem_shared>> -> memref<125x96xf32, #tpu.memory_space<vmem_shared>>
      tpu.enqueue_dma source(%arg15 : memref<125x96xf32, #tpu.memory_space<vmem>>) target(%dma_start3A_203 : memref<125x96xf32, #tpu.memory_space<vmem_shared>>) target_semaphore(%run_scoped3A : memref<!tpu.dma_semaphore, #tpu.memory_space<semaphore_mem>>)
      %dma_wait3A = arith.constant 0 : i32
      %dma_wait3A_204 = tpu.memref_slice %arg16[%add3A_93, %dma_wait3A] : memref<10000x96xf32, #tpu.memory_space<vmem_shared>> -> memref<125x96xf32, #tpu.memory_space<vmem_shared>>
      %dma_wait3A_205 = arith.constant 0 : i32
      %dma_wait3A_206 = tpu.memref_slice %arg16[%add3A_93, %dma_wait3A_205] : memref<10000x96xf32, #tpu.memory_space<vmem_shared>> -> memref<125x96xf32, #tpu.memory_space<vmem_shared>>
      tpu.wait_dma2 semaphore(%run_scoped3A : memref<!tpu.dma_semaphore, #tpu.memory_space<semaphore_mem>>) src(%arg15 : memref<125x96xf32, #tpu.memory_space<vmem>>) dst(%dma_wait3A_206 : memref<125x96xf32, #tpu.memory_space<vmem_shared>>)
      tpu.yield
    }) : () -> ()
    "tpu.region"() ({
      %run_scoped3A = tpu.sem_alloc : memref<!tpu.dma_semaphore, #tpu.memory_space<semaphore_mem>>
      %dma_start3A_200 = arith.constant 0 : i32
      %dma_start3A_201 = arith.constant 0 : i32
      %dma_start3A_202 = tpu.memref_slice %arg4[%arg1, %dma_start3A_200, %dma_start3A_201] : memref<16x125x80xi32, #tpu.memory_space<hbm>> -> memref<1x125x80xi32, #tpu.memory_space<hbm>>
      %dma_start3A_203 = tpu.memref_squeeze %dma_start3A_202 : memref<1x125x80xi32, #tpu.memory_space<hbm>> -> memref<125x80xi32, #tpu.memory_space<hbm>>
      %dma_start3A_204 = arith.constant 0 : i32
      %dma_start3A_205 = arith.constant 0 : i32
      %dma_start3A_206 = tpu.memref_slice %arg4[%arg1, %dma_start3A_204, %dma_start3A_205] : memref<16x125x80xi32, #tpu.memory_space<hbm>> -> memref<1x125x80xi32, #tpu.memory_space<hbm>>
      %dma_start3A_207 = tpu.memref_squeeze %dma_start3A_206 : memref<1x125x80xi32, #tpu.memory_space<hbm>> -> memref<125x80xi32, #tpu.memory_space<hbm>>
      tpu.enqueue_dma source(%dma_start3A_207 : memref<125x80xi32, #tpu.memory_space<hbm>>) target(%arg7 : memref<125x80xi32, #tpu.memory_space<vmem>>) target_semaphore(%run_scoped3A : memref<!tpu.dma_semaphore, #tpu.memory_space<semaphore_mem>>)
      %dma_wait3A = arith.constant 0 : i32
      %dma_wait3A_208 = arith.constant 0 : i32
      %dma_wait3A_209 = tpu.memref_slice %arg4[%arg1, %dma_wait3A, %dma_wait3A_208] : memref<16x125x80xi32, #tpu.memory_space<hbm>> -> memref<1x125x80xi32, #tpu.memory_space<hbm>>
      %dma_wait3A_210 = tpu.memref_squeeze %dma_wait3A_209 : memref<1x125x80xi32, #tpu.memory_space<hbm>> -> memref<125x80xi32, #tpu.memory_space<hbm>>
      %dma_wait3A_211 = arith.constant 0 : i32
      %dma_wait3A_212 = arith.constant 0 : i32
      %dma_wait3A_213 = tpu.memref_slice %arg4[%arg1, %dma_wait3A_211, %dma_wait3A_212] : memref<16x125x80xi32, #tpu.memory_space<hbm>> -> memref<1x125x80xi32, #tpu.memory_space<hbm>>
      %dma_wait3A_214 = tpu.memref_squeeze %dma_wait3A_213 : memref<1x125x80xi32, #tpu.memory_space<hbm>> -> memref<125x80xi32, #tpu.memory_space<hbm>>
      tpu.wait_dma2 semaphore(%run_scoped3A : memref<!tpu.dma_semaphore, #tpu.memory_space<semaphore_mem>>) src(%dma_wait3A_214 : memref<125x80xi32, #tpu.memory_space<hbm>>) dst(%arg7 : memref<125x80xi32, #tpu.memory_space<vmem>>)
      tpu.yield
    }) : () -> ()
    "tpu.region"() ({
      %run_scoped3A = tpu.sem_alloc : memref<!tpu.dma_semaphore, #tpu.memory_space<semaphore_mem>>
      %dma_start3A_200 = arith.constant 0 : i32
      %dma_start3A_201 = arith.constant 0 : i32
      %dma_start3A_202 = tpu.memref_slice %arg5[%arg1, %dma_start3A_200, %dma_start3A_201] : memref<16x125x80xi32, #tpu.memory_space<hbm>> -> memref<1x125x80xi32, #tpu.memory_space<hbm>>
      %dma_start3A_203 = tpu.memref_squeeze %dma_start3A_202 : memref<1x125x80xi32, #tpu.memory_space<hbm>> -> memref<125x80xi32, #tpu.memory_space<hbm>>
      %dma_start3A_204 = arith.constant 0 : i32
      %dma_start3A_205 = arith.constant 0 : i32
      %dma_start3A_206 = tpu.memref_slice %arg5[%arg1, %dma_start3A_204, %dma_start3A_205] : memref<16x125x80xi32, #tpu.memory_space<hbm>> -> memref<1x125x80xi32, #tpu.memory_space<hbm>>
      %dma_start3A_207 = tpu.memref_squeeze %dma_start3A_206 : memref<1x125x80xi32, #tpu.memory_space<hbm>> -> memref<125x80xi32, #tpu.memory_space<hbm>>
      tpu.enqueue_dma source(%dma_start3A_207 : memref<125x80xi32, #tpu.memory_space<hbm>>) target(%arg8 : memref<125x80xi32, #tpu.memory_space<vmem>>) target_semaphore(%run_scoped3A : memref<!tpu.dma_semaphore, #tpu.memory_space<semaphore_mem>>)
      %dma_wait3A = arith.constant 0 : i32
      %dma_wait3A_208 = arith.constant 0 : i32
      %dma_wait3A_209 = tpu.memref_slice %arg5[%arg1, %dma_wait3A, %dma_wait3A_208] : memref<16x125x80xi32, #tpu.memory_space<hbm>> -> memref<1x125x80xi32, #tpu.memory_space<hbm>>
      %dma_wait3A_210 = tpu.memref_squeeze %dma_wait3A_209 : memref<1x125x80xi32, #tpu.memory_space<hbm>> -> memref<125x80xi32, #tpu.memory_space<hbm>>
      %dma_wait3A_211 = arith.constant 0 : i32
      %dma_wait3A_212 = arith.constant 0 : i32
      %dma_wait3A_213 = tpu.memref_slice %arg5[%arg1, %dma_wait3A_211, %dma_wait3A_212] : memref<16x125x80xi32, #tpu.memory_space<hbm>> -> memref<1x125x80xi32, #tpu.memory_space<hbm>>
      %dma_wait3A_214 = tpu.memref_squeeze %dma_wait3A_213 : memref<1x125x80xi32, #tpu.memory_space<hbm>> -> memref<125x80xi32, #tpu.memory_space<hbm>>
      tpu.wait_dma2 semaphore(%run_scoped3A : memref<!tpu.dma_semaphore, #tpu.memory_space<semaphore_mem>>) src(%dma_wait3A_214 : memref<125x80xi32, #tpu.memory_space<hbm>>) dst(%arg8 : memref<125x80xi32, #tpu.memory_space<vmem>>)
      tpu.yield
    }) : () -> ()
    %scan3A_94 = arith.constant 0 : i32
    %scan3A_95 = arith.constant 0 : i32
    %scan3A_96 = arith.constant 125 : i32
    %scan3A_97 = arith.addi %scan3A_95, %scan3A_96 : i32
    %scan3A_98 = arith.constant 1 : i32
    %scan3A_99 = scf.for %scan3A_200 = %scan3A_95 to %scan3A_97 step %scan3A_98 iter_args(%scan3A_201 = %scan3A_94) -> (i32)  : i32 {
      %get3A = arith.index_cast %scan3A_200 : i32 to index
      %get3A_202 = arith.constant 0 : index
      %get3A_203 = tpu.vector_load %arg7[%get3A, %get3A_202] {strides = array<i32>} : memref<125x80xi32, #tpu.memory_space<vmem>>, vector<16xi32>,
      %mul3A_204 = arith.constant 6 : i32
      %mul3A_205 = vector.broadcast %mul3A_204 : i32 to vector<16xi32>
      %mul3A_206 = arith.muli %get3A_203, %mul3A_205 : vector<16xi32>
      %add3A_207 = vector.broadcast %add3A_73 : i32 to vector<16xi32>
      %add3A_208 = arith.addi %mul3A_206, %add3A_207 : vector<16xi32>
      %swap3A = arith.index_cast %scan3A_200 : i32 to index
      %swap3A_209 = arith.constant 0 : index
      %swap3A_210 = tpu.vector_load %arg7[%swap3A, %swap3A_209] {strides = array<i32>} : memref<125x80xi32, #tpu.memory_space<vmem>>, vector<16xi32>,
      tpu.vector_store %arg7[%swap3A, %swap3A_209], %add3A_208 {strides = array<i32>} : memref<125x80xi32, #tpu.memory_space<vmem>>, vector<16xi32>,
      %get3A_211 = arith.index_cast %scan3A_200 : i32 to index
      %get3A_212 = arith.constant 16 : index
      %get3A_213 = tpu.vector_load %arg7[%get3A_211, %get3A_212] {strides = array<i32>} : memref<125x80xi32, #tpu.memory_space<vmem>>, vector<16xi32>,
      %mul3A_214 = arith.constant 6 : i32
      %mul3A_215 = vector.broadcast %mul3A_214 : i32 to vector<16xi32>
      %mul3A_216 = arith.muli %get3A_213, %mul3A_215 : vector<16xi32>
      %add3A_217 = vector.broadcast %add3A_73 : i32 to vector<16xi32>
      %add3A_218 = arith.addi %mul3A_216, %add3A_217 : vector<16xi32>
      %swap3A_219 = arith.index_cast %scan3A_200 : i32 to index
      %swap3A_220 = arith.constant 16 : index
      %swap3A_221 = tpu.vector_load %arg7[%swap3A_219, %swap3A_220] {strides = array<i32>} : memref<125x80xi32, #tpu.memory_space<vmem>>, vector<16xi32>,
      tpu.vector_store %arg7[%swap3A_219, %swap3A_220], %add3A_218 {strides = array<i32>} : memref<125x80xi32, #tpu.memory_space<vmem>>, vector<16xi32>,
      %get3A_222 = arith.index_cast %scan3A_200 : i32 to index
      %get3A_223 = arith.constant 32 : index
      %get3A_224 = tpu.vector_load %arg7[%get3A_222, %get3A_223] {strides = array<i32>} : memref<125x80xi32, #tpu.memory_space<vmem>>, vector<16xi32>,
      %mul3A_225 = arith.constant 6 : i32
      %mul3A_226 = vector.broadcast %mul3A_225 : i32 to vector<16xi32>
      %mul3A_227 = arith.muli %get3A_224, %mul3A_226 : vector<16xi32>
      %add3A_228 = vector.broadcast %add3A_73 : i32 to vector<16xi32>
      %add3A_229 = arith.addi %mul3A_227, %add3A_228 : vector<16xi32>
      %swap3A_230 = arith.index_cast %scan3A_200 : i32 to index
      %swap3A_231 = arith.constant 32 : index
      %swap3A_232 = tpu.vector_load %arg7[%swap3A_230, %swap3A_231] {strides = array<i32>} : memref<125x80xi32, #tpu.memory_space<vmem>>, vector<16xi32>,
      tpu.vector_store %arg7[%swap3A_230, %swap3A_231], %add3A_229 {strides = array<i32>} : memref<125x80xi32, #tpu.memory_space<vmem>>, vector<16xi32>,
      %get3A_233 = arith.index_cast %scan3A_200 : i32 to index
      %get3A_234 = arith.constant 48 : index
      %get3A_235 = tpu.vector_load %arg7[%get3A_233, %get3A_234] {strides = array<i32>} : memref<125x80xi32, #tpu.memory_space<vmem>>, vector<16xi32>,
      %mul3A_236 = arith.constant 6 : i32
      %mul3A_237 = vector.broadcast %mul3A_236 : i32 to vector<16xi32>
      %mul3A_238 = arith.muli %get3A_235, %mul3A_237 : vector<16xi32>
      %add3A_239 = vector.broadcast %add3A_73 : i32 to vector<16xi32>
      %add3A_240 = arith.addi %mul3A_238, %add3A_239 : vector<16xi32>
      %swap3A_241 = arith.index_cast %scan3A_200 : i32 to index
      %swap3A_242 = arith.constant 48 : index
      %swap3A_243 = tpu.vector_load %arg7[%swap3A_241, %swap3A_242] {strides = array<i32>} : memref<125x80xi32, #tpu.memory_space<vmem>>, vector<16xi32>,
      tpu.vector_store %arg7[%swap3A_241, %swap3A_242], %add3A_240 {strides = array<i32>} : memref<125x80xi32, #tpu.memory_space<vmem>>, vector<16xi32>,
      %get3A_244 = arith.index_cast %scan3A_200 : i32 to index
      %get3A_245 = arith.constant 64 : index
      %get3A_246 = tpu.vector_load %arg7[%get3A_244, %get3A_245] {strides = array<i32>} : memref<125x80xi32, #tpu.memory_space<vmem>>, vector<16xi32>,
      %mul3A_247 = arith.constant 6 : i32
      %mul3A_248 = vector.broadcast %mul3A_247 : i32 to vector<16xi32>
      %mul3A_249 = arith.muli %get3A_246, %mul3A_248 : vector<16xi32>
      %add3A_250 = vector.broadcast %add3A_73 : i32 to vector<16xi32>
      %add3A_251 = arith.addi %mul3A_249, %add3A_250 : vector<16xi32>
      %swap3A_252 = arith.index_cast %scan3A_200 : i32 to index
      %swap3A_253 = arith.constant 64 : index
      %swap3A_254 = tpu.vector_load %arg7[%swap3A_252, %swap3A_253] {strides = array<i32>} : memref<125x80xi32, #tpu.memory_space<vmem>>, vector<16xi32>,
      tpu.vector_store %arg7[%swap3A_252, %swap3A_253], %add3A_251 {strides = array<i32>} : memref<125x80xi32, #tpu.memory_space<vmem>>, vector<16xi32>,
      %scan3A_255 = arith.constant 0 : i32
      scf.yield %scan3A_255 : i32
    }
    %scan3A_100 = arith.constant 125 : i32
    %barrier3A_101 = arith.constant 0 : index
    tpu.barrier barrier_id(%barrier3A_101)
    %dma_start3A_102 = arith.constant 0 : i32
    %dma_start3A_103 = arith.constant 0 : i32
    %dma_start3A_104 = tpu.memref_slice %arg7[%dma_start3A_102, %dma_start3A_103] : memref<125x80xi32, #tpu.memory_space<vmem>> -> memref<1x80xi32, #tpu.memory_space<vmem>>
    %dma_start3A_105 = tpu.memref_squeeze %dma_start3A_104 : memref<1x80xi32, #tpu.memory_space<vmem>> -> memref<80xi32, #tpu.memory_space<vmem>>
    %dma_start3A_106 = arith.constant 0 : i32
    %dma_start3A_107 = arith.constant 0 : i32
    %dma_start3A_108 = tpu.memref_slice %arg2[%dma_start3A_106, %dma_start3A_107] : memref<60000x48xf32, #tpu.memory_space<hbm>> -> memref<60000x48xf32, #tpu.memory_space<hbm>>
    tpu.enqueue_indirect_dma source(%dma_start3A_108 : memref<60000x48xf32, #tpu.memory_space<hbm>>) target(%arg9 : memref<80x48xf32, #tpu.memory_space<vmem>>) offsets(%dma_start3A_105 : memref<80xi32, #tpu.memory_space<vmem>>) semaphore(%arg17 : memref<!tpu.dma_semaphore, #tpu.memory_space<semaphore_mem>>)
    %mul3A_109 = arith.constant 160000 : i32
    %mul3A_110 = arith.muli %add3A_73, %mul3A_109 : i32
    %mul3A_111 = arith.constant 10000 : i32
    %mul3A_112 = arith.muli %arg1, %mul3A_111 : i32
    %add3A_113 = arith.addi %mul3A_110, %mul3A_112 : i32
    %add3A_114 = arith.constant 0 : i32
    %add3A_115 = arith.addi %add3A_113, %add3A_114 : i32
    %dma_start3A_116 = arith.constant 0 : i32
    %dma_start3A_117 = tpu.memref_slice %arg3[%add3A_115, %dma_start3A_116] : memref<960000x48xf32, #tpu.memory_space<hbm>> -> memref<80x48xf32, #tpu.memory_space<hbm>>
    %dma_start3A_118 = arith.constant 0 : i32
    %dma_start3A_119 = tpu.memref_slice %arg3[%add3A_115, %dma_start3A_118] : memref<960000x48xf32, #tpu.memory_space<hbm>> -> memref<80x48xf32, #tpu.memory_space<hbm>>
    tpu.enqueue_dma source(%dma_start3A_119 : memref<80x48xf32, #tpu.memory_space<hbm>>) target(%arg11 : memref<80x48xf32, #tpu.memory_space<vmem>>) target_semaphore(%arg17 : memref<!tpu.dma_semaphore, #tpu.memory_space<semaphore_mem>>)
    %scan3A_120 = arith.constant 0 : i32
    %scan3A_121 = arith.constant 0 : i32
    %scan3A_122 = arith.constant 125 : i32
    %scan3A_123 = arith.addi %scan3A_121, %scan3A_122 : i32
    %scan3A_124 = arith.constant 1 : i32
    %scan3A_125 = scf.for %scan3A_200 = %scan3A_121 to %scan3A_123 step %scan3A_124 iter_args(%scan3A_201 = %scan3A_120) -> (i32)  : i32 {
      %rem3A = arith.constant 2 : i32
      %rem3A_202 = arith.remsi %scan3A_200, %rem3A : i32
      %eq3A = arith.constant 0 : i32
      %eq3A_203 = arith.cmpi eq, %rem3A_202, %eq3A : i32
      %convert_element_type3A = arith.extui %eq3A_203 : i1 to i32
      %cond3A = arith.constant 0 : i32
      %cond3A_204 = arith.cmpi ne, %convert_element_type3A, %cond3A : i32
      scf.if %cond3A_204 {
        %dma_wait3A = arith.constant 0 : i32
        %dma_wait3A_213 = arith.constant 0 : i32
        %dma_wait3A_214 = tpu.memref_slice %arg3[%dma_wait3A, %dma_wait3A_213] : memref<960000x48xf32, #tpu.memory_space<hbm>> -> memref<80x48xf32, #tpu.memory_space<hbm>>
        %dma_wait3A_215 = arith.constant 0 : i32
        %dma_wait3A_216 = arith.constant 0 : i32
        %dma_wait3A_217 = tpu.memref_slice %arg3[%dma_wait3A_215, %dma_wait3A_216] : memref<960000x48xf32, #tpu.memory_space<hbm>> -> memref<80x48xf32, #tpu.memory_space<hbm>>
        tpu.wait_dma2 semaphore(%arg17 : memref<!tpu.dma_semaphore, #tpu.memory_space<semaphore_mem>>) src(%dma_wait3A_217 : memref<80x48xf32, #tpu.memory_space<hbm>>) dst(%arg9 : memref<80x48xf32, #tpu.memory_space<vmem>>)
        %dma_wait3A_218 = arith.constant 0 : i32
        %dma_wait3A_219 = arith.constant 0 : i32
        %dma_wait3A_220 = tpu.memref_slice %arg3[%dma_wait3A_218, %dma_wait3A_219] : memref<960000x48xf32, #tpu.memory_space<hbm>> -> memref<80x48xf32, #tpu.memory_space<hbm>>
        %dma_wait3A_221 = arith.constant 0 : i32
        %dma_wait3A_222 = arith.constant 0 : i32
        %dma_wait3A_223 = tpu.memref_slice %arg3[%dma_wait3A_221, %dma_wait3A_222] : memref<960000x48xf32, #tpu.memory_space<hbm>> -> memref<80x48xf32, #tpu.memory_space<hbm>>
        tpu.wait_dma2 semaphore(%arg17 : memref<!tpu.dma_semaphore, #tpu.memory_space<semaphore_mem>>) src(%dma_wait3A_223 : memref<80x48xf32, #tpu.memory_space<hbm>>) dst(%arg11 : memref<80x48xf32, #tpu.memory_space<vmem>>)
        %lt3A = arith.constant 124 : i32
        %lt3A_224 = arith.cmpi slt, %scan3A_200, %lt3A : i32
        %convert_element_type3A_225 = arith.extui %lt3A_224 : i1 to i32
        %cond3A_226 = arith.constant 0 : i32
        %cond3A_227 = arith.cmpi ne, %convert_element_type3A_225, %cond3A_226 : i32
        scf.if %cond3A_227 {
          %add3A_235 = arith.constant 1 : i32
          %add3A_236 = arith.addi %scan3A_200, %add3A_235 : i32
          %dma_start3A_237 = arith.constant 0 : i32
          %dma_start3A_238 = tpu.memref_slice %arg7[%add3A_236, %dma_start3A_237] : memref<125x80xi32, #tpu.memory_space<vmem>> -> memref<1x80xi32, #tpu.memory_space<vmem>>
          %dma_start3A_239 = tpu.memref_squeeze %dma_start3A_238 : memref<1x80xi32, #tpu.memory_space<vmem>> -> memref<80xi32, #tpu.memory_space<vmem>>
          %dma_start3A_240 = arith.constant 0 : i32
          %dma_start3A_241 = arith.constant 0 : i32
          %dma_start3A_242 = tpu.memref_slice %arg2[%dma_start3A_240, %dma_start3A_241] : memref<60000x48xf32, #tpu.memory_space<hbm>> -> memref<60000x48xf32, #tpu.memory_space<hbm>>
          tpu.enqueue_indirect_dma source(%dma_start3A_242 : memref<60000x48xf32, #tpu.memory_space<hbm>>) target(%arg10 : memref<80x48xf32, #tpu.memory_space<vmem>>) offsets(%dma_start3A_239 : memref<80xi32, #tpu.memory_space<vmem>>) semaphore(%arg18 : memref<!tpu.dma_semaphore, #tpu.memory_space<semaphore_mem>>)
          %mul3A_243 = arith.constant 160000 : i32
          %mul3A_244 = arith.muli %add3A_73, %mul3A_243 : i32
          %mul3A_245 = arith.constant 10000 : i32
          %mul3A_246 = arith.muli %arg1, %mul3A_245 : i32
          %add3A_247 = arith.addi %mul3A_244, %mul3A_246 : i32
          %mul3A_248 = arith.constant 80 : i32
          %mul3A_249 = arith.muli %add3A_236, %mul3A_248 : i32
          %add3A_250 = arith.addi %add3A_247, %mul3A_249 : i32
          %dma_start3A_251 = arith.constant 0 : i32
          %dma_start3A_252 = tpu.memref_slice %arg3[%add3A_250, %dma_start3A_251] : memref<960000x48xf32, #tpu.memory_space<hbm>> -> memref<80x48xf32, #tpu.memory_space<hbm>>
          %dma_start3A_253 = arith.constant 0 : i32
          %dma_start3A_254 = tpu.memref_slice %arg3[%add3A_250, %dma_start3A_253] : memref<960000x48xf32, #tpu.memory_space<hbm>> -> memref<80x48xf32, #tpu.memory_space<hbm>>
          tpu.enqueue_dma source(%dma_start3A_254 : memref<80x48xf32, #tpu.memory_space<hbm>>) target(%arg12 : memref<80x48xf32, #tpu.memory_space<vmem>>) target_semaphore(%arg18 : memref<!tpu.dma_semaphore, #tpu.memory_space<semaphore_mem>>)
        } else {
        }
        %scan3A_228 = arith.constant 0 : i32
        %scan3A_229 = arith.constant 0 : i32
        %scan3A_230 = arith.constant 80 : i32
        %scan3A_231 = arith.addi %scan3A_229, %scan3A_230 : i32
        %scan3A_232 = arith.constant 1 : i32
        %scan3A_233 = scf.for %scan3A_235 = %scan3A_229 to %scan3A_231 step %scan3A_232 iter_args(%scan3A_236 = %scan3A_228) -> (i32)  : i32 {
          %get3A = arith.index_cast %scan3A_235 : i32 to index
          %get3A_237 = arith.constant 0 : index
          %get3A_238 = tpu.vector_load %arg9[%get3A, %get3A_237] {strides = array<i32>} : memref<80x48xf32, #tpu.memory_space<vmem>>, vector<16xf32>,
          %bitcast3A = vector.bitcast %get3A_238 : vector<16xf32> to vector<16xi32>
          %shift_left3A = arith.constant 16 : i32
          %shift_left3A_239 = vector.broadcast %shift_left3A : i32 to vector<16xi32>
          %shift_left3A_240 = arith.shli %bitcast3A, %shift_left3A_239 : vector<16xi32>
          %bitcast3A_241 = vector.bitcast %shift_left3A_240 : vector<16xi32> to vector<16xf32>
          %and3A = arith.andi %bitcast3A, %broadcast_in_dim3A_8 : vector<16xi32>
          %bitcast3A_242 = vector.bitcast %and3A : vector<16xi32> to vector<16xf32>
          %get3A_243 = arith.index_cast %scan3A_235 : i32 to index
          %get3A_244 = arith.constant 0 : index
          %get3A_245 = tpu.vector_load %arg11[%get3A_243, %get3A_244] {strides = array<i32>} : memref<80x48xf32, #tpu.memory_space<vmem>>, vector<16xf32>,
          %bitcast3A_246 = vector.bitcast %get3A_245 : vector<16xf32> to vector<16xi32>
          %shift_left3A_247 = arith.constant 16 : i32
          %shift_left3A_248 = vector.broadcast %shift_left3A_247 : i32 to vector<16xi32>
          %shift_left3A_249 = arith.shli %bitcast3A_246, %shift_left3A_248 : vector<16xi32>
          %bitcast3A_250 = vector.bitcast %shift_left3A_249 : vector<16xi32> to vector<16xf32>
          %and3A_251 = arith.andi %bitcast3A_246, %broadcast_in_dim3A_8 : vector<16xi32>
          %bitcast3A_252 = vector.bitcast %and3A_251 : vector<16xi32> to vector<16xf32>
          %add3A_253 = arith.addf %bitcast3A_241, %bitcast3A_250 : vector<16xf32>
          %max3A = arith.constant 0.000000e+00 : f32
          %max3A_254 = vector.broadcast %max3A : f32 to vector<16xf32>
          %max3A_255 = arith.maximumf %add3A_253, %max3A_254 : vector<16xf32>
          %swap3A = arith.index_cast %scan3A_235 : i32 to index
          %swap3A_256 = arith.constant 0 : index
          %swap3A_257 = tpu.vector_load %arg13[%swap3A, %swap3A_256] {strides = array<i32>} : memref<80x96xf32, #tpu.memory_space<vmem>>, vector<16xf32>,
          tpu.vector_store %arg13[%swap3A, %swap3A_256], %max3A_255 {strides = array<i32>} : memref<80x96xf32, #tpu.memory_space<vmem>>, vector<16xf32>,
          %add3A_258 = arith.addf %bitcast3A_242, %bitcast3A_252 : vector<16xf32>
          %max3A_259 = arith.constant 0.000000e+00 : f32
          %max3A_260 = vector.broadcast %max3A_259 : f32 to vector<16xf32>
          %max3A_261 = arith.maximumf %add3A_258, %max3A_260 : vector<16xf32>
          %swap3A_262 = arith.index_cast %scan3A_235 : i32 to index
          %swap3A_263 = arith.constant 16 : index
          %swap3A_264 = tpu.vector_load %arg13[%swap3A_262, %swap3A_263] {strides = array<i32>} : memref<80x96xf32, #tpu.memory_space<vmem>>, vector<16xf32>,
          tpu.vector_store %arg13[%swap3A_262, %swap3A_263], %max3A_261 {strides = array<i32>} : memref<80x96xf32, #tpu.memory_space<vmem>>, vector<16xf32>,
          %get3A_265 = arith.index_cast %scan3A_235 : i32 to index
          %get3A_266 = arith.constant 16 : index
          %get3A_267 = tpu.vector_load %arg9[%get3A_265, %get3A_266] {strides = array<i32>} : memref<80x48xf32, #tpu.memory_space<vmem>>, vector<16xf32>,
          %bitcast3A_268 = vector.bitcast %get3A_267 : vector<16xf32> to vector<16xi32>
          %shift_left3A_269 = arith.constant 16 : i32
          %shift_left3A_270 = vector.broadcast %shift_left3A_269 : i32 to vector<16xi32>
          %shift_left3A_271 = arith.shli %bitcast3A_268, %shift_left3A_270 : vector<16xi32>
          %bitcast3A_272 = vector.bitcast %shift_left3A_271 : vector<16xi32> to vector<16xf32>
          %and3A_273 = arith.andi %bitcast3A_268, %broadcast_in_dim3A_8 : vector<16xi32>
          %bitcast3A_274 = vector.bitcast %and3A_273 : vector<16xi32> to vector<16xf32>
          %get3A_275 = arith.index_cast %scan3A_235 : i32 to index
          %get3A_276 = arith.constant 16 : index
          %get3A_277 = tpu.vector_load %arg11[%get3A_275, %get3A_276] {strides = array<i32>} : memref<80x48xf32, #tpu.memory_space<vmem>>, vector<16xf32>,
          %bitcast3A_278 = vector.bitcast %get3A_277 : vector<16xf32> to vector<16xi32>
          %shift_left3A_279 = arith.constant 16 : i32
          %shift_left3A_280 = vector.broadcast %shift_left3A_279 : i32 to vector<16xi32>
          %shift_left3A_281 = arith.shli %bitcast3A_278, %shift_left3A_280 : vector<16xi32>
          %bitcast3A_282 = vector.bitcast %shift_left3A_281 : vector<16xi32> to vector<16xf32>
          %and3A_283 = arith.andi %bitcast3A_278, %broadcast_in_dim3A_8 : vector<16xi32>
          %bitcast3A_284 = vector.bitcast %and3A_283 : vector<16xi32> to vector<16xf32>
          %add3A_285 = arith.addf %bitcast3A_272, %bitcast3A_282 : vector<16xf32>
          %max3A_286 = arith.constant 0.000000e+00 : f32
          %max3A_287 = vector.broadcast %max3A_286 : f32 to vector<16xf32>
          %max3A_288 = arith.maximumf %add3A_285, %max3A_287 : vector<16xf32>
          %swap3A_289 = arith.index_cast %scan3A_235 : i32 to index
          %swap3A_290 = arith.constant 32 : index
          %swap3A_291 = tpu.vector_load %arg13[%swap3A_289, %swap3A_290] {strides = array<i32>} : memref<80x96xf32, #tpu.memory_space<vmem>>, vector<16xf32>,
          tpu.vector_store %arg13[%swap3A_289, %swap3A_290], %max3A_288 {strides = array<i32>} : memref<80x96xf32, #tpu.memory_space<vmem>>, vector<16xf32>,
          %add3A_292 = arith.addf %bitcast3A_274, %bitcast3A_284 : vector<16xf32>
          %max3A_293 = arith.constant 0.000000e+00 : f32
          %max3A_294 = vector.broadcast %max3A_293 : f32 to vector<16xf32>
          %max3A_295 = arith.maximumf %add3A_292, %max3A_294 : vector<16xf32>
          %swap3A_296 = arith.index_cast %scan3A_235 : i32 to index
          %swap3A_297 = arith.constant 48 : index
          %swap3A_298 = tpu.vector_load %arg13[%swap3A_296, %swap3A_297] {strides = array<i32>} : memref<80x96xf32, #tpu.memory_space<vmem>>, vector<16xf32>,
          tpu.vector_store %arg13[%swap3A_296, %swap3A_297], %max3A_295 {strides = array<i32>} : memref<80x96xf32, #tpu.memory_space<vmem>>, vector<16xf32>,
          %get3A_299 = arith.index_cast %scan3A_235 : i32 to index
          %get3A_300 = arith.constant 32 : index
          %get3A_301 = tpu.vector_load %arg9[%get3A_299, %get3A_300] {strides = array<i32>} : memref<80x48xf32, #tpu.memory_space<vmem>>, vector<16xf32>,
          %bitcast3A_302 = vector.bitcast %get3A_301 : vector<16xf32> to vector<16xi32>
          %shift_left3A_303 = arith.constant 16 : i32
          %shift_left3A_304 = vector.broadcast %shift_left3A_303 : i32 to vector<16xi32>
          %shift_left3A_305 = arith.shli %bitcast3A_302, %shift_left3A_304 : vector<16xi32>
          %bitcast3A_306 = vector.bitcast %shift_left3A_305 : vector<16xi32> to vector<16xf32>
          %and3A_307 = arith.andi %bitcast3A_302, %broadcast_in_dim3A_8 : vector<16xi32>
          %bitcast3A_308 = vector.bitcast %and3A_307 : vector<16xi32> to vector<16xf32>
          %get3A_309 = arith.index_cast %scan3A_235 : i32 to index
          %get3A_310 = arith.constant 32 : index
          %get3A_311 = tpu.vector_load %arg11[%get3A_309, %get3A_310] {strides = array<i32>} : memref<80x48xf32, #tpu.memory_space<vmem>>, vector<16xf32>,
          %bitcast3A_312 = vector.bitcast %get3A_311 : vector<16xf32> to vector<16xi32>
          %shift_left3A_313 = arith.constant 16 : i32
          %shift_left3A_314 = vector.broadcast %shift_left3A_313 : i32 to vector<16xi32>
          %shift_left3A_315 = arith.shli %bitcast3A_312, %shift_left3A_314 : vector<16xi32>
          %bitcast3A_316 = vector.bitcast %shift_left3A_315 : vector<16xi32> to vector<16xf32>
          %and3A_317 = arith.andi %bitcast3A_312, %broadcast_in_dim3A_8 : vector<16xi32>
          %bitcast3A_318 = vector.bitcast %and3A_317 : vector<16xi32> to vector<16xf32>
          %add3A_319 = arith.addf %bitcast3A_306, %bitcast3A_316 : vector<16xf32>
          %max3A_320 = arith.constant 0.000000e+00 : f32
          %max3A_321 = vector.broadcast %max3A_320 : f32 to vector<16xf32>
          %max3A_322 = arith.maximumf %add3A_319, %max3A_321 : vector<16xf32>
          %swap3A_323 = arith.index_cast %scan3A_235 : i32 to index
          %swap3A_324 = arith.constant 64 : index
          %swap3A_325 = tpu.vector_load %arg13[%swap3A_323, %swap3A_324] {strides = array<i32>} : memref<80x96xf32, #tpu.memory_space<vmem>>, vector<16xf32>,
          tpu.vector_store %arg13[%swap3A_323, %swap3A_324], %max3A_322 {strides = array<i32>} : memref<80x96xf32, #tpu.memory_space<vmem>>, vector<16xf32>,
          %add3A_326 = arith.addf %bitcast3A_308, %bitcast3A_318 : vector<16xf32>
          %max3A_327 = arith.constant 0.000000e+00 : f32
          %max3A_328 = vector.broadcast %max3A_327 : f32 to vector<16xf32>
          %max3A_329 = arith.maximumf %add3A_326, %max3A_328 : vector<16xf32>
          %swap3A_330 = arith.index_cast %scan3A_235 : i32 to index
          %swap3A_331 = arith.constant 80 : index
          %swap3A_332 = tpu.vector_load %arg13[%swap3A_330, %swap3A_331] {strides = array<i32>} : memref<80x96xf32, #tpu.memory_space<vmem>>, vector<16xf32>,
          tpu.vector_store %arg13[%swap3A_330, %swap3A_331], %max3A_329 {strides = array<i32>} : memref<80x96xf32, #tpu.memory_space<vmem>>, vector<16xf32>,
          %scan3A_333 = arith.constant 0 : i32
          scf.yield %scan3A_333 : i32
        }
        %scan3A_234 = arith.constant 80 : i32
        "tpu.region"() ({
          %run_scoped3A = tpu.sem_alloc : memref<!tpu.dma_semaphore, #tpu.memory_space<semaphore_mem>>
          %dma_start3A_235 = arith.constant 0 : i32
          %dma_start3A_236 = tpu.memref_slice %arg8[%scan3A_200, %dma_start3A_235] : memref<125x80xi32, #tpu.memory_space<vmem>> -> memref<1x80xi32, #tpu.memory_space<vmem>>
          %dma_start3A_237 = tpu.memref_squeeze %dma_start3A_236 : memref<1x80xi32, #tpu.memory_space<vmem>> -> memref<80xi32, #tpu.memory_space<vmem>>
          %dma_start3A_238 = arith.constant 0 : i32
          %dma_start3A_239 = arith.constant 0 : i32
          %dma_start3A_240 = tpu.memref_slice %arg16[%dma_start3A_238, %dma_start3A_239] : memref<10000x96xf32, #tpu.memory_space<vmem_shared>> -> memref<10000x96xf32, #tpu.memory_space<vmem_shared>>
          tpu.enqueue_indirect_dma source(%arg13 : memref<80x96xf32, #tpu.memory_space<vmem>>) target(%dma_start3A_240 : memref<10000x96xf32, #tpu.memory_space<vmem_shared>>) offsets(%dma_start3A_237 : memref<80xi32, #tpu.memory_space<vmem>>) semaphore(%run_scoped3A : memref<!tpu.dma_semaphore, #tpu.memory_space<semaphore_mem>>) {add = true}
          %dma_wait3A_241 = arith.constant 0 : i32
          %dma_wait3A_242 = tpu.memref_slice %arg8[%scan3A_200, %dma_wait3A_241] : memref<125x80xi32, #tpu.memory_space<vmem>> -> memref<1x80xi32, #tpu.memory_space<vmem>>
          %dma_wait3A_243 = tpu.memref_squeeze %dma_wait3A_242 : memref<1x80xi32, #tpu.memory_space<vmem>> -> memref<80xi32, #tpu.memory_space<vmem>>
          %dma_wait3A_244 = arith.constant 0 : i32
          %dma_wait3A_245 = arith.constant 0 : i32
          %dma_wait3A_246 = tpu.memref_slice %arg16[%dma_wait3A_244, %dma_wait3A_245] : memref<10000x96xf32, #tpu.memory_space<vmem_shared>> -> memref<10000x96xf32, #tpu.memory_space<vmem_shared>>
          tpu.wait_indirect_dma semaphore(%run_scoped3A : memref<!tpu.dma_semaphore, #tpu.memory_space<semaphore_mem>>) src(%arg13 : memref<80x96xf32, #tpu.memory_space<vmem>>) dst(%dma_wait3A_246 : memref<10000x96xf32, #tpu.memory_space<vmem_shared>>)
          tpu.yield
        }) : () -> ()
      } else {
      }
      %rem3A_205 = arith.constant 2 : i32
      %rem3A_206 = arith.remsi %scan3A_200, %rem3A_205 : i32
      %eq3A_207 = arith.constant 1 : i32
      %eq3A_208 = arith.cmpi eq, %rem3A_206, %eq3A_207 : i32
      %convert_element_type3A_209 = arith.extui %eq3A_208 : i1 to i32
      %cond3A_210 = arith.constant 0 : i32
      %cond3A_211 = arith.cmpi ne, %convert_element_type3A_209, %cond3A_210 : i32
      scf.if %cond3A_211 {
        %dma_wait3A = arith.constant 0 : i32
        %dma_wait3A_213 = arith.constant 0 : i32
        %dma_wait3A_214 = tpu.memref_slice %arg3[%dma_wait3A, %dma_wait3A_213] : memref<960000x48xf32, #tpu.memory_space<hbm>> -> memref<80x48xf32, #tpu.memory_space<hbm>>
        %dma_wait3A_215 = arith.constant 0 : i32
        %dma_wait3A_216 = arith.constant 0 : i32
        %dma_wait3A_217 = tpu.memref_slice %arg3[%dma_wait3A_215, %dma_wait3A_216] : memref<960000x48xf32, #tpu.memory_space<hbm>> -> memref<80x48xf32, #tpu.memory_space<hbm>>
        tpu.wait_dma2 semaphore(%arg18 : memref<!tpu.dma_semaphore, #tpu.memory_space<semaphore_mem>>) src(%dma_wait3A_217 : memref<80x48xf32, #tpu.memory_space<hbm>>) dst(%arg10 : memref<80x48xf32, #tpu.memory_space<vmem>>)
        %dma_wait3A_218 = arith.constant 0 : i32
        %dma_wait3A_219 = arith.constant 0 : i32
        %dma_wait3A_220 = tpu.memref_slice %arg3[%dma_wait3A_218, %dma_wait3A_219] : memref<960000x48xf32, #tpu.memory_space<hbm>> -> memref<80x48xf32, #tpu.memory_space<hbm>>
        %dma_wait3A_221 = arith.constant 0 : i32
        %dma_wait3A_222 = arith.constant 0 : i32
        %dma_wait3A_223 = tpu.memref_slice %arg3[%dma_wait3A_221, %dma_wait3A_222] : memref<960000x48xf32, #tpu.memory_space<hbm>> -> memref<80x48xf32, #tpu.memory_space<hbm>>
        tpu.wait_dma2 semaphore(%arg18 : memref<!tpu.dma_semaphore, #tpu.memory_space<semaphore_mem>>) src(%dma_wait3A_223 : memref<80x48xf32, #tpu.memory_space<hbm>>) dst(%arg12 : memref<80x48xf32, #tpu.memory_space<vmem>>)
        %lt3A = arith.constant 124 : i32
        %lt3A_224 = arith.cmpi slt, %scan3A_200, %lt3A : i32
        %convert_element_type3A_225 = arith.extui %lt3A_224 : i1 to i32
        %cond3A_226 = arith.constant 0 : i32
        %cond3A_227 = arith.cmpi ne, %convert_element_type3A_225, %cond3A_226 : i32
        scf.if %cond3A_227 {
          %add3A_235 = arith.constant 1 : i32
          %add3A_236 = arith.addi %scan3A_200, %add3A_235 : i32
          %dma_start3A_237 = arith.constant 0 : i32
          %dma_start3A_238 = tpu.memref_slice %arg7[%add3A_236, %dma_start3A_237] : memref<125x80xi32, #tpu.memory_space<vmem>> -> memref<1x80xi32, #tpu.memory_space<vmem>>
          %dma_start3A_239 = tpu.memref_squeeze %dma_start3A_238 : memref<1x80xi32, #tpu.memory_space<vmem>> -> memref<80xi32, #tpu.memory_space<vmem>>
          %dma_start3A_240 = arith.constant 0 : i32
          %dma_start3A_241 = arith.constant 0 : i32
          %dma_start3A_242 = tpu.memref_slice %arg2[%dma_start3A_240, %dma_start3A_241] : memref<60000x48xf32, #tpu.memory_space<hbm>> -> memref<60000x48xf32, #tpu.memory_space<hbm>>
          tpu.enqueue_indirect_dma source(%dma_start3A_242 : memref<60000x48xf32, #tpu.memory_space<hbm>>) target(%arg9 : memref<80x48xf32, #tpu.memory_space<vmem>>) offsets(%dma_start3A_239 : memref<80xi32, #tpu.memory_space<vmem>>) semaphore(%arg17 : memref<!tpu.dma_semaphore, #tpu.memory_space<semaphore_mem>>)
          %mul3A_243 = arith.constant 160000 : i32
          %mul3A_244 = arith.muli %add3A_73, %mul3A_243 : i32
          %mul3A_245 = arith.constant 10000 : i32
          %mul3A_246 = arith.muli %arg1, %mul3A_245 : i32
          %add3A_247 = arith.addi %mul3A_244, %mul3A_246 : i32
          %mul3A_248 = arith.constant 80 : i32
          %mul3A_249 = arith.muli %add3A_236, %mul3A_248 : i32
          %add3A_250 = arith.addi %add3A_247, %mul3A_249 : i32
          %dma_start3A_251 = arith.constant 0 : i32
          %dma_start3A_252 = tpu.memref_slice %arg3[%add3A_250, %dma_start3A_251] : memref<960000x48xf32, #tpu.memory_space<hbm>> -> memref<80x48xf32, #tpu.memory_space<hbm>>
          %dma_start3A_253 = arith.constant 0 : i32
          %dma_start3A_254 = tpu.memref_slice %arg3[%add3A_250, %dma_start3A_253] : memref<960000x48xf32, #tpu.memory_space<hbm>> -> memref<80x48xf32, #tpu.memory_space<hbm>>
          tpu.enqueue_dma source(%dma_start3A_254 : memref<80x48xf32, #tpu.memory_space<hbm>>) target(%arg11 : memref<80x48xf32, #tpu.memory_space<vmem>>) target_semaphore(%arg17 : memref<!tpu.dma_semaphore, #tpu.memory_space<semaphore_mem>>)
        } else {
        }
        %scan3A_228 = arith.constant 0 : i32
        %scan3A_229 = arith.constant 0 : i32
        %scan3A_230 = arith.constant 80 : i32
        %scan3A_231 = arith.addi %scan3A_229, %scan3A_230 : i32
        %scan3A_232 = arith.constant 1 : i32
        %scan3A_233 = scf.for %scan3A_235 = %scan3A_229 to %scan3A_231 step %scan3A_232 iter_args(%scan3A_236 = %scan3A_228) -> (i32)  : i32 {
          %get3A = arith.index_cast %scan3A_235 : i32 to index
          %get3A_237 = arith.constant 0 : index
          %get3A_238 = tpu.vector_load %arg10[%get3A, %get3A_237] {strides = array<i32>} : memref<80x48xf32, #tpu.memory_space<vmem>>, vector<16xf32>,
          %bitcast3A = vector.bitcast %get3A_238 : vector<16xf32> to vector<16xi32>
          %shift_left3A = arith.constant 16 : i32
          %shift_left3A_239 = vector.broadcast %shift_left3A : i32 to vector<16xi32>
          %shift_left3A_240 = arith.shli %bitcast3A, %shift_left3A_239 : vector<16xi32>
          %bitcast3A_241 = vector.bitcast %shift_left3A_240 : vector<16xi32> to vector<16xf32>
          %and3A = arith.andi %bitcast3A, %broadcast_in_dim3A_8 : vector<16xi32>
          %bitcast3A_242 = vector.bitcast %and3A : vector<16xi32> to vector<16xf32>
          %get3A_243 = arith.index_cast %scan3A_235 : i32 to index
          %get3A_244 = arith.constant 0 : index
          %get3A_245 = tpu.vector_load %arg12[%get3A_243, %get3A_244] {strides = array<i32>} : memref<80x48xf32, #tpu.memory_space<vmem>>, vector<16xf32>,
          %bitcast3A_246 = vector.bitcast %get3A_245 : vector<16xf32> to vector<16xi32>
          %shift_left3A_247 = arith.constant 16 : i32
          %shift_left3A_248 = vector.broadcast %shift_left3A_247 : i32 to vector<16xi32>
          %shift_left3A_249 = arith.shli %bitcast3A_246, %shift_left3A_248 : vector<16xi32>
          %bitcast3A_250 = vector.bitcast %shift_left3A_249 : vector<16xi32> to vector<16xf32>
          %and3A_251 = arith.andi %bitcast3A_246, %broadcast_in_dim3A_8 : vector<16xi32>
          %bitcast3A_252 = vector.bitcast %and3A_251 : vector<16xi32> to vector<16xf32>
          %add3A_253 = arith.addf %bitcast3A_241, %bitcast3A_250 : vector<16xf32>
          %max3A = arith.constant 0.000000e+00 : f32
          %max3A_254 = vector.broadcast %max3A : f32 to vector<16xf32>
          %max3A_255 = arith.maximumf %add3A_253, %max3A_254 : vector<16xf32>
          %swap3A = arith.index_cast %scan3A_235 : i32 to index
          %swap3A_256 = arith.constant 0 : index
          %swap3A_257 = tpu.vector_load %arg14[%swap3A, %swap3A_256] {strides = array<i32>} : memref<80x96xf32, #tpu.memory_space<vmem>>, vector<16xf32>,
          tpu.vector_store %arg14[%swap3A, %swap3A_256], %max3A_255 {strides = array<i32>} : memref<80x96xf32, #tpu.memory_space<vmem>>, vector<16xf32>,
          %add3A_258 = arith.addf %bitcast3A_242, %bitcast3A_252 : vector<16xf32>
          %max3A_259 = arith.constant 0.000000e+00 : f32
          %max3A_260 = vector.broadcast %max3A_259 : f32 to vector<16xf32>
          %max3A_261 = arith.maximumf %add3A_258, %max3A_260 : vector<16xf32>
          %swap3A_262 = arith.index_cast %scan3A_235 : i32 to index
          %swap3A_263 = arith.constant 16 : index
          %swap3A_264 = tpu.vector_load %arg14[%swap3A_262, %swap3A_263] {strides = array<i32>} : memref<80x96xf32, #tpu.memory_space<vmem>>, vector<16xf32>,
          tpu.vector_store %arg14[%swap3A_262, %swap3A_263], %max3A_261 {strides = array<i32>} : memref<80x96xf32, #tpu.memory_space<vmem>>, vector<16xf32>,
          %get3A_265 = arith.index_cast %scan3A_235 : i32 to index
          %get3A_266 = arith.constant 16 : index
          %get3A_267 = tpu.vector_load %arg10[%get3A_265, %get3A_266] {strides = array<i32>} : memref<80x48xf32, #tpu.memory_space<vmem>>, vector<16xf32>,
          %bitcast3A_268 = vector.bitcast %get3A_267 : vector<16xf32> to vector<16xi32>
          %shift_left3A_269 = arith.constant 16 : i32
          %shift_left3A_270 = vector.broadcast %shift_left3A_269 : i32 to vector<16xi32>
          %shift_left3A_271 = arith.shli %bitcast3A_268, %shift_left3A_270 : vector<16xi32>
          %bitcast3A_272 = vector.bitcast %shift_left3A_271 : vector<16xi32> to vector<16xf32>
          %and3A_273 = arith.andi %bitcast3A_268, %broadcast_in_dim3A_8 : vector<16xi32>
          %bitcast3A_274 = vector.bitcast %and3A_273 : vector<16xi32> to vector<16xf32>
          %get3A_275 = arith.index_cast %scan3A_235 : i32 to index
          %get3A_276 = arith.constant 16 : index
          %get3A_277 = tpu.vector_load %arg12[%get3A_275, %get3A_276] {strides = array<i32>} : memref<80x48xf32, #tpu.memory_space<vmem>>, vector<16xf32>,
          %bitcast3A_278 = vector.bitcast %get3A_277 : vector<16xf32> to vector<16xi32>
          %shift_left3A_279 = arith.constant 16 : i32
          %shift_left3A_280 = vector.broadcast %shift_left3A_279 : i32 to vector<16xi32>
          %shift_left3A_281 = arith.shli %bitcast3A_278, %shift_left3A_280 : vector<16xi32>
          %bitcast3A_282 = vector.bitcast %shift_left3A_281 : vector<16xi32> to vector<16xf32>
          %and3A_283 = arith.andi %bitcast3A_278, %broadcast_in_dim3A_8 : vector<16xi32>
          %bitcast3A_284 = vector.bitcast %and3A_283 : vector<16xi32> to vector<16xf32>
          %add3A_285 = arith.addf %bitcast3A_272, %bitcast3A_282 : vector<16xf32>
          %max3A_286 = arith.constant 0.000000e+00 : f32
          %max3A_287 = vector.broadcast %max3A_286 : f32 to vector<16xf32>
          %max3A_288 = arith.maximumf %add3A_285, %max3A_287 : vector<16xf32>
          %swap3A_289 = arith.index_cast %scan3A_235 : i32 to index
          %swap3A_290 = arith.constant 32 : index
          %swap3A_291 = tpu.vector_load %arg14[%swap3A_289, %swap3A_290] {strides = array<i32>} : memref<80x96xf32, #tpu.memory_space<vmem>>, vector<16xf32>,
          tpu.vector_store %arg14[%swap3A_289, %swap3A_290], %max3A_288 {strides = array<i32>} : memref<80x96xf32, #tpu.memory_space<vmem>>, vector<16xf32>,
          %add3A_292 = arith.addf %bitcast3A_274, %bitcast3A_284 : vector<16xf32>
          %max3A_293 = arith.constant 0.000000e+00 : f32
          %max3A_294 = vector.broadcast %max3A_293 : f32 to vector<16xf32>
          %max3A_295 = arith.maximumf %add3A_292, %max3A_294 : vector<16xf32>
          %swap3A_296 = arith.index_cast %scan3A_235 : i32 to index
          %swap3A_297 = arith.constant 48 : index
          %swap3A_298 = tpu.vector_load %arg14[%swap3A_296, %swap3A_297] {strides = array<i32>} : memref<80x96xf32, #tpu.memory_space<vmem>>, vector<16xf32>,
          tpu.vector_store %arg14[%swap3A_296, %swap3A_297], %max3A_295 {strides = array<i32>} : memref<80x96xf32, #tpu.memory_space<vmem>>, vector<16xf32>,
          %get3A_299 = arith.index_cast %scan3A_235 : i32 to index
          %get3A_300 = arith.constant 32 : index
          %get3A_301 = tpu.vector_load %arg10[%get3A_299, %get3A_300] {strides = array<i32>} : memref<80x48xf32, #tpu.memory_space<vmem>>, vector<16xf32>,
          %bitcast3A_302 = vector.bitcast %get3A_301 : vector<16xf32> to vector<16xi32>
          %shift_left3A_303 = arith.constant 16 : i32
          %shift_left3A_304 = vector.broadcast %shift_left3A_303 : i32 to vector<16xi32>
          %shift_left3A_305 = arith.shli %bitcast3A_302, %shift_left3A_304 : vector<16xi32>
          %bitcast3A_306 = vector.bitcast %shift_left3A_305 : vector<16xi32> to vector<16xf32>
          %and3A_307 = arith.andi %bitcast3A_302, %broadcast_in_dim3A_8 : vector<16xi32>
          %bitcast3A_308 = vector.bitcast %and3A_307 : vector<16xi32> to vector<16xf32>
          %get3A_309 = arith.index_cast %scan3A_235 : i32 to index
          %get3A_310 = arith.constant 32 : index
          %get3A_311 = tpu.vector_load %arg12[%get3A_309, %get3A_310] {strides = array<i32>} : memref<80x48xf32, #tpu.memory_space<vmem>>, vector<16xf32>,
          %bitcast3A_312 = vector.bitcast %get3A_311 : vector<16xf32> to vector<16xi32>
          %shift_left3A_313 = arith.constant 16 : i32
          %shift_left3A_314 = vector.broadcast %shift_left3A_313 : i32 to vector<16xi32>
          %shift_left3A_315 = arith.shli %bitcast3A_312, %shift_left3A_314 : vector<16xi32>
          %bitcast3A_316 = vector.bitcast %shift_left3A_315 : vector<16xi32> to vector<16xf32>
          %and3A_317 = arith.andi %bitcast3A_312, %broadcast_in_dim3A_8 : vector<16xi32>
          %bitcast3A_318 = vector.bitcast %and3A_317 : vector<16xi32> to vector<16xf32>
          %add3A_319 = arith.addf %bitcast3A_306, %bitcast3A_316 : vector<16xf32>
          %max3A_320 = arith.constant 0.000000e+00 : f32
          %max3A_321 = vector.broadcast %max3A_320 : f32 to vector<16xf32>
          %max3A_322 = arith.maximumf %add3A_319, %max3A_321 : vector<16xf32>
          %swap3A_323 = arith.index_cast %scan3A_235 : i32 to index
          %swap3A_324 = arith.constant 64 : index
          %swap3A_325 = tpu.vector_load %arg14[%swap3A_323, %swap3A_324] {strides = array<i32>} : memref<80x96xf32, #tpu.memory_space<vmem>>, vector<16xf32>,
          tpu.vector_store %arg14[%swap3A_323, %swap3A_324], %max3A_322 {strides = array<i32>} : memref<80x96xf32, #tpu.memory_space<vmem>>, vector<16xf32>,
          %add3A_326 = arith.addf %bitcast3A_308, %bitcast3A_318 : vector<16xf32>
          %max3A_327 = arith.constant 0.000000e+00 : f32
          %max3A_328 = vector.broadcast %max3A_327 : f32 to vector<16xf32>
          %max3A_329 = arith.maximumf %add3A_326, %max3A_328 : vector<16xf32>
          %swap3A_330 = arith.index_cast %scan3A_235 : i32 to index
          %swap3A_331 = arith.constant 80 : index
          %swap3A_332 = tpu.vector_load %arg14[%swap3A_330, %swap3A_331] {strides = array<i32>} : memref<80x96xf32, #tpu.memory_space<vmem>>, vector<16xf32>,
          tpu.vector_store %arg14[%swap3A_330, %swap3A_331], %max3A_329 {strides = array<i32>} : memref<80x96xf32, #tpu.memory_space<vmem>>, vector<16xf32>,
          %scan3A_333 = arith.constant 0 : i32
          scf.yield %scan3A_333 : i32
        }
        %scan3A_234 = arith.constant 80 : i32
        "tpu.region"() ({
          %run_scoped3A = tpu.sem_alloc : memref<!tpu.dma_semaphore, #tpu.memory_space<semaphore_mem>>
          %dma_start3A_235 = arith.constant 0 : i32
          %dma_start3A_236 = tpu.memref_slice %arg8[%scan3A_200, %dma_start3A_235] : memref<125x80xi32, #tpu.memory_space<vmem>> -> memref<1x80xi32, #tpu.memory_space<vmem>>
          %dma_start3A_237 = tpu.memref_squeeze %dma_start3A_236 : memref<1x80xi32, #tpu.memory_space<vmem>> -> memref<80xi32, #tpu.memory_space<vmem>>
          %dma_start3A_238 = arith.constant 0 : i32
          %dma_start3A_239 = arith.constant 0 : i32
          %dma_start3A_240 = tpu.memref_slice %arg16[%dma_start3A_238, %dma_start3A_239] : memref<10000x96xf32, #tpu.memory_space<vmem_shared>> -> memref<10000x96xf32, #tpu.memory_space<vmem_shared>>
          tpu.enqueue_indirect_dma source(%arg14 : memref<80x96xf32, #tpu.memory_space<vmem>>) target(%dma_start3A_240 : memref<10000x96xf32, #tpu.memory_space<vmem_shared>>) offsets(%dma_start3A_237 : memref<80xi32, #tpu.memory_space<vmem>>) semaphore(%run_scoped3A : memref<!tpu.dma_semaphore, #tpu.memory_space<semaphore_mem>>) {add = true}
          %dma_wait3A_241 = arith.constant 0 : i32
          %dma_wait3A_242 = tpu.memref_slice %arg8[%scan3A_200, %dma_wait3A_241] : memref<125x80xi32, #tpu.memory_space<vmem>> -> memref<1x80xi32, #tpu.memory_space<vmem>>
          %dma_wait3A_243 = tpu.memref_squeeze %dma_wait3A_242 : memref<1x80xi32, #tpu.memory_space<vmem>> -> memref<80xi32, #tpu.memory_space<vmem>>
          %dma_wait3A_244 = arith.constant 0 : i32
          %dma_wait3A_245 = arith.constant 0 : i32
          %dma_wait3A_246 = tpu.memref_slice %arg16[%dma_wait3A_244, %dma_wait3A_245] : memref<10000x96xf32, #tpu.memory_space<vmem_shared>> -> memref<10000x96xf32, #tpu.memory_space<vmem_shared>>
          tpu.wait_indirect_dma semaphore(%run_scoped3A : memref<!tpu.dma_semaphore, #tpu.memory_space<semaphore_mem>>) src(%arg14 : memref<80x96xf32, #tpu.memory_space<vmem>>) dst(%dma_wait3A_246 : memref<10000x96xf32, #tpu.memory_space<vmem_shared>>)
          tpu.yield
        }) : () -> ()
      } else {
      }
      %scan3A_212 = arith.constant 0 : i32
      scf.yield %scan3A_212 : i32
    }
    %scan3A_126 = arith.constant 125 : i32
    %barrier3A_127 = arith.constant 0 : index
    tpu.barrier barrier_id(%barrier3A_127)
    %mul3A_128 = arith.constant 625 : i32
    %mul3A_129 = arith.muli %arg1, %mul3A_128 : i32
    %mul3A_130 = arith.constant 10000 : i32
    %mul3A_131 = arith.muli %add3A_73, %mul3A_130 : i32
    %mul3A_132 = arith.constant 625 : i32
    %mul3A_133 = arith.muli %arg1, %mul3A_132 : i32
    %add3A_134 = arith.addi %mul3A_131, %mul3A_133 : i32
    "tpu.region"() ({
      %run_scoped3A = tpu.sem_alloc : memref<!tpu.dma_semaphore, #tpu.memory_space<semaphore_mem>>
      %dma_start3A_200 = arith.constant 0 : i32
      %dma_start3A_201 = tpu.memref_slice %arg6[%add3A_134, %dma_start3A_200] : memref<60000x96xf32, #tpu.memory_space<hbm>> -> memref<625x96xf32, #tpu.memory_space<hbm>>
      %dma_start3A_202 = arith.constant 0 : i32
      %dma_start3A_203 = tpu.memref_slice %arg16[%mul3A_129, %dma_start3A_202] : memref<10000x96xf32, #tpu.memory_space<vmem_shared>> -> memref<625x96xf32, #tpu.memory_space<vmem_shared>>
      tpu.enqueue_dma source(%dma_start3A_203 : memref<625x96xf32, #tpu.memory_space<vmem_shared>>) target(%dma_start3A_201 : memref<625x96xf32, #tpu.memory_space<hbm>>) target_semaphore(%run_scoped3A : memref<!tpu.dma_semaphore, #tpu.memory_space<semaphore_mem>>)
      %dma_wait3A = arith.constant 0 : i32
      %dma_wait3A_204 = tpu.memref_slice %arg6[%add3A_134, %dma_wait3A] : memref<60000x96xf32, #tpu.memory_space<hbm>> -> memref<625x96xf32, #tpu.memory_space<hbm>>
      %dma_wait3A_205 = arith.constant 0 : i32
      %dma_wait3A_206 = tpu.memref_slice %arg16[%mul3A_129, %dma_wait3A_205] : memref<10000x96xf32, #tpu.memory_space<vmem_shared>> -> memref<625x96xf32, #tpu.memory_space<vmem_shared>>
      tpu.wait_dma2 semaphore(%run_scoped3A : memref<!tpu.dma_semaphore, #tpu.memory_space<semaphore_mem>>) src(%dma_wait3A_206 : memref<625x96xf32, #tpu.memory_space<vmem_shared>>) dst(%dma_wait3A_204 : memref<625x96xf32, #tpu.memory_space<hbm>>)
      tpu.yield
    }) : () -> ()
    %mul3A_135 = arith.constant 3 : i32
    %mul3A_136 = arith.muli %mul3A_135, %arg0 : i32
    %add3A_137 = arith.constant 2 : i32
    %add3A_138 = arith.addi %mul3A_136, %add3A_137 : i32
    %mul3A_139 = arith.constant 625 : i32
    %mul3A_140 = arith.muli %arg1, %mul3A_139 : i32
    %add3A_141 = arith.constant 0 : i32
    %add3A_142 = arith.addi %mul3A_140, %add3A_141 : i32
    "tpu.region"() ({
      %run_scoped3A = tpu.sem_alloc : memref<!tpu.dma_semaphore, #tpu.memory_space<semaphore_mem>>
      %dma_start3A_200 = arith.constant 0 : i32
      %dma_start3A_201 = tpu.memref_slice %arg16[%add3A_142, %dma_start3A_200] : memref<10000x96xf32, #tpu.memory_space<vmem_shared>> -> memref<125x96xf32, #tpu.memory_space<vmem_shared>>
      %dma_start3A_202 = arith.constant 0 : i32
      %dma_start3A_203 = tpu.memref_slice %arg16[%add3A_142, %dma_start3A_202] : memref<10000x96xf32, #tpu.memory_space<vmem_shared>> -> memref<125x96xf32, #tpu.memory_space<vmem_shared>>
      tpu.enqueue_dma source(%arg15 : memref<125x96xf32, #tpu.memory_space<vmem>>) target(%dma_start3A_203 : memref<125x96xf32, #tpu.memory_space<vmem_shared>>) target_semaphore(%run_scoped3A : memref<!tpu.dma_semaphore, #tpu.memory_space<semaphore_mem>>)
      %dma_wait3A = arith.constant 0 : i32
      %dma_wait3A_204 = tpu.memref_slice %arg16[%add3A_142, %dma_wait3A] : memref<10000x96xf32, #tpu.memory_space<vmem_shared>> -> memref<125x96xf32, #tpu.memory_space<vmem_shared>>
      %dma_wait3A_205 = arith.constant 0 : i32
      %dma_wait3A_206 = tpu.memref_slice %arg16[%add3A_142, %dma_wait3A_205] : memref<10000x96xf32, #tpu.memory_space<vmem_shared>> -> memref<125x96xf32, #tpu.memory_space<vmem_shared>>
      tpu.wait_dma2 semaphore(%run_scoped3A : memref<!tpu.dma_semaphore, #tpu.memory_space<semaphore_mem>>) src(%arg15 : memref<125x96xf32, #tpu.memory_space<vmem>>) dst(%dma_wait3A_206 : memref<125x96xf32, #tpu.memory_space<vmem_shared>>)
      tpu.yield
    }) : () -> ()
    %mul3A_143 = arith.constant 625 : i32
    %mul3A_144 = arith.muli %arg1, %mul3A_143 : i32
    %add3A_145 = arith.constant 125 : i32
    %add3A_146 = arith.addi %mul3A_144, %add3A_145 : i32
    "tpu.region"() ({
      %run_scoped3A = tpu.sem_alloc : memref<!tpu.dma_semaphore, #tpu.memory_space<semaphore_mem>>
      %dma_start3A_200 = arith.constant 0 : i32
      %dma_start3A_201 = tpu.memref_slice %arg16[%add3A_146, %dma_start3A_200] : memref<10000x96xf32, #tpu.memory_space<vmem_shared>> -> memref<125x96xf32, #tpu.memory_space<vmem_shared>>
      %dma_start3A_202 = arith.constant 0 : i32
      %dma_start3A_203 = tpu.memref_slice %arg16[%add3A_146, %dma_start3A_202] : memref<10000x96xf32, #tpu.memory_space<vmem_shared>> -> memref<125x96xf32, #tpu.memory_space<vmem_shared>>
      tpu.enqueue_dma source(%arg15 : memref<125x96xf32, #tpu.memory_space<vmem>>) target(%dma_start3A_203 : memref<125x96xf32, #tpu.memory_space<vmem_shared>>) target_semaphore(%run_scoped3A : memref<!tpu.dma_semaphore, #tpu.memory_space<semaphore_mem>>)
      %dma_wait3A = arith.constant 0 : i32
      %dma_wait3A_204 = tpu.memref_slice %arg16[%add3A_146, %dma_wait3A] : memref<10000x96xf32, #tpu.memory_space<vmem_shared>> -> memref<125x96xf32, #tpu.memory_space<vmem_shared>>
      %dma_wait3A_205 = arith.constant 0 : i32
      %dma_wait3A_206 = tpu.memref_slice %arg16[%add3A_146, %dma_wait3A_205] : memref<10000x96xf32, #tpu.memory_space<vmem_shared>> -> memref<125x96xf32, #tpu.memory_space<vmem_shared>>
      tpu.wait_dma2 semaphore(%run_scoped3A : memref<!tpu.dma_semaphore, #tpu.memory_space<semaphore_mem>>) src(%arg15 : memref<125x96xf32, #tpu.memory_space<vmem>>) dst(%dma_wait3A_206 : memref<125x96xf32, #tpu.memory_space<vmem_shared>>)
      tpu.yield
    }) : () -> ()
    %mul3A_147 = arith.constant 625 : i32
    %mul3A_148 = arith.muli %arg1, %mul3A_147 : i32
    %add3A_149 = arith.constant 250 : i32
    %add3A_150 = arith.addi %mul3A_148, %add3A_149 : i32
    "tpu.region"() ({
      %run_scoped3A = tpu.sem_alloc : memref<!tpu.dma_semaphore, #tpu.memory_space<semaphore_mem>>
      %dma_start3A_200 = arith.constant 0 : i32
      %dma_start3A_201 = tpu.memref_slice %arg16[%add3A_150, %dma_start3A_200] : memref<10000x96xf32, #tpu.memory_space<vmem_shared>> -> memref<125x96xf32, #tpu.memory_space<vmem_shared>>
      %dma_start3A_202 = arith.constant 0 : i32
      %dma_start3A_203 = tpu.memref_slice %arg16[%add3A_150, %dma_start3A_202] : memref<10000x96xf32, #tpu.memory_space<vmem_shared>> -> memref<125x96xf32, #tpu.memory_space<vmem_shared>>
      tpu.enqueue_dma source(%arg15 : memref<125x96xf32, #tpu.memory_space<vmem>>) target(%dma_start3A_203 : memref<125x96xf32, #tpu.memory_space<vmem_shared>>) target_semaphore(%run_scoped3A : memref<!tpu.dma_semaphore, #tpu.memory_space<semaphore_mem>>)
      %dma_wait3A = arith.constant 0 : i32
      %dma_wait3A_204 = tpu.memref_slice %arg16[%add3A_150, %dma_wait3A] : memref<10000x96xf32, #tpu.memory_space<vmem_shared>> -> memref<125x96xf32, #tpu.memory_space<vmem_shared>>
      %dma_wait3A_205 = arith.constant 0 : i32
      %dma_wait3A_206 = tpu.memref_slice %arg16[%add3A_150, %dma_wait3A_205] : memref<10000x96xf32, #tpu.memory_space<vmem_shared>> -> memref<125x96xf32, #tpu.memory_space<vmem_shared>>
      tpu.wait_dma2 semaphore(%run_scoped3A : memref<!tpu.dma_semaphore, #tpu.memory_space<semaphore_mem>>) src(%arg15 : memref<125x96xf32, #tpu.memory_space<vmem>>) dst(%dma_wait3A_206 : memref<125x96xf32, #tpu.memory_space<vmem_shared>>)
      tpu.yield
    }) : () -> ()
    %mul3A_151 = arith.constant 625 : i32
    %mul3A_152 = arith.muli %arg1, %mul3A_151 : i32
    %add3A_153 = arith.constant 375 : i32
    %add3A_154 = arith.addi %mul3A_152, %add3A_153 : i32
    "tpu.region"() ({
      %run_scoped3A = tpu.sem_alloc : memref<!tpu.dma_semaphore, #tpu.memory_space<semaphore_mem>>
      %dma_start3A_200 = arith.constant 0 : i32
      %dma_start3A_201 = tpu.memref_slice %arg16[%add3A_154, %dma_start3A_200] : memref<10000x96xf32, #tpu.memory_space<vmem_shared>> -> memref<125x96xf32, #tpu.memory_space<vmem_shared>>
      %dma_start3A_202 = arith.constant 0 : i32
      %dma_start3A_203 = tpu.memref_slice %arg16[%add3A_154, %dma_start3A_202] : memref<10000x96xf32, #tpu.memory_space<vmem_shared>> -> memref<125x96xf32, #tpu.memory_space<vmem_shared>>
      tpu.enqueue_dma source(%arg15 : memref<125x96xf32, #tpu.memory_space<vmem>>) target(%dma_start3A_203 : memref<125x96xf32, #tpu.memory_space<vmem_shared>>) target_semaphore(%run_scoped3A : memref<!tpu.dma_semaphore, #tpu.memory_space<semaphore_mem>>)
      %dma_wait3A = arith.constant 0 : i32
      %dma_wait3A_204 = tpu.memref_slice %arg16[%add3A_154, %dma_wait3A] : memref<10000x96xf32, #tpu.memory_space<vmem_shared>> -> memref<125x96xf32, #tpu.memory_space<vmem_shared>>
      %dma_wait3A_205 = arith.constant 0 : i32
      %dma_wait3A_206 = tpu.memref_slice %arg16[%add3A_154, %dma_wait3A_205] : memref<10000x96xf32, #tpu.memory_space<vmem_shared>> -> memref<125x96xf32, #tpu.memory_space<vmem_shared>>
      tpu.wait_dma2 semaphore(%run_scoped3A : memref<!tpu.dma_semaphore, #tpu.memory_space<semaphore_mem>>) src(%arg15 : memref<125x96xf32, #tpu.memory_space<vmem>>) dst(%dma_wait3A_206 : memref<125x96xf32, #tpu.memory_space<vmem_shared>>)
      tpu.yield
    }) : () -> ()
    %mul3A_155 = arith.constant 625 : i32
    %mul3A_156 = arith.muli %arg1, %mul3A_155 : i32
    %add3A_157 = arith.constant 500 : i32
    %add3A_158 = arith.addi %mul3A_156, %add3A_157 : i32
    "tpu.region"() ({
      %run_scoped3A = tpu.sem_alloc : memref<!tpu.dma_semaphore, #tpu.memory_space<semaphore_mem>>
      %dma_start3A_200 = arith.constant 0 : i32
      %dma_start3A_201 = tpu.memref_slice %arg16[%add3A_158, %dma_start3A_200] : memref<10000x96xf32, #tpu.memory_space<vmem_shared>> -> memref<125x96xf32, #tpu.memory_space<vmem_shared>>
      %dma_start3A_202 = arith.constant 0 : i32
      %dma_start3A_203 = tpu.memref_slice %arg16[%add3A_158, %dma_start3A_202] : memref<10000x96xf32, #tpu.memory_space<vmem_shared>> -> memref<125x96xf32, #tpu.memory_space<vmem_shared>>
      tpu.enqueue_dma source(%arg15 : memref<125x96xf32, #tpu.memory_space<vmem>>) target(%dma_start3A_203 : memref<125x96xf32, #tpu.memory_space<vmem_shared>>) target_semaphore(%run_scoped3A : memref<!tpu.dma_semaphore, #tpu.memory_space<semaphore_mem>>)
      %dma_wait3A = arith.constant 0 : i32
      %dma_wait3A_204 = tpu.memref_slice %arg16[%add3A_158, %dma_wait3A] : memref<10000x96xf32, #tpu.memory_space<vmem_shared>> -> memref<125x96xf32, #tpu.memory_space<vmem_shared>>
      %dma_wait3A_205 = arith.constant 0 : i32
      %dma_wait3A_206 = tpu.memref_slice %arg16[%add3A_158, %dma_wait3A_205] : memref<10000x96xf32, #tpu.memory_space<vmem_shared>> -> memref<125x96xf32, #tpu.memory_space<vmem_shared>>
      tpu.wait_dma2 semaphore(%run_scoped3A : memref<!tpu.dma_semaphore, #tpu.memory_space<semaphore_mem>>) src(%arg15 : memref<125x96xf32, #tpu.memory_space<vmem>>) dst(%dma_wait3A_206 : memref<125x96xf32, #tpu.memory_space<vmem_shared>>)
      tpu.yield
    }) : () -> ()
    "tpu.region"() ({
      %run_scoped3A = tpu.sem_alloc : memref<!tpu.dma_semaphore, #tpu.memory_space<semaphore_mem>>
      %dma_start3A_200 = arith.constant 0 : i32
      %dma_start3A_201 = arith.constant 0 : i32
      %dma_start3A_202 = tpu.memref_slice %arg4[%arg1, %dma_start3A_200, %dma_start3A_201] : memref<16x125x80xi32, #tpu.memory_space<hbm>> -> memref<1x125x80xi32, #tpu.memory_space<hbm>>
      %dma_start3A_203 = tpu.memref_squeeze %dma_start3A_202 : memref<1x125x80xi32, #tpu.memory_space<hbm>> -> memref<125x80xi32, #tpu.memory_space<hbm>>
      %dma_start3A_204 = arith.constant 0 : i32
      %dma_start3A_205 = arith.constant 0 : i32
      %dma_start3A_206 = tpu.memref_slice %arg4[%arg1, %dma_start3A_204, %dma_start3A_205] : memref<16x125x80xi32, #tpu.memory_space<hbm>> -> memref<1x125x80xi32, #tpu.memory_space<hbm>>
      %dma_start3A_207 = tpu.memref_squeeze %dma_start3A_206 : memref<1x125x80xi32, #tpu.memory_space<hbm>> -> memref<125x80xi32, #tpu.memory_space<hbm>>
      tpu.enqueue_dma source(%dma_start3A_207 : memref<125x80xi32, #tpu.memory_space<hbm>>) target(%arg7 : memref<125x80xi32, #tpu.memory_space<vmem>>) target_semaphore(%run_scoped3A : memref<!tpu.dma_semaphore, #tpu.memory_space<semaphore_mem>>)
      %dma_wait3A = arith.constant 0 : i32
      %dma_wait3A_208 = arith.constant 0 : i32
      %dma_wait3A_209 = tpu.memref_slice %arg4[%arg1, %dma_wait3A, %dma_wait3A_208] : memref<16x125x80xi32, #tpu.memory_space<hbm>> -> memref<1x125x80xi32, #tpu.memory_space<hbm>>
      %dma_wait3A_210 = tpu.memref_squeeze %dma_wait3A_209 : memref<1x125x80xi32, #tpu.memory_space<hbm>> -> memref<125x80xi32, #tpu.memory_space<hbm>>
      %dma_wait3A_211 = arith.constant 0 : i32
      %dma_wait3A_212 = arith.constant 0 : i32
      %dma_wait3A_213 = tpu.memref_slice %arg4[%arg1, %dma_wait3A_211, %dma_wait3A_212] : memref<16x125x80xi32, #tpu.memory_space<hbm>> -> memref<1x125x80xi32, #tpu.memory_space<hbm>>
      %dma_wait3A_214 = tpu.memref_squeeze %dma_wait3A_213 : memref<1x125x80xi32, #tpu.memory_space<hbm>> -> memref<125x80xi32, #tpu.memory_space<hbm>>
      tpu.wait_dma2 semaphore(%run_scoped3A : memref<!tpu.dma_semaphore, #tpu.memory_space<semaphore_mem>>) src(%dma_wait3A_214 : memref<125x80xi32, #tpu.memory_space<hbm>>) dst(%arg7 : memref<125x80xi32, #tpu.memory_space<vmem>>)
      tpu.yield
    }) : () -> ()
    "tpu.region"() ({
      %run_scoped3A = tpu.sem_alloc : memref<!tpu.dma_semaphore, #tpu.memory_space<semaphore_mem>>
      %dma_start3A_200 = arith.constant 0 : i32
      %dma_start3A_201 = arith.constant 0 : i32
      %dma_start3A_202 = tpu.memref_slice %arg5[%arg1, %dma_start3A_200, %dma_start3A_201] : memref<16x125x80xi32, #tpu.memory_space<hbm>> -> memref<1x125x80xi32, #tpu.memory_space<hbm>>
      %dma_start3A_203 = tpu.memref_squeeze %dma_start3A_202 : memref<1x125x80xi32, #tpu.memory_space<hbm>> -> memref<125x80xi32, #tpu.memory_space<hbm>>
      %dma_start3A_204 = arith.constant 0 : i32
      %dma_start3A_205 = arith.constant 0 : i32
      %dma_start3A_206 = tpu.memref_slice %arg5[%arg1, %dma_start3A_204, %dma_start3A_205] : memref<16x125x80xi32, #tpu.memory_space<hbm>> -> memref<1x125x80xi32, #tpu.memory_space<hbm>>
      %dma_start3A_207 = tpu.memref_squeeze %dma_start3A_206 : memref<1x125x80xi32, #tpu.memory_space<hbm>> -> memref<125x80xi32, #tpu.memory_space<hbm>>
      tpu.enqueue_dma source(%dma_start3A_207 : memref<125x80xi32, #tpu.memory_space<hbm>>) target(%arg8 : memref<125x80xi32, #tpu.memory_space<vmem>>) target_semaphore(%run_scoped3A : memref<!tpu.dma_semaphore, #tpu.memory_space<semaphore_mem>>)
      %dma_wait3A = arith.constant 0 : i32
      %dma_wait3A_208 = arith.constant 0 : i32
      %dma_wait3A_209 = tpu.memref_slice %arg5[%arg1, %dma_wait3A, %dma_wait3A_208] : memref<16x125x80xi32, #tpu.memory_space<hbm>> -> memref<1x125x80xi32, #tpu.memory_space<hbm>>
      %dma_wait3A_210 = tpu.memref_squeeze %dma_wait3A_209 : memref<1x125x80xi32, #tpu.memory_space<hbm>> -> memref<125x80xi32, #tpu.memory_space<hbm>>
      %dma_wait3A_211 = arith.constant 0 : i32
      %dma_wait3A_212 = arith.constant 0 : i32
      %dma_wait3A_213 = tpu.memref_slice %arg5[%arg1, %dma_wait3A_211, %dma_wait3A_212] : memref<16x125x80xi32, #tpu.memory_space<hbm>> -> memref<1x125x80xi32, #tpu.memory_space<hbm>>
      %dma_wait3A_214 = tpu.memref_squeeze %dma_wait3A_213 : memref<1x125x80xi32, #tpu.memory_space<hbm>> -> memref<125x80xi32, #tpu.memory_space<hbm>>
      tpu.wait_dma2 semaphore(%run_scoped3A : memref<!tpu.dma_semaphore, #tpu.memory_space<semaphore_mem>>) src(%dma_wait3A_214 : memref<125x80xi32, #tpu.memory_space<hbm>>) dst(%arg8 : memref<125x80xi32, #tpu.memory_space<vmem>>)
      tpu.yield
    }) : () -> ()
    %scan3A_159 = arith.constant 0 : i32
    %scan3A_160 = arith.constant 0 : i32
    %scan3A_161 = arith.constant 125 : i32
    %scan3A_162 = arith.addi %scan3A_160, %scan3A_161 : i32
    %scan3A_163 = arith.constant 1 : i32
    %scan3A_164 = scf.for %scan3A_200 = %scan3A_160 to %scan3A_162 step %scan3A_163 iter_args(%scan3A_201 = %scan3A_159) -> (i32)  : i32 {
      %get3A = arith.index_cast %scan3A_200 : i32 to index
      %get3A_202 = arith.constant 0 : index
      %get3A_203 = tpu.vector_load %arg7[%get3A, %get3A_202] {strides = array<i32>} : memref<125x80xi32, #tpu.memory_space<vmem>>, vector<16xi32>,
      %mul3A_204 = arith.constant 6 : i32
      %mul3A_205 = vector.broadcast %mul3A_204 : i32 to vector<16xi32>
      %mul3A_206 = arith.muli %get3A_203, %mul3A_205 : vector<16xi32>
      %add3A_207 = vector.broadcast %add3A_138 : i32 to vector<16xi32>
      %add3A_208 = arith.addi %mul3A_206, %add3A_207 : vector<16xi32>
      %swap3A = arith.index_cast %scan3A_200 : i32 to index
      %swap3A_209 = arith.constant 0 : index
      %swap3A_210 = tpu.vector_load %arg7[%swap3A, %swap3A_209] {strides = array<i32>} : memref<125x80xi32, #tpu.memory_space<vmem>>, vector<16xi32>,
      tpu.vector_store %arg7[%swap3A, %swap3A_209], %add3A_208 {strides = array<i32>} : memref<125x80xi32, #tpu.memory_space<vmem>>, vector<16xi32>,
      %get3A_211 = arith.index_cast %scan3A_200 : i32 to index
      %get3A_212 = arith.constant 16 : index
      %get3A_213 = tpu.vector_load %arg7[%get3A_211, %get3A_212] {strides = array<i32>} : memref<125x80xi32, #tpu.memory_space<vmem>>, vector<16xi32>,
      %mul3A_214 = arith.constant 6 : i32
      %mul3A_215 = vector.broadcast %mul3A_214 : i32 to vector<16xi32>
      %mul3A_216 = arith.muli %get3A_213, %mul3A_215 : vector<16xi32>
      %add3A_217 = vector.broadcast %add3A_138 : i32 to vector<16xi32>
      %add3A_218 = arith.addi %mul3A_216, %add3A_217 : vector<16xi32>
      %swap3A_219 = arith.index_cast %scan3A_200 : i32 to index
      %swap3A_220 = arith.constant 16 : index
      %swap3A_221 = tpu.vector_load %arg7[%swap3A_219, %swap3A_220] {strides = array<i32>} : memref<125x80xi32, #tpu.memory_space<vmem>>, vector<16xi32>,
      tpu.vector_store %arg7[%swap3A_219, %swap3A_220], %add3A_218 {strides = array<i32>} : memref<125x80xi32, #tpu.memory_space<vmem>>, vector<16xi32>,
      %get3A_222 = arith.index_cast %scan3A_200 : i32 to index
      %get3A_223 = arith.constant 32 : index
      %get3A_224 = tpu.vector_load %arg7[%get3A_222, %get3A_223] {strides = array<i32>} : memref<125x80xi32, #tpu.memory_space<vmem>>, vector<16xi32>,
      %mul3A_225 = arith.constant 6 : i32
      %mul3A_226 = vector.broadcast %mul3A_225 : i32 to vector<16xi32>
      %mul3A_227 = arith.muli %get3A_224, %mul3A_226 : vector<16xi32>
      %add3A_228 = vector.broadcast %add3A_138 : i32 to vector<16xi32>
      %add3A_229 = arith.addi %mul3A_227, %add3A_228 : vector<16xi32>
      %swap3A_230 = arith.index_cast %scan3A_200 : i32 to index
      %swap3A_231 = arith.constant 32 : index
      %swap3A_232 = tpu.vector_load %arg7[%swap3A_230, %swap3A_231] {strides = array<i32>} : memref<125x80xi32, #tpu.memory_space<vmem>>, vector<16xi32>,
      tpu.vector_store %arg7[%swap3A_230, %swap3A_231], %add3A_229 {strides = array<i32>} : memref<125x80xi32, #tpu.memory_space<vmem>>, vector<16xi32>,
      %get3A_233 = arith.index_cast %scan3A_200 : i32 to index
      %get3A_234 = arith.constant 48 : index
      %get3A_235 = tpu.vector_load %arg7[%get3A_233, %get3A_234] {strides = array<i32>} : memref<125x80xi32, #tpu.memory_space<vmem>>, vector<16xi32>,
      %mul3A_236 = arith.constant 6 : i32
      %mul3A_237 = vector.broadcast %mul3A_236 : i32 to vector<16xi32>
      %mul3A_238 = arith.muli %get3A_235, %mul3A_237 : vector<16xi32>
      %add3A_239 = vector.broadcast %add3A_138 : i32 to vector<16xi32>
      %add3A_240 = arith.addi %mul3A_238, %add3A_239 : vector<16xi32>
      %swap3A_241 = arith.index_cast %scan3A_200 : i32 to index
      %swap3A_242 = arith.constant 48 : index
      %swap3A_243 = tpu.vector_load %arg7[%swap3A_241, %swap3A_242] {strides = array<i32>} : memref<125x80xi32, #tpu.memory_space<vmem>>, vector<16xi32>,
      tpu.vector_store %arg7[%swap3A_241, %swap3A_242], %add3A_240 {strides = array<i32>} : memref<125x80xi32, #tpu.memory_space<vmem>>, vector<16xi32>,
      %get3A_244 = arith.index_cast %scan3A_200 : i32 to index
      %get3A_245 = arith.constant 64 : index
      %get3A_246 = tpu.vector_load %arg7[%get3A_244, %get3A_245] {strides = array<i32>} : memref<125x80xi32, #tpu.memory_space<vmem>>, vector<16xi32>,
      %mul3A_247 = arith.constant 6 : i32
      %mul3A_248 = vector.broadcast %mul3A_247 : i32 to vector<16xi32>
      %mul3A_249 = arith.muli %get3A_246, %mul3A_248 : vector<16xi32>
      %add3A_250 = vector.broadcast %add3A_138 : i32 to vector<16xi32>
      %add3A_251 = arith.addi %mul3A_249, %add3A_250 : vector<16xi32>
      %swap3A_252 = arith.index_cast %scan3A_200 : i32 to index
      %swap3A_253 = arith.constant 64 : index
      %swap3A_254 = tpu.vector_load %arg7[%swap3A_252, %swap3A_253] {strides = array<i32>} : memref<125x80xi32, #tpu.memory_space<vmem>>, vector<16xi32>,
      tpu.vector_store %arg7[%swap3A_252, %swap3A_253], %add3A_251 {strides = array<i32>} : memref<125x80xi32, #tpu.memory_space<vmem>>, vector<16xi32>,
      %scan3A_255 = arith.constant 0 : i32
      scf.yield %scan3A_255 : i32
    }
    %scan3A_165 = arith.constant 125 : i32
    %barrier3A_166 = arith.constant 0 : index
    tpu.barrier barrier_id(%barrier3A_166)
    %dma_start3A_167 = arith.constant 0 : i32
    %dma_start3A_168 = arith.constant 0 : i32
    %dma_start3A_169 = tpu.memref_slice %arg7[%dma_start3A_167, %dma_start3A_168] : memref<125x80xi32, #tpu.memory_space<vmem>> -> memref<1x80xi32, #tpu.memory_space<vmem>>
    %dma_start3A_170 = tpu.memref_squeeze %dma_start3A_169 : memref<1x80xi32, #tpu.memory_space<vmem>> -> memref<80xi32, #tpu.memory_space<vmem>>
    %dma_start3A_171 = arith.constant 0 : i32
    %dma_start3A_172 = arith.constant 0 : i32
    %dma_start3A_173 = tpu.memref_slice %arg2[%dma_start3A_171, %dma_start3A_172] : memref<60000x48xf32, #tpu.memory_space<hbm>> -> memref<60000x48xf32, #tpu.memory_space<hbm>>
    tpu.enqueue_indirect_dma source(%dma_start3A_173 : memref<60000x48xf32, #tpu.memory_space<hbm>>) target(%arg9 : memref<80x48xf32, #tpu.memory_space<vmem>>) offsets(%dma_start3A_170 : memref<80xi32, #tpu.memory_space<vmem>>) semaphore(%arg17 : memref<!tpu.dma_semaphore, #tpu.memory_space<semaphore_mem>>)
    %mul3A_174 = arith.constant 160000 : i32
    %mul3A_175 = arith.muli %add3A_138, %mul3A_174 : i32
    %mul3A_176 = arith.constant 10000 : i32
    %mul3A_177 = arith.muli %arg1, %mul3A_176 : i32
    %add3A_178 = arith.addi %mul3A_175, %mul3A_177 : i32
    %add3A_179 = arith.constant 0 : i32
    %add3A_180 = arith.addi %add3A_178, %add3A_179 : i32
    %dma_start3A_181 = arith.constant 0 : i32
    %dma_start3A_182 = tpu.memref_slice %arg3[%add3A_180, %dma_start3A_181] : memref<960000x48xf32, #tpu.memory_space<hbm>> -> memref<80x48xf32, #tpu.memory_space<hbm>>
    %dma_start3A_183 = arith.constant 0 : i32
    %dma_start3A_184 = tpu.memref_slice %arg3[%add3A_180, %dma_start3A_183] : memref<960000x48xf32, #tpu.memory_space<hbm>> -> memref<80x48xf32, #tpu.memory_space<hbm>>
    tpu.enqueue_dma source(%dma_start3A_184 : memref<80x48xf32, #tpu.memory_space<hbm>>) target(%arg11 : memref<80x48xf32, #tpu.memory_space<vmem>>) target_semaphore(%arg17 : memref<!tpu.dma_semaphore, #tpu.memory_space<semaphore_mem>>)
    %scan3A_185 = arith.constant 0 : i32
    %scan3A_186 = arith.constant 0 : i32
    %scan3A_187 = arith.constant 125 : i32
    %scan3A_188 = arith.addi %scan3A_186, %scan3A_187 : i32
    %scan3A_189 = arith.constant 1 : i32
    %scan3A_190 = scf.for %scan3A_200 = %scan3A_186 to %scan3A_188 step %scan3A_189 iter_args(%scan3A_201 = %scan3A_185) -> (i32)  : i32 {
      %rem3A = arith.constant 2 : i32
      %rem3A_202 = arith.remsi %scan3A_200, %rem3A : i32
      %eq3A = arith.constant 0 : i32
      %eq3A_203 = arith.cmpi eq, %rem3A_202, %eq3A : i32
      %convert_element_type3A = arith.extui %eq3A_203 : i1 to i32
      %cond3A = arith.constant 0 : i32
      %cond3A_204 = arith.cmpi ne, %convert_element_type3A, %cond3A : i32
      scf.if %cond3A_204 {
        %dma_wait3A = arith.constant 0 : i32
        %dma_wait3A_213 = arith.constant 0 : i32
        %dma_wait3A_214 = tpu.memref_slice %arg3[%dma_wait3A, %dma_wait3A_213] : memref<960000x48xf32, #tpu.memory_space<hbm>> -> memref<80x48xf32, #tpu.memory_space<hbm>>
        %dma_wait3A_215 = arith.constant 0 : i32
        %dma_wait3A_216 = arith.constant 0 : i32
        %dma_wait3A_217 = tpu.memref_slice %arg3[%dma_wait3A_215, %dma_wait3A_216] : memref<960000x48xf32, #tpu.memory_space<hbm>> -> memref<80x48xf32, #tpu.memory_space<hbm>>
        tpu.wait_dma2 semaphore(%arg17 : memref<!tpu.dma_semaphore, #tpu.memory_space<semaphore_mem>>) src(%dma_wait3A_217 : memref<80x48xf32, #tpu.memory_space<hbm>>) dst(%arg9 : memref<80x48xf32, #tpu.memory_space<vmem>>)
        %dma_wait3A_218 = arith.constant 0 : i32
        %dma_wait3A_219 = arith.constant 0 : i32
        %dma_wait3A_220 = tpu.memref_slice %arg3[%dma_wait3A_218, %dma_wait3A_219] : memref<960000x48xf32, #tpu.memory_space<hbm>> -> memref<80x48xf32, #tpu.memory_space<hbm>>
        %dma_wait3A_221 = arith.constant 0 : i32
        %dma_wait3A_222 = arith.constant 0 : i32
        %dma_wait3A_223 = tpu.memref_slice %arg3[%dma_wait3A_221, %dma_wait3A_222] : memref<960000x48xf32, #tpu.memory_space<hbm>> -> memref<80x48xf32, #tpu.memory_space<hbm>>
        tpu.wait_dma2 semaphore(%arg17 : memref<!tpu.dma_semaphore, #tpu.memory_space<semaphore_mem>>) src(%dma_wait3A_223 : memref<80x48xf32, #tpu.memory_space<hbm>>) dst(%arg11 : memref<80x48xf32, #tpu.memory_space<vmem>>)
        %lt3A = arith.constant 124 : i32
        %lt3A_224 = arith.cmpi slt, %scan3A_200, %lt3A : i32
        %convert_element_type3A_225 = arith.extui %lt3A_224 : i1 to i32
        %cond3A_226 = arith.constant 0 : i32
        %cond3A_227 = arith.cmpi ne, %convert_element_type3A_225, %cond3A_226 : i32
        scf.if %cond3A_227 {
          %add3A_235 = arith.constant 1 : i32
          %add3A_236 = arith.addi %scan3A_200, %add3A_235 : i32
          %dma_start3A_237 = arith.constant 0 : i32
          %dma_start3A_238 = tpu.memref_slice %arg7[%add3A_236, %dma_start3A_237] : memref<125x80xi32, #tpu.memory_space<vmem>> -> memref<1x80xi32, #tpu.memory_space<vmem>>
          %dma_start3A_239 = tpu.memref_squeeze %dma_start3A_238 : memref<1x80xi32, #tpu.memory_space<vmem>> -> memref<80xi32, #tpu.memory_space<vmem>>
          %dma_start3A_240 = arith.constant 0 : i32
          %dma_start3A_241 = arith.constant 0 : i32
          %dma_start3A_242 = tpu.memref_slice %arg2[%dma_start3A_240, %dma_start3A_241] : memref<60000x48xf32, #tpu.memory_space<hbm>> -> memref<60000x48xf32, #tpu.memory_space<hbm>>
          tpu.enqueue_indirect_dma source(%dma_start3A_242 : memref<60000x48xf32, #tpu.memory_space<hbm>>) target(%arg10 : memref<80x48xf32, #tpu.memory_space<vmem>>) offsets(%dma_start3A_239 : memref<80xi32, #tpu.memory_space<vmem>>) semaphore(%arg18 : memref<!tpu.dma_semaphore, #tpu.memory_space<semaphore_mem>>)
          %mul3A_243 = arith.constant 160000 : i32
          %mul3A_244 = arith.muli %add3A_138, %mul3A_243 : i32
          %mul3A_245 = arith.constant 10000 : i32
          %mul3A_246 = arith.muli %arg1, %mul3A_245 : i32
          %add3A_247 = arith.addi %mul3A_244, %mul3A_246 : i32
          %mul3A_248 = arith.constant 80 : i32
          %mul3A_249 = arith.muli %add3A_236, %mul3A_248 : i32
          %add3A_250 = arith.addi %add3A_247, %mul3A_249 : i32
          %dma_start3A_251 = arith.constant 0 : i32
          %dma_start3A_252 = tpu.memref_slice %arg3[%add3A_250, %dma_start3A_251] : memref<960000x48xf32, #tpu.memory_space<hbm>> -> memref<80x48xf32, #tpu.memory_space<hbm>>
          %dma_start3A_253 = arith.constant 0 : i32
          %dma_start3A_254 = tpu.memref_slice %arg3[%add3A_250, %dma_start3A_253] : memref<960000x48xf32, #tpu.memory_space<hbm>> -> memref<80x48xf32, #tpu.memory_space<hbm>>
          tpu.enqueue_dma source(%dma_start3A_254 : memref<80x48xf32, #tpu.memory_space<hbm>>) target(%arg12 : memref<80x48xf32, #tpu.memory_space<vmem>>) target_semaphore(%arg18 : memref<!tpu.dma_semaphore, #tpu.memory_space<semaphore_mem>>)
        } else {
        }
        %scan3A_228 = arith.constant 0 : i32
        %scan3A_229 = arith.constant 0 : i32
        %scan3A_230 = arith.constant 80 : i32
        %scan3A_231 = arith.addi %scan3A_229, %scan3A_230 : i32
        %scan3A_232 = arith.constant 1 : i32
        %scan3A_233 = scf.for %scan3A_235 = %scan3A_229 to %scan3A_231 step %scan3A_232 iter_args(%scan3A_236 = %scan3A_228) -> (i32)  : i32 {
          %get3A = arith.index_cast %scan3A_235 : i32 to index
          %get3A_237 = arith.constant 0 : index
          %get3A_238 = tpu.vector_load %arg9[%get3A, %get3A_237] {strides = array<i32>} : memref<80x48xf32, #tpu.memory_space<vmem>>, vector<16xf32>,
          %bitcast3A = vector.bitcast %get3A_238 : vector<16xf32> to vector<16xi32>
          %shift_left3A = arith.constant 16 : i32
          %shift_left3A_239 = vector.broadcast %shift_left3A : i32 to vector<16xi32>
          %shift_left3A_240 = arith.shli %bitcast3A, %shift_left3A_239 : vector<16xi32>
          %bitcast3A_241 = vector.bitcast %shift_left3A_240 : vector<16xi32> to vector<16xf32>
          %and3A = arith.andi %bitcast3A, %broadcast_in_dim3A_8 : vector<16xi32>
          %bitcast3A_242 = vector.bitcast %and3A : vector<16xi32> to vector<16xf32>
          %get3A_243 = arith.index_cast %scan3A_235 : i32 to index
          %get3A_244 = arith.constant 0 : index
          %get3A_245 = tpu.vector_load %arg11[%get3A_243, %get3A_244] {strides = array<i32>} : memref<80x48xf32, #tpu.memory_space<vmem>>, vector<16xf32>,
          %bitcast3A_246 = vector.bitcast %get3A_245 : vector<16xf32> to vector<16xi32>
          %shift_left3A_247 = arith.constant 16 : i32
          %shift_left3A_248 = vector.broadcast %shift_left3A_247 : i32 to vector<16xi32>
          %shift_left3A_249 = arith.shli %bitcast3A_246, %shift_left3A_248 : vector<16xi32>
          %bitcast3A_250 = vector.bitcast %shift_left3A_249 : vector<16xi32> to vector<16xf32>
          %and3A_251 = arith.andi %bitcast3A_246, %broadcast_in_dim3A_8 : vector<16xi32>
          %bitcast3A_252 = vector.bitcast %and3A_251 : vector<16xi32> to vector<16xf32>
          %add3A_253 = arith.addf %bitcast3A_241, %bitcast3A_250 : vector<16xf32>
          %max3A = arith.constant 0.000000e+00 : f32
          %max3A_254 = vector.broadcast %max3A : f32 to vector<16xf32>
          %max3A_255 = arith.maximumf %add3A_253, %max3A_254 : vector<16xf32>
          %swap3A = arith.index_cast %scan3A_235 : i32 to index
          %swap3A_256 = arith.constant 0 : index
          %swap3A_257 = tpu.vector_load %arg13[%swap3A, %swap3A_256] {strides = array<i32>} : memref<80x96xf32, #tpu.memory_space<vmem>>, vector<16xf32>,
          tpu.vector_store %arg13[%swap3A, %swap3A_256], %max3A_255 {strides = array<i32>} : memref<80x96xf32, #tpu.memory_space<vmem>>, vector<16xf32>,
          %add3A_258 = arith.addf %bitcast3A_242, %bitcast3A_252 : vector<16xf32>
          %max3A_259 = arith.constant 0.000000e+00 : f32
          %max3A_260 = vector.broadcast %max3A_259 : f32 to vector<16xf32>
          %max3A_261 = arith.maximumf %add3A_258, %max3A_260 : vector<16xf32>
          %swap3A_262 = arith.index_cast %scan3A_235 : i32 to index
          %swap3A_263 = arith.constant 16 : index
          %swap3A_264 = tpu.vector_load %arg13[%swap3A_262, %swap3A_263] {strides = array<i32>} : memref<80x96xf32, #tpu.memory_space<vmem>>, vector<16xf32>,
          tpu.vector_store %arg13[%swap3A_262, %swap3A_263], %max3A_261 {strides = array<i32>} : memref<80x96xf32, #tpu.memory_space<vmem>>, vector<16xf32>,
          %get3A_265 = arith.index_cast %scan3A_235 : i32 to index
          %get3A_266 = arith.constant 16 : index
          %get3A_267 = tpu.vector_load %arg9[%get3A_265, %get3A_266] {strides = array<i32>} : memref<80x48xf32, #tpu.memory_space<vmem>>, vector<16xf32>,
          %bitcast3A_268 = vector.bitcast %get3A_267 : vector<16xf32> to vector<16xi32>
          %shift_left3A_269 = arith.constant 16 : i32
          %shift_left3A_270 = vector.broadcast %shift_left3A_269 : i32 to vector<16xi32>
          %shift_left3A_271 = arith.shli %bitcast3A_268, %shift_left3A_270 : vector<16xi32>
          %bitcast3A_272 = vector.bitcast %shift_left3A_271 : vector<16xi32> to vector<16xf32>
          %and3A_273 = arith.andi %bitcast3A_268, %broadcast_in_dim3A_8 : vector<16xi32>
          %bitcast3A_274 = vector.bitcast %and3A_273 : vector<16xi32> to vector<16xf32>
          %get3A_275 = arith.index_cast %scan3A_235 : i32 to index
          %get3A_276 = arith.constant 16 : index
          %get3A_277 = tpu.vector_load %arg11[%get3A_275, %get3A_276] {strides = array<i32>} : memref<80x48xf32, #tpu.memory_space<vmem>>, vector<16xf32>,
          %bitcast3A_278 = vector.bitcast %get3A_277 : vector<16xf32> to vector<16xi32>
          %shift_left3A_279 = arith.constant 16 : i32
          %shift_left3A_280 = vector.broadcast %shift_left3A_279 : i32 to vector<16xi32>
          %shift_left3A_281 = arith.shli %bitcast3A_278, %shift_left3A_280 : vector<16xi32>
          %bitcast3A_282 = vector.bitcast %shift_left3A_281 : vector<16xi32> to vector<16xf32>
          %and3A_283 = arith.andi %bitcast3A_278, %broadcast_in_dim3A_8 : vector<16xi32>
          %bitcast3A_284 = vector.bitcast %and3A_283 : vector<16xi32> to vector<16xf32>
          %add3A_285 = arith.addf %bitcast3A_272, %bitcast3A_282 : vector<16xf32>
          %max3A_286 = arith.constant 0.000000e+00 : f32
          %max3A_287 = vector.broadcast %max3A_286 : f32 to vector<16xf32>
          %max3A_288 = arith.maximumf %add3A_285, %max3A_287 : vector<16xf32>
          %swap3A_289 = arith.index_cast %scan3A_235 : i32 to index
          %swap3A_290 = arith.constant 32 : index
          %swap3A_291 = tpu.vector_load %arg13[%swap3A_289, %swap3A_290] {strides = array<i32>} : memref<80x96xf32, #tpu.memory_space<vmem>>, vector<16xf32>,
          tpu.vector_store %arg13[%swap3A_289, %swap3A_290], %max3A_288 {strides = array<i32>} : memref<80x96xf32, #tpu.memory_space<vmem>>, vector<16xf32>,
          %add3A_292 = arith.addf %bitcast3A_274, %bitcast3A_284 : vector<16xf32>
          %max3A_293 = arith.constant 0.000000e+00 : f32
          %max3A_294 = vector.broadcast %max3A_293 : f32 to vector<16xf32>
          %max3A_295 = arith.maximumf %add3A_292, %max3A_294 : vector<16xf32>
          %swap3A_296 = arith.index_cast %scan3A_235 : i32 to index
          %swap3A_297 = arith.constant 48 : index
          %swap3A_298 = tpu.vector_load %arg13[%swap3A_296, %swap3A_297] {strides = array<i32>} : memref<80x96xf32, #tpu.memory_space<vmem>>, vector<16xf32>,
          tpu.vector_store %arg13[%swap3A_296, %swap3A_297], %max3A_295 {strides = array<i32>} : memref<80x96xf32, #tpu.memory_space<vmem>>, vector<16xf32>,
          %get3A_299 = arith.index_cast %scan3A_235 : i32 to index
          %get3A_300 = arith.constant 32 : index
          %get3A_301 = tpu.vector_load %arg9[%get3A_299, %get3A_300] {strides = array<i32>} : memref<80x48xf32, #tpu.memory_space<vmem>>, vector<16xf32>,
          %bitcast3A_302 = vector.bitcast %get3A_301 : vector<16xf32> to vector<16xi32>
          %shift_left3A_303 = arith.constant 16 : i32
          %shift_left3A_304 = vector.broadcast %shift_left3A_303 : i32 to vector<16xi32>
          %shift_left3A_305 = arith.shli %bitcast3A_302, %shift_left3A_304 : vector<16xi32>
          %bitcast3A_306 = vector.bitcast %shift_left3A_305 : vector<16xi32> to vector<16xf32>
          %and3A_307 = arith.andi %bitcast3A_302, %broadcast_in_dim3A_8 : vector<16xi32>
          %bitcast3A_308 = vector.bitcast %and3A_307 : vector<16xi32> to vector<16xf32>
          %get3A_309 = arith.index_cast %scan3A_235 : i32 to index
          %get3A_310 = arith.constant 32 : index
          %get3A_311 = tpu.vector_load %arg11[%get3A_309, %get3A_310] {strides = array<i32>} : memref<80x48xf32, #tpu.memory_space<vmem>>, vector<16xf32>,
          %bitcast3A_312 = vector.bitcast %get3A_311 : vector<16xf32> to vector<16xi32>
          %shift_left3A_313 = arith.constant 16 : i32
          %shift_left3A_314 = vector.broadcast %shift_left3A_313 : i32 to vector<16xi32>
          %shift_left3A_315 = arith.shli %bitcast3A_312, %shift_left3A_314 : vector<16xi32>
          %bitcast3A_316 = vector.bitcast %shift_left3A_315 : vector<16xi32> to vector<16xf32>
          %and3A_317 = arith.andi %bitcast3A_312, %broadcast_in_dim3A_8 : vector<16xi32>
          %bitcast3A_318 = vector.bitcast %and3A_317 : vector<16xi32> to vector<16xf32>
          %add3A_319 = arith.addf %bitcast3A_306, %bitcast3A_316 : vector<16xf32>
          %max3A_320 = arith.constant 0.000000e+00 : f32
          %max3A_321 = vector.broadcast %max3A_320 : f32 to vector<16xf32>
          %max3A_322 = arith.maximumf %add3A_319, %max3A_321 : vector<16xf32>
          %swap3A_323 = arith.index_cast %scan3A_235 : i32 to index
          %swap3A_324 = arith.constant 64 : index
          %swap3A_325 = tpu.vector_load %arg13[%swap3A_323, %swap3A_324] {strides = array<i32>} : memref<80x96xf32, #tpu.memory_space<vmem>>, vector<16xf32>,
          tpu.vector_store %arg13[%swap3A_323, %swap3A_324], %max3A_322 {strides = array<i32>} : memref<80x96xf32, #tpu.memory_space<vmem>>, vector<16xf32>,
          %add3A_326 = arith.addf %bitcast3A_308, %bitcast3A_318 : vector<16xf32>
          %max3A_327 = arith.constant 0.000000e+00 : f32
          %max3A_328 = vector.broadcast %max3A_327 : f32 to vector<16xf32>
          %max3A_329 = arith.maximumf %add3A_326, %max3A_328 : vector<16xf32>
          %swap3A_330 = arith.index_cast %scan3A_235 : i32 to index
          %swap3A_331 = arith.constant 80 : index
          %swap3A_332 = tpu.vector_load %arg13[%swap3A_330, %swap3A_331] {strides = array<i32>} : memref<80x96xf32, #tpu.memory_space<vmem>>, vector<16xf32>,
          tpu.vector_store %arg13[%swap3A_330, %swap3A_331], %max3A_329 {strides = array<i32>} : memref<80x96xf32, #tpu.memory_space<vmem>>, vector<16xf32>,
          %scan3A_333 = arith.constant 0 : i32
          scf.yield %scan3A_333 : i32
        }
        %scan3A_234 = arith.constant 80 : i32
        "tpu.region"() ({
          %run_scoped3A = tpu.sem_alloc : memref<!tpu.dma_semaphore, #tpu.memory_space<semaphore_mem>>
          %dma_start3A_235 = arith.constant 0 : i32
          %dma_start3A_236 = tpu.memref_slice %arg8[%scan3A_200, %dma_start3A_235] : memref<125x80xi32, #tpu.memory_space<vmem>> -> memref<1x80xi32, #tpu.memory_space<vmem>>
          %dma_start3A_237 = tpu.memref_squeeze %dma_start3A_236 : memref<1x80xi32, #tpu.memory_space<vmem>> -> memref<80xi32, #tpu.memory_space<vmem>>
          %dma_start3A_238 = arith.constant 0 : i32
          %dma_start3A_239 = arith.constant 0 : i32
          %dma_start3A_240 = tpu.memref_slice %arg16[%dma_start3A_238, %dma_start3A_239] : memref<10000x96xf32, #tpu.memory_space<vmem_shared>> -> memref<10000x96xf32, #tpu.memory_space<vmem_shared>>
          tpu.enqueue_indirect_dma source(%arg13 : memref<80x96xf32, #tpu.memory_space<vmem>>) target(%dma_start3A_240 : memref<10000x96xf32, #tpu.memory_space<vmem_shared>>) offsets(%dma_start3A_237 : memref<80xi32, #tpu.memory_space<vmem>>) semaphore(%run_scoped3A : memref<!tpu.dma_semaphore, #tpu.memory_space<semaphore_mem>>) {add = true}
          %dma_wait3A_241 = arith.constant 0 : i32
          %dma_wait3A_242 = tpu.memref_slice %arg8[%scan3A_200, %dma_wait3A_241] : memref<125x80xi32, #tpu.memory_space<vmem>> -> memref<1x80xi32, #tpu.memory_space<vmem>>
          %dma_wait3A_243 = tpu.memref_squeeze %dma_wait3A_242 : memref<1x80xi32, #tpu.memory_space<vmem>> -> memref<80xi32, #tpu.memory_space<vmem>>
          %dma_wait3A_244 = arith.constant 0 : i32
          %dma_wait3A_245 = arith.constant 0 : i32
          %dma_wait3A_246 = tpu.memref_slice %arg16[%dma_wait3A_244, %dma_wait3A_245] : memref<10000x96xf32, #tpu.memory_space<vmem_shared>> -> memref<10000x96xf32, #tpu.memory_space<vmem_shared>>
          tpu.wait_indirect_dma semaphore(%run_scoped3A : memref<!tpu.dma_semaphore, #tpu.memory_space<semaphore_mem>>) src(%arg13 : memref<80x96xf32, #tpu.memory_space<vmem>>) dst(%dma_wait3A_246 : memref<10000x96xf32, #tpu.memory_space<vmem_shared>>)
          tpu.yield
        }) : () -> ()
      } else {
      }
      %rem3A_205 = arith.constant 2 : i32
      %rem3A_206 = arith.remsi %scan3A_200, %rem3A_205 : i32
      %eq3A_207 = arith.constant 1 : i32
      %eq3A_208 = arith.cmpi eq, %rem3A_206, %eq3A_207 : i32
      %convert_element_type3A_209 = arith.extui %eq3A_208 : i1 to i32
      %cond3A_210 = arith.constant 0 : i32
      %cond3A_211 = arith.cmpi ne, %convert_element_type3A_209, %cond3A_210 : i32
      scf.if %cond3A_211 {
        %dma_wait3A = arith.constant 0 : i32
        %dma_wait3A_213 = arith.constant 0 : i32
        %dma_wait3A_214 = tpu.memref_slice %arg3[%dma_wait3A, %dma_wait3A_213] : memref<960000x48xf32, #tpu.memory_space<hbm>> -> memref<80x48xf32, #tpu.memory_space<hbm>>
        %dma_wait3A_215 = arith.constant 0 : i32
        %dma_wait3A_216 = arith.constant 0 : i32
        %dma_wait3A_217 = tpu.memref_slice %arg3[%dma_wait3A_215, %dma_wait3A_216] : memref<960000x48xf32, #tpu.memory_space<hbm>> -> memref<80x48xf32, #tpu.memory_space<hbm>>
        tpu.wait_dma2 semaphore(%arg18 : memref<!tpu.dma_semaphore, #tpu.memory_space<semaphore_mem>>) src(%dma_wait3A_217 : memref<80x48xf32, #tpu.memory_space<hbm>>) dst(%arg10 : memref<80x48xf32, #tpu.memory_space<vmem>>)
        %dma_wait3A_218 = arith.constant 0 : i32
        %dma_wait3A_219 = arith.constant 0 : i32
        %dma_wait3A_220 = tpu.memref_slice %arg3[%dma_wait3A_218, %dma_wait3A_219] : memref<960000x48xf32, #tpu.memory_space<hbm>> -> memref<80x48xf32, #tpu.memory_space<hbm>>
        %dma_wait3A_221 = arith.constant 0 : i32
        %dma_wait3A_222 = arith.constant 0 : i32
        %dma_wait3A_223 = tpu.memref_slice %arg3[%dma_wait3A_221, %dma_wait3A_222] : memref<960000x48xf32, #tpu.memory_space<hbm>> -> memref<80x48xf32, #tpu.memory_space<hbm>>
        tpu.wait_dma2 semaphore(%arg18 : memref<!tpu.dma_semaphore, #tpu.memory_space<semaphore_mem>>) src(%dma_wait3A_223 : memref<80x48xf32, #tpu.memory_space<hbm>>) dst(%arg12 : memref<80x48xf32, #tpu.memory_space<vmem>>)
        %lt3A = arith.constant 124 : i32
        %lt3A_224 = arith.cmpi slt, %scan3A_200, %lt3A : i32
        %convert_element_type3A_225 = arith.extui %lt3A_224 : i1 to i32
        %cond3A_226 = arith.constant 0 : i32
        %cond3A_227 = arith.cmpi ne, %convert_element_type3A_225, %cond3A_226 : i32
        scf.if %cond3A_227 {
          %add3A_235 = arith.constant 1 : i32
          %add3A_236 = arith.addi %scan3A_200, %add3A_235 : i32
          %dma_start3A_237 = arith.constant 0 : i32
          %dma_start3A_238 = tpu.memref_slice %arg7[%add3A_236, %dma_start3A_237] : memref<125x80xi32, #tpu.memory_space<vmem>> -> memref<1x80xi32, #tpu.memory_space<vmem>>
          %dma_start3A_239 = tpu.memref_squeeze %dma_start3A_238 : memref<1x80xi32, #tpu.memory_space<vmem>> -> memref<80xi32, #tpu.memory_space<vmem>>
          %dma_start3A_240 = arith.constant 0 : i32
          %dma_start3A_241 = arith.constant 0 : i32
          %dma_start3A_242 = tpu.memref_slice %arg2[%dma_start3A_240, %dma_start3A_241] : memref<60000x48xf32, #tpu.memory_space<hbm>> -> memref<60000x48xf32, #tpu.memory_space<hbm>>
          tpu.enqueue_indirect_dma source(%dma_start3A_242 : memref<60000x48xf32, #tpu.memory_space<hbm>>) target(%arg9 : memref<80x48xf32, #tpu.memory_space<vmem>>) offsets(%dma_start3A_239 : memref<80xi32, #tpu.memory_space<vmem>>) semaphore(%arg17 : memref<!tpu.dma_semaphore, #tpu.memory_space<semaphore_mem>>)
          %mul3A_243 = arith.constant 160000 : i32
          %mul3A_244 = arith.muli %add3A_138, %mul3A_243 : i32
          %mul3A_245 = arith.constant 10000 : i32
          %mul3A_246 = arith.muli %arg1, %mul3A_245 : i32
          %add3A_247 = arith.addi %mul3A_244, %mul3A_246 : i32
          %mul3A_248 = arith.constant 80 : i32
          %mul3A_249 = arith.muli %add3A_236, %mul3A_248 : i32
          %add3A_250 = arith.addi %add3A_247, %mul3A_249 : i32
          %dma_start3A_251 = arith.constant 0 : i32
          %dma_start3A_252 = tpu.memref_slice %arg3[%add3A_250, %dma_start3A_251] : memref<960000x48xf32, #tpu.memory_space<hbm>> -> memref<80x48xf32, #tpu.memory_space<hbm>>
          %dma_start3A_253 = arith.constant 0 : i32
          %dma_start3A_254 = tpu.memref_slice %arg3[%add3A_250, %dma_start3A_253] : memref<960000x48xf32, #tpu.memory_space<hbm>> -> memref<80x48xf32, #tpu.memory_space<hbm>>
          tpu.enqueue_dma source(%dma_start3A_254 : memref<80x48xf32, #tpu.memory_space<hbm>>) target(%arg11 : memref<80x48xf32, #tpu.memory_space<vmem>>) target_semaphore(%arg17 : memref<!tpu.dma_semaphore, #tpu.memory_space<semaphore_mem>>)
        } else {
        }
        %scan3A_228 = arith.constant 0 : i32
        %scan3A_229 = arith.constant 0 : i32
        %scan3A_230 = arith.constant 80 : i32
        %scan3A_231 = arith.addi %scan3A_229, %scan3A_230 : i32
        %scan3A_232 = arith.constant 1 : i32
        %scan3A_233 = scf.for %scan3A_235 = %scan3A_229 to %scan3A_231 step %scan3A_232 iter_args(%scan3A_236 = %scan3A_228) -> (i32)  : i32 {
          %get3A = arith.index_cast %scan3A_235 : i32 to index
          %get3A_237 = arith.constant 0 : index
          %get3A_238 = tpu.vector_load %arg10[%get3A, %get3A_237] {strides = array<i32>} : memref<80x48xf32, #tpu.memory_space<vmem>>, vector<16xf32>,
          %bitcast3A = vector.bitcast %get3A_238 : vector<16xf32> to vector<16xi32>
          %shift_left3A = arith.constant 16 : i32
          %shift_left3A_239 = vector.broadcast %shift_left3A : i32 to vector<16xi32>
          %shift_left3A_240 = arith.shli %bitcast3A, %shift_left3A_239 : vector<16xi32>
          %bitcast3A_241 = vector.bitcast %shift_left3A_240 : vector<16xi32> to vector<16xf32>
          %and3A = arith.andi %bitcast3A, %broadcast_in_dim3A_8 : vector<16xi32>
          %bitcast3A_242 = vector.bitcast %and3A : vector<16xi32> to vector<16xf32>
          %get3A_243 = arith.index_cast %scan3A_235 : i32 to index
          %get3A_244 = arith.constant 0 : index
          %get3A_245 = tpu.vector_load %arg12[%get3A_243, %get3A_244] {strides = array<i32>} : memref<80x48xf32, #tpu.memory_space<vmem>>, vector<16xf32>,
          %bitcast3A_246 = vector.bitcast %get3A_245 : vector<16xf32> to vector<16xi32>
          %shift_left3A_247 = arith.constant 16 : i32
          %shift_left3A_248 = vector.broadcast %shift_left3A_247 : i32 to vector<16xi32>
          %shift_left3A_249 = arith.shli %bitcast3A_246, %shift_left3A_248 : vector<16xi32>
          %bitcast3A_250 = vector.bitcast %shift_left3A_249 : vector<16xi32> to vector<16xf32>
          %and3A_251 = arith.andi %bitcast3A_246, %broadcast_in_dim3A_8 : vector<16xi32>
          %bitcast3A_252 = vector.bitcast %and3A_251 : vector<16xi32> to vector<16xf32>
          %add3A_253 = arith.addf %bitcast3A_241, %bitcast3A_250 : vector<16xf32>
          %max3A = arith.constant 0.000000e+00 : f32
          %max3A_254 = vector.broadcast %max3A : f32 to vector<16xf32>
          %max3A_255 = arith.maximumf %add3A_253, %max3A_254 : vector<16xf32>
          %swap3A = arith.index_cast %scan3A_235 : i32 to index
          %swap3A_256 = arith.constant 0 : index
          %swap3A_257 = tpu.vector_load %arg14[%swap3A, %swap3A_256] {strides = array<i32>} : memref<80x96xf32, #tpu.memory_space<vmem>>, vector<16xf32>,
          tpu.vector_store %arg14[%swap3A, %swap3A_256], %max3A_255 {strides = array<i32>} : memref<80x96xf32, #tpu.memory_space<vmem>>, vector<16xf32>,
          %add3A_258 = arith.addf %bitcast3A_242, %bitcast3A_252 : vector<16xf32>
          %max3A_259 = arith.constant 0.000000e+00 : f32
          %max3A_260 = vector.broadcast %max3A_259 : f32 to vector<16xf32>
          %max3A_261 = arith.maximumf %add3A_258, %max3A_260 : vector<16xf32>
          %swap3A_262 = arith.index_cast %scan3A_235 : i32 to index
          %swap3A_263 = arith.constant 16 : index
          %swap3A_264 = tpu.vector_load %arg14[%swap3A_262, %swap3A_263] {strides = array<i32>} : memref<80x96xf32, #tpu.memory_space<vmem>>, vector<16xf32>,
          tpu.vector_store %arg14[%swap3A_262, %swap3A_263], %max3A_261 {strides = array<i32>} : memref<80x96xf32, #tpu.memory_space<vmem>>, vector<16xf32>,
          %get3A_265 = arith.index_cast %scan3A_235 : i32 to index
          %get3A_266 = arith.constant 16 : index
          %get3A_267 = tpu.vector_load %arg10[%get3A_265, %get3A_266] {strides = array<i32>} : memref<80x48xf32, #tpu.memory_space<vmem>>, vector<16xf32>,
          %bitcast3A_268 = vector.bitcast %get3A_267 : vector<16xf32> to vector<16xi32>
          %shift_left3A_269 = arith.constant 16 : i32
          %shift_left3A_270 = vector.broadcast %shift_left3A_269 : i32 to vector<16xi32>
          %shift_left3A_271 = arith.shli %bitcast3A_268, %shift_left3A_270 : vector<16xi32>
          %bitcast3A_272 = vector.bitcast %shift_left3A_271 : vector<16xi32> to vector<16xf32>
          %and3A_273 = arith.andi %bitcast3A_268, %broadcast_in_dim3A_8 : vector<16xi32>
          %bitcast3A_274 = vector.bitcast %and3A_273 : vector<16xi32> to vector<16xf32>
          %get3A_275 = arith.index_cast %scan3A_235 : i32 to index
          %get3A_276 = arith.constant 16 : index
          %get3A_277 = tpu.vector_load %arg12[%get3A_275, %get3A_276] {strides = array<i32>} : memref<80x48xf32, #tpu.memory_space<vmem>>, vector<16xf32>,
          %bitcast3A_278 = vector.bitcast %get3A_277 : vector<16xf32> to vector<16xi32>
          %shift_left3A_279 = arith.constant 16 : i32
          %shift_left3A_280 = vector.broadcast %shift_left3A_279 : i32 to vector<16xi32>
          %shift_left3A_281 = arith.shli %bitcast3A_278, %shift_left3A_280 : vector<16xi32>
          %bitcast3A_282 = vector.bitcast %shift_left3A_281 : vector<16xi32> to vector<16xf32>
          %and3A_283 = arith.andi %bitcast3A_278, %broadcast_in_dim3A_8 : vector<16xi32>
          %bitcast3A_284 = vector.bitcast %and3A_283 : vector<16xi32> to vector<16xf32>
          %add3A_285 = arith.addf %bitcast3A_272, %bitcast3A_282 : vector<16xf32>
          %max3A_286 = arith.constant 0.000000e+00 : f32
          %max3A_287 = vector.broadcast %max3A_286 : f32 to vector<16xf32>
          %max3A_288 = arith.maximumf %add3A_285, %max3A_287 : vector<16xf32>
          %swap3A_289 = arith.index_cast %scan3A_235 : i32 to index
          %swap3A_290 = arith.constant 32 : index
          %swap3A_291 = tpu.vector_load %arg14[%swap3A_289, %swap3A_290] {strides = array<i32>} : memref<80x96xf32, #tpu.memory_space<vmem>>, vector<16xf32>,
          tpu.vector_store %arg14[%swap3A_289, %swap3A_290], %max3A_288 {strides = array<i32>} : memref<80x96xf32, #tpu.memory_space<vmem>>, vector<16xf32>,
          %add3A_292 = arith.addf %bitcast3A_274, %bitcast3A_284 : vector<16xf32>
          %max3A_293 = arith.constant 0.000000e+00 : f32
          %max3A_294 = vector.broadcast %max3A_293 : f32 to vector<16xf32>
          %max3A_295 = arith.maximumf %add3A_292, %max3A_294 : vector<16xf32>
          %swap3A_296 = arith.index_cast %scan3A_235 : i32 to index
          %swap3A_297 = arith.constant 48 : index
          %swap3A_298 = tpu.vector_load %arg14[%swap3A_296, %swap3A_297] {strides = array<i32>} : memref<80x96xf32, #tpu.memory_space<vmem>>, vector<16xf32>,
          tpu.vector_store %arg14[%swap3A_296, %swap3A_297], %max3A_295 {strides = array<i32>} : memref<80x96xf32, #tpu.memory_space<vmem>>, vector<16xf32>,
          %get3A_299 = arith.index_cast %scan3A_235 : i32 to index
          %get3A_300 = arith.constant 32 : index
          %get3A_301 = tpu.vector_load %arg10[%get3A_299, %get3A_300] {strides = array<i32>} : memref<80x48xf32, #tpu.memory_space<vmem>>, vector<16xf32>,
          %bitcast3A_302 = vector.bitcast %get3A_301 : vector<16xf32> to vector<16xi32>
          %shift_left3A_303 = arith.constant 16 : i32
          %shift_left3A_304 = vector.broadcast %shift_left3A_303 : i32 to vector<16xi32>
          %shift_left3A_305 = arith.shli %bitcast3A_302, %shift_left3A_304 : vector<16xi32>
          %bitcast3A_306 = vector.bitcast %shift_left3A_305 : vector<16xi32> to vector<16xf32>
          %and3A_307 = arith.andi %bitcast3A_302, %broadcast_in_dim3A_8 : vector<16xi32>
          %bitcast3A_308 = vector.bitcast %and3A_307 : vector<16xi32> to vector<16xf32>
          %get3A_309 = arith.index_cast %scan3A_235 : i32 to index
          %get3A_310 = arith.constant 32 : index
          %get3A_311 = tpu.vector_load %arg12[%get3A_309, %get3A_310] {strides = array<i32>} : memref<80x48xf32, #tpu.memory_space<vmem>>, vector<16xf32>,
          %bitcast3A_312 = vector.bitcast %get3A_311 : vector<16xf32> to vector<16xi32>
          %shift_left3A_313 = arith.constant 16 : i32
          %shift_left3A_314 = vector.broadcast %shift_left3A_313 : i32 to vector<16xi32>
          %shift_left3A_315 = arith.shli %bitcast3A_312, %shift_left3A_314 : vector<16xi32>
          %bitcast3A_316 = vector.bitcast %shift_left3A_315 : vector<16xi32> to vector<16xf32>
          %and3A_317 = arith.andi %bitcast3A_312, %broadcast_in_dim3A_8 : vector<16xi32>
          %bitcast3A_318 = vector.bitcast %and3A_317 : vector<16xi32> to vector<16xf32>
          %add3A_319 = arith.addf %bitcast3A_306, %bitcast3A_316 : vector<16xf32>
          %max3A_320 = arith.constant 0.000000e+00 : f32
          %max3A_321 = vector.broadcast %max3A_320 : f32 to vector<16xf32>
          %max3A_322 = arith.maximumf %add3A_319, %max3A_321 : vector<16xf32>
          %swap3A_323 = arith.index_cast %scan3A_235 : i32 to index
          %swap3A_324 = arith.constant 64 : index
          %swap3A_325 = tpu.vector_load %arg14[%swap3A_323, %swap3A_324] {strides = array<i32>} : memref<80x96xf32, #tpu.memory_space<vmem>>, vector<16xf32>,
          tpu.vector_store %arg14[%swap3A_323, %swap3A_324], %max3A_322 {strides = array<i32>} : memref<80x96xf32, #tpu.memory_space<vmem>>, vector<16xf32>,
          %add3A_326 = arith.addf %bitcast3A_308, %bitcast3A_318 : vector<16xf32>
          %max3A_327 = arith.constant 0.000000e+00 : f32
          %max3A_328 = vector.broadcast %max3A_327 : f32 to vector<16xf32>
          %max3A_329 = arith.maximumf %add3A_326, %max3A_328 : vector<16xf32>
          %swap3A_330 = arith.index_cast %scan3A_235 : i32 to index
          %swap3A_331 = arith.constant 80 : index
          %swap3A_332 = tpu.vector_load %arg14[%swap3A_330, %swap3A_331] {strides = array<i32>} : memref<80x96xf32, #tpu.memory_space<vmem>>, vector<16xf32>,
          tpu.vector_store %arg14[%swap3A_330, %swap3A_331], %max3A_329 {strides = array<i32>} : memref<80x96xf32, #tpu.memory_space<vmem>>, vector<16xf32>,
          %scan3A_333 = arith.constant 0 : i32
          scf.yield %scan3A_333 : i32
        }
        %scan3A_234 = arith.constant 80 : i32
        "tpu.region"() ({
          %run_scoped3A = tpu.sem_alloc : memref<!tpu.dma_semaphore, #tpu.memory_space<semaphore_mem>>
          %dma_start3A_235 = arith.constant 0 : i32
          %dma_start3A_236 = tpu.memref_slice %arg8[%scan3A_200, %dma_start3A_235] : memref<125x80xi32, #tpu.memory_space<vmem>> -> memref<1x80xi32, #tpu.memory_space<vmem>>
          %dma_start3A_237 = tpu.memref_squeeze %dma_start3A_236 : memref<1x80xi32, #tpu.memory_space<vmem>> -> memref<80xi32, #tpu.memory_space<vmem>>
          %dma_start3A_238 = arith.constant 0 : i32
          %dma_start3A_239 = arith.constant 0 : i32
          %dma_start3A_240 = tpu.memref_slice %arg16[%dma_start3A_238, %dma_start3A_239] : memref<10000x96xf32, #tpu.memory_space<vmem_shared>> -> memref<10000x96xf32, #tpu.memory_space<vmem_shared>>
          tpu.enqueue_indirect_dma source(%arg14 : memref<80x96xf32, #tpu.memory_space<vmem>>) target(%dma_start3A_240 : memref<10000x96xf32, #tpu.memory_space<vmem_shared>>) offsets(%dma_start3A_237 : memref<80xi32, #tpu.memory_space<vmem>>) semaphore(%run_scoped3A : memref<!tpu.dma_semaphore, #tpu.memory_space<semaphore_mem>>) {add = true}
          %dma_wait3A_241 = arith.constant 0 : i32
          %dma_wait3A_242 = tpu.memref_slice %arg8[%scan3A_200, %dma_wait3A_241] : memref<125x80xi32, #tpu.memory_space<vmem>> -> memref<1x80xi32, #tpu.memory_space<vmem>>
          %dma_wait3A_243 = tpu.memref_squeeze %dma_wait3A_242 : memref<1x80xi32, #tpu.memory_space<vmem>> -> memref<80xi32, #tpu.memory_space<vmem>>
          %dma_wait3A_244 = arith.constant 0 : i32
          %dma_wait3A_245 = arith.constant 0 : i32
          %dma_wait3A_246 = tpu.memref_slice %arg16[%dma_wait3A_244, %dma_wait3A_245] : memref<10000x96xf32, #tpu.memory_space<vmem_shared>> -> memref<10000x96xf32, #tpu.memory_space<vmem_shared>>
          tpu.wait_indirect_dma semaphore(%run_scoped3A : memref<!tpu.dma_semaphore, #tpu.memory_space<semaphore_mem>>) src(%arg14 : memref<80x96xf32, #tpu.memory_space<vmem>>) dst(%dma_wait3A_246 : memref<10000x96xf32, #tpu.memory_space<vmem_shared>>)
          tpu.yield
        }) : () -> ()
      } else {
      }
      %scan3A_212 = arith.constant 0 : i32
      scf.yield %scan3A_212 : i32
    }
    %scan3A_191 = arith.constant 125 : i32
    %barrier3A_192 = arith.constant 0 : index
    tpu.barrier barrier_id(%barrier3A_192)
    %mul3A_193 = arith.constant 625 : i32
    %mul3A_194 = arith.muli %arg1, %mul3A_193 : i32
    %mul3A_195 = arith.constant 10000 : i32
    %mul3A_196 = arith.muli %add3A_138, %mul3A_195 : i32
    %mul3A_197 = arith.constant 625 : i32
    %mul3A_198 = arith.muli %arg1, %mul3A_197 : i32
    %add3A_199 = arith.addi %mul3A_196, %mul3A_198 : i32
    "tpu.region"() ({
      %run_scoped3A = tpu.sem_alloc : memref<!tpu.dma_semaphore, #tpu.memory_space<semaphore_mem>>
      %dma_start3A_200 = arith.constant 0 : i32
      %dma_start3A_201 = tpu.memref_slice %arg6[%add3A_199, %dma_start3A_200] : memref<60000x96xf32, #tpu.memory_space<hbm>> -> memref<625x96xf32, #tpu.memory_space<hbm>>
      %dma_start3A_202 = arith.constant 0 : i32
      %dma_start3A_203 = tpu.memref_slice %arg16[%mul3A_194, %dma_start3A_202] : memref<10000x96xf32, #tpu.memory_space<vmem_shared>> -> memref<625x96xf32, #tpu.memory_space<vmem_shared>>
      tpu.enqueue_dma source(%dma_start3A_203 : memref<625x96xf32, #tpu.memory_space<vmem_shared>>) target(%dma_start3A_201 : memref<625x96xf32, #tpu.memory_space<hbm>>) target_semaphore(%run_scoped3A : memref<!tpu.dma_semaphore, #tpu.memory_space<semaphore_mem>>)
      %dma_wait3A = arith.constant 0 : i32
      %dma_wait3A_204 = tpu.memref_slice %arg6[%add3A_199, %dma_wait3A] : memref<60000x96xf32, #tpu.memory_space<hbm>> -> memref<625x96xf32, #tpu.memory_space<hbm>>
      %dma_wait3A_205 = arith.constant 0 : i32
      %dma_wait3A_206 = tpu.memref_slice %arg16[%mul3A_194, %dma_wait3A_205] : memref<10000x96xf32, #tpu.memory_space<vmem_shared>> -> memref<625x96xf32, #tpu.memory_space<vmem_shared>>
      tpu.wait_dma2 semaphore(%run_scoped3A : memref<!tpu.dma_semaphore, #tpu.memory_space<semaphore_mem>>) src(%dma_wait3A_206 : memref<625x96xf32, #tpu.memory_space<vmem_shared>>) dst(%dma_wait3A_204 : memref<625x96xf32, #tpu.memory_space<hbm>>)
      tpu.yield
    }) : () -> ()
    return
  }
}

module attributes {stable_mosaic.version = 14 : i64} {
  func.func @_ep_body(%arg0: i32, %arg1: memref<4000x16xf32, #tpu.memory_space<vmem>>, %arg2: memref<6x16x96xf32, #tpu.memory_space<vmem>>, %arg3: memref<6x1x96xf32, #tpu.memory_space<vmem>>, %arg4: memref<6x4000x96xbf16, #tpu.memory_space<vmem>>) attributes {dimension_semantics = [#tpu.dimension_semantics<arbitrary>], iteration_bounds = array<i64: 40>, scalar_prefetch = 0 : i64, scratch_operands = 0 : i64, tpu.core_type = #tpu.core_type<tc>, window_params = [{transform_indices = @transform_0, window_bounds = array<i64: 4000, 16>}, {pipeline_mode = #tpu.pipeline_mode<synchronous>, transform_indices = @transform_1, window_bounds = array<i64: 6, 16, 96>}, {pipeline_mode = #tpu.pipeline_mode<synchronous>, transform_indices = @transform_2, window_bounds = array<i64: 6, 1, 96>}, {transform_indices = @transform_3, window_bounds = array<i64: 6, 4000, 96>}]} {
    %get3A = arith.constant 0 : index
    %get3A_0 = arith.constant 0 : index
    %get3A_1 = vector.load %arg1[%get3A, %get3A_0] : memref<4000x16xf32, #tpu.memory_space<vmem>>, vector<4000x16xf32>
    %get3A_2 = arith.constant 0 : index
    %get3A_3 = arith.constant 0 : index
    %get3A_4 = arith.constant 0 : index
    %get3A_5 = vector.load %arg2[%get3A_2, %get3A_3, %get3A_4] : memref<6x16x96xf32, #tpu.memory_space<vmem>>, vector<1x16x96xf32>
    %get3A_6 = vector.shape_cast %get3A_5 : vector<1x16x96xf32> to vector<16x96xf32>
    %dot_general3A = arith.constant dense<0.000000e+00> : vector<4000x96xf32>
    %dot_general3A_7 = tpu.matmul %get3A_1, %get3A_6, %dot_general3A {dimension_numbers = #tpu.dot_dimension_numbers<[1], [0], [0], [1], [0, 0, 1, 1], [], []>, transpose_lhs_hint = false} : vector<4000x16xf32>, vector<16x96xf32>, vector<4000x96xf32> -> vector<4000x96xf32>
    %get3A_8 = arith.constant 0 : index
    %get3A_9 = arith.constant 0 : index
    %get3A_10 = arith.constant 0 : index
    %get3A_11 = vector.load %arg3[%get3A_8, %get3A_9, %get3A_10] : memref<6x1x96xf32, #tpu.memory_space<vmem>>, vector<1x1x96xf32>
    %get3A_12 = vector.shape_cast %get3A_11 : vector<1x1x96xf32> to vector<1x96xf32>
    %add3A = vector.broadcast %get3A_12 : vector<1x96xf32> to vector<4000x96xf32>
    %add3A_13 = arith.addf %dot_general3A_7, %add3A : vector<4000x96xf32>
    %convert_element_type3A = arith.truncf %add3A_13 : vector<4000x96xf32> to vector<4000x96xbf16>
    %swap3A = arith.constant 0 : index
    %swap3A_14 = arith.constant 0 : index
    %swap3A_15 = arith.constant 0 : index
    %swap3A_16 = vector.load %arg4[%swap3A, %swap3A_14, %swap3A_15] : memref<6x4000x96xbf16, #tpu.memory_space<vmem>>, vector<1x4000x96xbf16>
    %swap3A_17 = vector.shape_cast %swap3A_16 : vector<1x4000x96xbf16> to vector<4000x96xbf16>
    %swap3A_18 = vector.shape_cast %convert_element_type3A : vector<4000x96xbf16> to vector<1x4000x96xbf16>
    tpu.vector_store %arg4[%swap3A, %swap3A_14, %swap3A_15], %swap3A_18 {strides = array<i32>} : memref<6x4000x96xbf16, #tpu.memory_space<vmem>>, vector<1x4000x96xbf16>,
    %get3A_19 = arith.constant 1 : index
    %get3A_20 = arith.constant 0 : index
    %get3A_21 = arith.constant 0 : index
    %get3A_22 = vector.load %arg2[%get3A_19, %get3A_20, %get3A_21] : memref<6x16x96xf32, #tpu.memory_space<vmem>>, vector<1x16x96xf32>
    %get3A_23 = vector.shape_cast %get3A_22 : vector<1x16x96xf32> to vector<16x96xf32>
    %dot_general3A_24 = arith.constant dense<0.000000e+00> : vector<4000x96xf32>
    %dot_general3A_25 = tpu.matmul %get3A_1, %get3A_23, %dot_general3A_24 {dimension_numbers = #tpu.dot_dimension_numbers<[1], [0], [0], [1], [0, 0, 1, 1], [], []>, transpose_lhs_hint = false} : vector<4000x16xf32>, vector<16x96xf32>, vector<4000x96xf32> -> vector<4000x96xf32>
    %get3A_26 = arith.constant 1 : index
    %get3A_27 = arith.constant 0 : index
    %get3A_28 = arith.constant 0 : index
    %get3A_29 = vector.load %arg3[%get3A_26, %get3A_27, %get3A_28] : memref<6x1x96xf32, #tpu.memory_space<vmem>>, vector<1x1x96xf32>
    %get3A_30 = vector.shape_cast %get3A_29 : vector<1x1x96xf32> to vector<1x96xf32>
    %add3A_31 = vector.broadcast %get3A_30 : vector<1x96xf32> to vector<4000x96xf32>
    %add3A_32 = arith.addf %dot_general3A_25, %add3A_31 : vector<4000x96xf32>
    %convert_element_type3A_33 = arith.truncf %add3A_32 : vector<4000x96xf32> to vector<4000x96xbf16>
    %swap3A_34 = arith.constant 1 : index
    %swap3A_35 = arith.constant 0 : index
    %swap3A_36 = arith.constant 0 : index
    %swap3A_37 = vector.load %arg4[%swap3A_34, %swap3A_35, %swap3A_36] : memref<6x4000x96xbf16, #tpu.memory_space<vmem>>, vector<1x4000x96xbf16>
    %swap3A_38 = vector.shape_cast %swap3A_37 : vector<1x4000x96xbf16> to vector<4000x96xbf16>
    %swap3A_39 = vector.shape_cast %convert_element_type3A_33 : vector<4000x96xbf16> to vector<1x4000x96xbf16>
    tpu.vector_store %arg4[%swap3A_34, %swap3A_35, %swap3A_36], %swap3A_39 {strides = array<i32>} : memref<6x4000x96xbf16, #tpu.memory_space<vmem>>, vector<1x4000x96xbf16>,
    %get3A_40 = arith.constant 2 : index
    %get3A_41 = arith.constant 0 : index
    %get3A_42 = arith.constant 0 : index
    %get3A_43 = vector.load %arg2[%get3A_40, %get3A_41, %get3A_42] : memref<6x16x96xf32, #tpu.memory_space<vmem>>, vector<1x16x96xf32>
    %get3A_44 = vector.shape_cast %get3A_43 : vector<1x16x96xf32> to vector<16x96xf32>
    %dot_general3A_45 = arith.constant dense<0.000000e+00> : vector<4000x96xf32>
    %dot_general3A_46 = tpu.matmul %get3A_1, %get3A_44, %dot_general3A_45 {dimension_numbers = #tpu.dot_dimension_numbers<[1], [0], [0], [1], [0, 0, 1, 1], [], []>, transpose_lhs_hint = false} : vector<4000x16xf32>, vector<16x96xf32>, vector<4000x96xf32> -> vector<4000x96xf32>
    %get3A_47 = arith.constant 2 : index
    %get3A_48 = arith.constant 0 : index
    %get3A_49 = arith.constant 0 : index
    %get3A_50 = vector.load %arg3[%get3A_47, %get3A_48, %get3A_49] : memref<6x1x96xf32, #tpu.memory_space<vmem>>, vector<1x1x96xf32>
    %get3A_51 = vector.shape_cast %get3A_50 : vector<1x1x96xf32> to vector<1x96xf32>
    %add3A_52 = vector.broadcast %get3A_51 : vector<1x96xf32> to vector<4000x96xf32>
    %add3A_53 = arith.addf %dot_general3A_46, %add3A_52 : vector<4000x96xf32>
    %convert_element_type3A_54 = arith.truncf %add3A_53 : vector<4000x96xf32> to vector<4000x96xbf16>
    %swap3A_55 = arith.constant 2 : index
    %swap3A_56 = arith.constant 0 : index
    %swap3A_57 = arith.constant 0 : index
    %swap3A_58 = vector.load %arg4[%swap3A_55, %swap3A_56, %swap3A_57] : memref<6x4000x96xbf16, #tpu.memory_space<vmem>>, vector<1x4000x96xbf16>
    %swap3A_59 = vector.shape_cast %swap3A_58 : vector<1x4000x96xbf16> to vector<4000x96xbf16>
    %swap3A_60 = vector.shape_cast %convert_element_type3A_54 : vector<4000x96xbf16> to vector<1x4000x96xbf16>
    tpu.vector_store %arg4[%swap3A_55, %swap3A_56, %swap3A_57], %swap3A_60 {strides = array<i32>} : memref<6x4000x96xbf16, #tpu.memory_space<vmem>>, vector<1x4000x96xbf16>,
    %get3A_61 = arith.constant 3 : index
    %get3A_62 = arith.constant 0 : index
    %get3A_63 = arith.constant 0 : index
    %get3A_64 = vector.load %arg2[%get3A_61, %get3A_62, %get3A_63] : memref<6x16x96xf32, #tpu.memory_space<vmem>>, vector<1x16x96xf32>
    %get3A_65 = vector.shape_cast %get3A_64 : vector<1x16x96xf32> to vector<16x96xf32>
    %dot_general3A_66 = arith.constant dense<0.000000e+00> : vector<4000x96xf32>
    %dot_general3A_67 = tpu.matmul %get3A_1, %get3A_65, %dot_general3A_66 {dimension_numbers = #tpu.dot_dimension_numbers<[1], [0], [0], [1], [0, 0, 1, 1], [], []>, transpose_lhs_hint = false} : vector<4000x16xf32>, vector<16x96xf32>, vector<4000x96xf32> -> vector<4000x96xf32>
    %get3A_68 = arith.constant 3 : index
    %get3A_69 = arith.constant 0 : index
    %get3A_70 = arith.constant 0 : index
    %get3A_71 = vector.load %arg3[%get3A_68, %get3A_69, %get3A_70] : memref<6x1x96xf32, #tpu.memory_space<vmem>>, vector<1x1x96xf32>
    %get3A_72 = vector.shape_cast %get3A_71 : vector<1x1x96xf32> to vector<1x96xf32>
    %add3A_73 = vector.broadcast %get3A_72 : vector<1x96xf32> to vector<4000x96xf32>
    %add3A_74 = arith.addf %dot_general3A_67, %add3A_73 : vector<4000x96xf32>
    %convert_element_type3A_75 = arith.truncf %add3A_74 : vector<4000x96xf32> to vector<4000x96xbf16>
    %swap3A_76 = arith.constant 3 : index
    %swap3A_77 = arith.constant 0 : index
    %swap3A_78 = arith.constant 0 : index
    %swap3A_79 = vector.load %arg4[%swap3A_76, %swap3A_77, %swap3A_78] : memref<6x4000x96xbf16, #tpu.memory_space<vmem>>, vector<1x4000x96xbf16>
    %swap3A_80 = vector.shape_cast %swap3A_79 : vector<1x4000x96xbf16> to vector<4000x96xbf16>
    %swap3A_81 = vector.shape_cast %convert_element_type3A_75 : vector<4000x96xbf16> to vector<1x4000x96xbf16>
    tpu.vector_store %arg4[%swap3A_76, %swap3A_77, %swap3A_78], %swap3A_81 {strides = array<i32>} : memref<6x4000x96xbf16, #tpu.memory_space<vmem>>, vector<1x4000x96xbf16>,
    %get3A_82 = arith.constant 4 : index
    %get3A_83 = arith.constant 0 : index
    %get3A_84 = arith.constant 0 : index
    %get3A_85 = vector.load %arg2[%get3A_82, %get3A_83, %get3A_84] : memref<6x16x96xf32, #tpu.memory_space<vmem>>, vector<1x16x96xf32>
    %get3A_86 = vector.shape_cast %get3A_85 : vector<1x16x96xf32> to vector<16x96xf32>
    %dot_general3A_87 = arith.constant dense<0.000000e+00> : vector<4000x96xf32>
    %dot_general3A_88 = tpu.matmul %get3A_1, %get3A_86, %dot_general3A_87 {dimension_numbers = #tpu.dot_dimension_numbers<[1], [0], [0], [1], [0, 0, 1, 1], [], []>, transpose_lhs_hint = false} : vector<4000x16xf32>, vector<16x96xf32>, vector<4000x96xf32> -> vector<4000x96xf32>
    %get3A_89 = arith.constant 4 : index
    %get3A_90 = arith.constant 0 : index
    %get3A_91 = arith.constant 0 : index
    %get3A_92 = vector.load %arg3[%get3A_89, %get3A_90, %get3A_91] : memref<6x1x96xf32, #tpu.memory_space<vmem>>, vector<1x1x96xf32>
    %get3A_93 = vector.shape_cast %get3A_92 : vector<1x1x96xf32> to vector<1x96xf32>
    %add3A_94 = vector.broadcast %get3A_93 : vector<1x96xf32> to vector<4000x96xf32>
    %add3A_95 = arith.addf %dot_general3A_88, %add3A_94 : vector<4000x96xf32>
    %convert_element_type3A_96 = arith.truncf %add3A_95 : vector<4000x96xf32> to vector<4000x96xbf16>
    %swap3A_97 = arith.constant 4 : index
    %swap3A_98 = arith.constant 0 : index
    %swap3A_99 = arith.constant 0 : index
    %swap3A_100 = vector.load %arg4[%swap3A_97, %swap3A_98, %swap3A_99] : memref<6x4000x96xbf16, #tpu.memory_space<vmem>>, vector<1x4000x96xbf16>
    %swap3A_101 = vector.shape_cast %swap3A_100 : vector<1x4000x96xbf16> to vector<4000x96xbf16>
    %swap3A_102 = vector.shape_cast %convert_element_type3A_96 : vector<4000x96xbf16> to vector<1x4000x96xbf16>
    tpu.vector_store %arg4[%swap3A_97, %swap3A_98, %swap3A_99], %swap3A_102 {strides = array<i32>} : memref<6x4000x96xbf16, #tpu.memory_space<vmem>>, vector<1x4000x96xbf16>,
    %get3A_103 = arith.constant 5 : index
    %get3A_104 = arith.constant 0 : index
    %get3A_105 = arith.constant 0 : index
    %get3A_106 = vector.load %arg2[%get3A_103, %get3A_104, %get3A_105] : memref<6x16x96xf32, #tpu.memory_space<vmem>>, vector<1x16x96xf32>
    %get3A_107 = vector.shape_cast %get3A_106 : vector<1x16x96xf32> to vector<16x96xf32>
    %dot_general3A_108 = arith.constant dense<0.000000e+00> : vector<4000x96xf32>
    %dot_general3A_109 = tpu.matmul %get3A_1, %get3A_107, %dot_general3A_108 {dimension_numbers = #tpu.dot_dimension_numbers<[1], [0], [0], [1], [0, 0, 1, 1], [], []>, transpose_lhs_hint = false} : vector<4000x16xf32>, vector<16x96xf32>, vector<4000x96xf32> -> vector<4000x96xf32>
    %get3A_110 = arith.constant 5 : index
    %get3A_111 = arith.constant 0 : index
    %get3A_112 = arith.constant 0 : index
    %get3A_113 = vector.load %arg3[%get3A_110, %get3A_111, %get3A_112] : memref<6x1x96xf32, #tpu.memory_space<vmem>>, vector<1x1x96xf32>
    %get3A_114 = vector.shape_cast %get3A_113 : vector<1x1x96xf32> to vector<1x96xf32>
    %add3A_115 = vector.broadcast %get3A_114 : vector<1x96xf32> to vector<4000x96xf32>
    %add3A_116 = arith.addf %dot_general3A_109, %add3A_115 : vector<4000x96xf32>
    %convert_element_type3A_117 = arith.truncf %add3A_116 : vector<4000x96xf32> to vector<4000x96xbf16>
    %swap3A_118 = arith.constant 5 : index
    %swap3A_119 = arith.constant 0 : index
    %swap3A_120 = arith.constant 0 : index
    %swap3A_121 = vector.load %arg4[%swap3A_118, %swap3A_119, %swap3A_120] : memref<6x4000x96xbf16, #tpu.memory_space<vmem>>, vector<1x4000x96xbf16>
    %swap3A_122 = vector.shape_cast %swap3A_121 : vector<1x4000x96xbf16> to vector<4000x96xbf16>
    %swap3A_123 = vector.shape_cast %convert_element_type3A_117 : vector<4000x96xbf16> to vector<1x4000x96xbf16>
    tpu.vector_store %arg4[%swap3A_118, %swap3A_119, %swap3A_120], %swap3A_123 {strides = array<i32>} : memref<6x4000x96xbf16, #tpu.memory_space<vmem>>, vector<1x4000x96xbf16>,
    return
  }
  func.func @transform_0(%arg0: i32) -> (i32, i32) {
    %c0_i32 = arith.constant 0 : i32
    %c0_i32_0 = arith.constant 0 : i32
    return %arg0, %c0_i32 : i32, i32
  }
  func.func @transform_1(%arg0: i32) -> (i32, i32, i32) {
    %c0_i32 = arith.constant 0 : i32
    %c0_i32_0 = arith.constant 0 : i32
    %c0_i32_1 = arith.constant 0 : i32
    %c0_i32_2 = arith.constant 0 : i32
    return %c0_i32, %c0_i32_0, %c0_i32_1 : i32, i32, i32
  }
  func.func @transform_2(%arg0: i32) -> (i32, i32, i32) {
    %c0_i32 = arith.constant 0 : i32
    %c0_i32_0 = arith.constant 0 : i32
    %c0_i32_1 = arith.constant 0 : i32
    %c0_i32_2 = arith.constant 0 : i32
    return %c0_i32, %c0_i32_0, %c0_i32_1 : i32, i32, i32
  }
  func.func @transform_3(%arg0: i32) -> (i32, i32, i32) {
    %c0_i32 = arith.constant 0 : i32
    %c0_i32_0 = arith.constant 0 : i32
    %c0_i32_1 = arith.constant 0 : i32
    return %c0_i32, %arg0, %c0_i32_0 : i32, i32, i32
  }
}

module attributes {stable_mosaic.version = 14 : i64} {
  func.func @_xp_body(%arg0: i32, %arg1: memref<2000x256xf32, #tpu.memory_space<vmem>>, %arg2: memref<256x576xf32, #tpu.memory_space<vmem>>, %arg3: memref<1x576xf32, #tpu.memory_space<vmem>>, %arg4: memref<2000x576xbf16, #tpu.memory_space<vmem>>) attributes {dimension_semantics = [#tpu.dimension_semantics<arbitrary>], iteration_bounds = array<i64: 5>, scalar_prefetch = 0 : i64, scratch_operands = 0 : i64, tpu.core_type = #tpu.core_type<tc>, window_params = [{transform_indices = @transform_0, window_bounds = array<i64: 2000, 256>}, {pipeline_mode = #tpu.pipeline_mode<synchronous>, transform_indices = @transform_1, window_bounds = array<i64: 256, 576>}, {pipeline_mode = #tpu.pipeline_mode<synchronous>, transform_indices = @transform_2, window_bounds = array<i64: 1, 576>}, {transform_indices = @transform_3, window_bounds = array<i64: 2000, 576>}]} {
    %get3A = arith.constant 0 : index
    %get3A_0 = arith.constant 0 : index
    %get3A_1 = vector.load %arg1[%get3A, %get3A_0] : memref<2000x256xf32, #tpu.memory_space<vmem>>, vector<2000x256xf32>
    %get3A_2 = arith.constant 0 : index
    %get3A_3 = arith.constant 0 : index
    %get3A_4 = vector.load %arg2[%get3A_2, %get3A_3] : memref<256x576xf32, #tpu.memory_space<vmem>>, vector<256x576xf32>
    %dot_general3A = arith.constant dense<0.000000e+00> : vector<2000x576xf32>
    %dot_general3A_5 = tpu.matmul %get3A_1, %get3A_4, %dot_general3A {dimension_numbers = #tpu.dot_dimension_numbers<[1], [0], [0], [1], [0, 0, 1, 1], [], []>, transpose_lhs_hint = false} : vector<2000x256xf32>, vector<256x576xf32>, vector<2000x576xf32> -> vector<2000x576xf32>
    %get3A_6 = arith.constant 0 : index
    %get3A_7 = arith.constant 0 : index
    %get3A_8 = vector.load %arg3[%get3A_6, %get3A_7] : memref<1x576xf32, #tpu.memory_space<vmem>>, vector<1x576xf32>
    %add3A = vector.broadcast %get3A_8 : vector<1x576xf32> to vector<2000x576xf32>
    %add3A_9 = arith.addf %dot_general3A_5, %add3A : vector<2000x576xf32>
    %convert_element_type3A = arith.truncf %add3A_9 : vector<2000x576xf32> to vector<2000x576xbf16>
    %swap3A = arith.constant 0 : index
    %swap3A_10 = arith.constant 0 : index
    %swap3A_11 = vector.load %arg4[%swap3A, %swap3A_10] : memref<2000x576xbf16, #tpu.memory_space<vmem>>, vector<2000x576xbf16>
    tpu.vector_store %arg4[%swap3A, %swap3A_10], %convert_element_type3A {strides = array<i32>} : memref<2000x576xbf16, #tpu.memory_space<vmem>>, vector<2000x576xbf16>,
    return
  }
  func.func @transform_0(%arg0: i32) -> (i32, i32) {
    %c0_i32 = arith.constant 0 : i32
    %c0_i32_0 = arith.constant 0 : i32
    return %arg0, %c0_i32 : i32, i32
  }
  func.func @transform_1(%arg0: i32) -> (i32, i32) {
    %c0_i32 = arith.constant 0 : i32
    %c0_i32_0 = arith.constant 0 : i32
    %c0_i32_1 = arith.constant 0 : i32
    return %c0_i32, %c0_i32_0 : i32, i32
  }
  func.func @transform_2(%arg0: i32) -> (i32, i32) {
    %c0_i32 = arith.constant 0 : i32
    %c0_i32_0 = arith.constant 0 : i32
    %c0_i32_1 = arith.constant 0 : i32
    return %c0_i32, %c0_i32_0 : i32, i32
  }
  func.func @transform_3(%arg0: i32) -> (i32, i32) {
    %c0_i32 = arith.constant 0 : i32
    %c0_i32_0 = arith.constant 0 : i32
    return %arg0, %c0_i32 : i32, i32
  }
}

module attributes {stable_mosaic.version = 14 : i64} {
  func.func @_post_body(%arg0: i32, %arg1: memref<6x2000x96xf32, #tpu.memory_space<vmem>>, %arg2: memref<2000x256xf32, #tpu.memory_space<vmem>>, %arg3: memref<6x96x544xf32, #tpu.memory_space<vmem>>, %arg4: memref<1x544xf32, #tpu.memory_space<vmem>>, %arg5: memref<256x272xf32, #tpu.memory_space<vmem>>, %arg6: memref<544x272xf32, #tpu.memory_space<vmem>>, %arg7: memref<1x272xf32, #tpu.memory_space<vmem>>, %arg8: memref<272x256xf32, #tpu.memory_space<vmem>>, %arg9: memref<1x256xf32, #tpu.memory_space<vmem>>, %arg10: memref<2000x256xf32, #tpu.memory_space<vmem>>) attributes {dimension_semantics = [#tpu.dimension_semantics<arbitrary>], iteration_bounds = array<i64: 5>, scalar_prefetch = 0 : i64, scratch_operands = 0 : i64, tpu.core_type = #tpu.core_type<tc>, window_params = [{transform_indices = @transform_0, window_bounds = array<i64: 6, 2000, 96>}, {transform_indices = @transform_1, window_bounds = array<i64: 2000, 256>}, {pipeline_mode = #tpu.pipeline_mode<synchronous>, transform_indices = @transform_2, window_bounds = array<i64: 6, 96, 544>}, {pipeline_mode = #tpu.pipeline_mode<synchronous>, transform_indices = @transform_3, window_bounds = array<i64: 1, 544>}, {pipeline_mode = #tpu.pipeline_mode<synchronous>, transform_indices = @transform_4, window_bounds = array<i64: 256, 272>}, {pipeline_mode = #tpu.pipeline_mode<synchronous>, transform_indices = @transform_5, window_bounds = array<i64: 544, 272>}, {pipeline_mode = #tpu.pipeline_mode<synchronous>, transform_indices = @transform_6, window_bounds = array<i64: 1, 272>}, {pipeline_mode = #tpu.pipeline_mode<synchronous>, transform_indices = @transform_7, window_bounds = array<i64: 272, 256>}, {pipeline_mode = #tpu.pipeline_mode<synchronous>, transform_indices = @transform_8, window_bounds = array<i64: 1, 256>}, {transform_indices = @transform_9, window_bounds = array<i64: 2000, 256>}]} {
    %get3A = arith.constant 0 : index
    %get3A_0 = arith.constant 0 : index
    %get3A_1 = arith.constant 0 : index
    %get3A_2 = vector.load %arg1[%get3A, %get3A_0, %get3A_1] : memref<6x2000x96xf32, #tpu.memory_space<vmem>>, vector<1x2000x96xf32>
    %get3A_3 = vector.shape_cast %get3A_2 : vector<1x2000x96xf32> to vector<2000x96xf32>
    %get3A_4 = arith.constant 0 : index
    %get3A_5 = arith.constant 0 : index
    %get3A_6 = arith.constant 0 : index
    %get3A_7 = vector.load %arg3[%get3A_4, %get3A_5, %get3A_6] : memref<6x96x544xf32, #tpu.memory_space<vmem>>, vector<1x96x544xf32>
    %get3A_8 = vector.shape_cast %get3A_7 : vector<1x96x544xf32> to vector<96x544xf32>
    %dot_general3A = arith.constant dense<0.000000e+00> : vector<2000x544xf32>
    %dot_general3A_9 = tpu.matmul %get3A_3, %get3A_8, %dot_general3A {dimension_numbers = #tpu.dot_dimension_numbers<[1], [0], [0], [1], [0, 0, 1, 1], [], []>, transpose_lhs_hint = false} : vector<2000x96xf32>, vector<96x544xf32>, vector<2000x544xf32> -> vector<2000x544xf32>
    %get3A_10 = arith.constant 1 : index
    %get3A_11 = arith.constant 0 : index
    %get3A_12 = arith.constant 0 : index
    %get3A_13 = vector.load %arg1[%get3A_10, %get3A_11, %get3A_12] : memref<6x2000x96xf32, #tpu.memory_space<vmem>>, vector<1x2000x96xf32>
    %get3A_14 = vector.shape_cast %get3A_13 : vector<1x2000x96xf32> to vector<2000x96xf32>
    %get3A_15 = arith.constant 1 : index
    %get3A_16 = arith.constant 0 : index
    %get3A_17 = arith.constant 0 : index
    %get3A_18 = vector.load %arg3[%get3A_15, %get3A_16, %get3A_17] : memref<6x96x544xf32, #tpu.memory_space<vmem>>, vector<1x96x544xf32>
    %get3A_19 = vector.shape_cast %get3A_18 : vector<1x96x544xf32> to vector<96x544xf32>
    %dot_general3A_20 = arith.constant dense<0.000000e+00> : vector<2000x544xf32>
    %dot_general3A_21 = tpu.matmul %get3A_14, %get3A_19, %dot_general3A_20 {dimension_numbers = #tpu.dot_dimension_numbers<[1], [0], [0], [1], [0, 0, 1, 1], [], []>, transpose_lhs_hint = false} : vector<2000x96xf32>, vector<96x544xf32>, vector<2000x544xf32> -> vector<2000x544xf32>
    %add3A = arith.addf %dot_general3A_9, %dot_general3A_21 : vector<2000x544xf32>
    %get3A_22 = arith.constant 2 : index
    %get3A_23 = arith.constant 0 : index
    %get3A_24 = arith.constant 0 : index
    %get3A_25 = vector.load %arg1[%get3A_22, %get3A_23, %get3A_24] : memref<6x2000x96xf32, #tpu.memory_space<vmem>>, vector<1x2000x96xf32>
    %get3A_26 = vector.shape_cast %get3A_25 : vector<1x2000x96xf32> to vector<2000x96xf32>
    %get3A_27 = arith.constant 2 : index
    %get3A_28 = arith.constant 0 : index
    %get3A_29 = arith.constant 0 : index
    %get3A_30 = vector.load %arg3[%get3A_27, %get3A_28, %get3A_29] : memref<6x96x544xf32, #tpu.memory_space<vmem>>, vector<1x96x544xf32>
    %get3A_31 = vector.shape_cast %get3A_30 : vector<1x96x544xf32> to vector<96x544xf32>
    %dot_general3A_32 = arith.constant dense<0.000000e+00> : vector<2000x544xf32>
    %dot_general3A_33 = tpu.matmul %get3A_26, %get3A_31, %dot_general3A_32 {dimension_numbers = #tpu.dot_dimension_numbers<[1], [0], [0], [1], [0, 0, 1, 1], [], []>, transpose_lhs_hint = false} : vector<2000x96xf32>, vector<96x544xf32>, vector<2000x544xf32> -> vector<2000x544xf32>
    %add3A_34 = arith.addf %add3A, %dot_general3A_33 : vector<2000x544xf32>
    %get3A_35 = arith.constant 3 : index
    %get3A_36 = arith.constant 0 : index
    %get3A_37 = arith.constant 0 : index
    %get3A_38 = vector.load %arg1[%get3A_35, %get3A_36, %get3A_37] : memref<6x2000x96xf32, #tpu.memory_space<vmem>>, vector<1x2000x96xf32>
    %get3A_39 = vector.shape_cast %get3A_38 : vector<1x2000x96xf32> to vector<2000x96xf32>
    %get3A_40 = arith.constant 3 : index
    %get3A_41 = arith.constant 0 : index
    %get3A_42 = arith.constant 0 : index
    %get3A_43 = vector.load %arg3[%get3A_40, %get3A_41, %get3A_42] : memref<6x96x544xf32, #tpu.memory_space<vmem>>, vector<1x96x544xf32>
    %get3A_44 = vector.shape_cast %get3A_43 : vector<1x96x544xf32> to vector<96x544xf32>
    %dot_general3A_45 = arith.constant dense<0.000000e+00> : vector<2000x544xf32>
    %dot_general3A_46 = tpu.matmul %get3A_39, %get3A_44, %dot_general3A_45 {dimension_numbers = #tpu.dot_dimension_numbers<[1], [0], [0], [1], [0, 0, 1, 1], [], []>, transpose_lhs_hint = false} : vector<2000x96xf32>, vector<96x544xf32>, vector<2000x544xf32> -> vector<2000x544xf32>
    %add3A_47 = arith.addf %add3A_34, %dot_general3A_46 : vector<2000x544xf32>
    %get3A_48 = arith.constant 4 : index
    %get3A_49 = arith.constant 0 : index
    %get3A_50 = arith.constant 0 : index
    %get3A_51 = vector.load %arg1[%get3A_48, %get3A_49, %get3A_50] : memref<6x2000x96xf32, #tpu.memory_space<vmem>>, vector<1x2000x96xf32>
    %get3A_52 = vector.shape_cast %get3A_51 : vector<1x2000x96xf32> to vector<2000x96xf32>
    %get3A_53 = arith.constant 4 : index
    %get3A_54 = arith.constant 0 : index
    %get3A_55 = arith.constant 0 : index
    %get3A_56 = vector.load %arg3[%get3A_53, %get3A_54, %get3A_55] : memref<6x96x544xf32, #tpu.memory_space<vmem>>, vector<1x96x544xf32>
    %get3A_57 = vector.shape_cast %get3A_56 : vector<1x96x544xf32> to vector<96x544xf32>
    %dot_general3A_58 = arith.constant dense<0.000000e+00> : vector<2000x544xf32>
    %dot_general3A_59 = tpu.matmul %get3A_52, %get3A_57, %dot_general3A_58 {dimension_numbers = #tpu.dot_dimension_numbers<[1], [0], [0], [1], [0, 0, 1, 1], [], []>, transpose_lhs_hint = false} : vector<2000x96xf32>, vector<96x544xf32>, vector<2000x544xf32> -> vector<2000x544xf32>
    %add3A_60 = arith.addf %add3A_47, %dot_general3A_59 : vector<2000x544xf32>
    %get3A_61 = arith.constant 5 : index
    %get3A_62 = arith.constant 0 : index
    %get3A_63 = arith.constant 0 : index
    %get3A_64 = vector.load %arg1[%get3A_61, %get3A_62, %get3A_63] : memref<6x2000x96xf32, #tpu.memory_space<vmem>>, vector<1x2000x96xf32>
    %get3A_65 = vector.shape_cast %get3A_64 : vector<1x2000x96xf32> to vector<2000x96xf32>
    %get3A_66 = arith.constant 5 : index
    %get3A_67 = arith.constant 0 : index
    %get3A_68 = arith.constant 0 : index
    %get3A_69 = vector.load %arg3[%get3A_66, %get3A_67, %get3A_68] : memref<6x96x544xf32, #tpu.memory_space<vmem>>, vector<1x96x544xf32>
    %get3A_70 = vector.shape_cast %get3A_69 : vector<1x96x544xf32> to vector<96x544xf32>
    %dot_general3A_71 = arith.constant dense<0.000000e+00> : vector<2000x544xf32>
    %dot_general3A_72 = tpu.matmul %get3A_65, %get3A_70, %dot_general3A_71 {dimension_numbers = #tpu.dot_dimension_numbers<[1], [0], [0], [1], [0, 0, 1, 1], [], []>, transpose_lhs_hint = false} : vector<2000x96xf32>, vector<96x544xf32>, vector<2000x544xf32> -> vector<2000x544xf32>
    %add3A_73 = arith.addf %add3A_60, %dot_general3A_72 : vector<2000x544xf32>
    %get3A_74 = arith.constant 5 : index
    %get3A_75 = arith.constant 0 : index
    %get3A_76 = arith.constant 0 : index
    %get3A_77 = vector.load %arg1[%get3A_74, %get3A_75, %get3A_76] : memref<6x2000x96xf32, #tpu.memory_space<vmem>>, vector<1x2000x96xf32>
    %get3A_78 = vector.shape_cast %get3A_77 : vector<1x2000x96xf32> to vector<2000x96xf32>
    %slice3A = vector.extract_strided_slice %get3A_78 {offsets = [0, 64], sizes = [2000, 1], strides = [1, 1]} : vector<2000x96xf32> to vector<2000x1xf32>
    %get3A_79 = arith.constant 0 : index
    %get3A_80 = arith.constant 0 : index
    %get3A_81 = vector.load %arg4[%get3A_79, %get3A_80] : memref<1x544xf32, #tpu.memory_space<vmem>>, vector<1x544xf32>
    %mul3A = vector.broadcast %slice3A : vector<2000x1xf32> to vector<2000x544xf32>
    %mul3A_82 = vector.broadcast %get3A_81 : vector<1x544xf32> to vector<2000x544xf32>
    %mul3A_83 = arith.mulf %mul3A, %mul3A_82 : vector<2000x544xf32>
    %add3A_84 = arith.addf %add3A_73, %mul3A_83 : vector<2000x544xf32>
    %max3A = arith.constant 1.000000e+00 : f32
    %max3A_85 = vector.broadcast %max3A : f32 to vector<2000x1xf32>
    %max3A_86 = arith.maximumf %slice3A, %max3A_85 : vector<2000x1xf32>
    %div3A = vector.broadcast %max3A_86 : vector<2000x1xf32> to vector<2000x544xf32>
    %div3A_87 = arith.divf %add3A_84, %div3A : vector<2000x544xf32>
    %get3A_88 = arith.constant 0 : index
    %get3A_89 = arith.constant 0 : index
    %get3A_90 = vector.load %arg2[%get3A_88, %get3A_89] : memref<2000x256xf32, #tpu.memory_space<vmem>>, vector<2000x256xf32>
    %get3A_91 = arith.constant 0 : index
    %get3A_92 = arith.constant 0 : index
    %get3A_93 = vector.load %arg5[%get3A_91, %get3A_92] : memref<256x272xf32, #tpu.memory_space<vmem>>, vector<256x272xf32>
    %dot_general3A_94 = arith.constant dense<0.000000e+00> : vector<2000x272xf32>
    %dot_general3A_95 = tpu.matmul %get3A_90, %get3A_93, %dot_general3A_94 {dimension_numbers = #tpu.dot_dimension_numbers<[1], [0], [0], [1], [0, 0, 1, 1], [], []>, transpose_lhs_hint = false} : vector<2000x256xf32>, vector<256x272xf32>, vector<2000x272xf32> -> vector<2000x272xf32>
    %get3A_96 = arith.constant 0 : index
    %get3A_97 = arith.constant 0 : index
    %get3A_98 = vector.load %arg6[%get3A_96, %get3A_97] : memref<544x272xf32, #tpu.memory_space<vmem>>, vector<544x272xf32>
    %dot_general3A_99 = arith.constant dense<0.000000e+00> : vector<2000x272xf32>
    %dot_general3A_100 = tpu.matmul %div3A_87, %get3A_98, %dot_general3A_99 {dimension_numbers = #tpu.dot_dimension_numbers<[1], [0], [0], [1], [0, 0, 1, 1], [], []>, transpose_lhs_hint = false} : vector<2000x544xf32>, vector<544x272xf32>, vector<2000x272xf32> -> vector<2000x272xf32>
    %add3A_101 = arith.addf %dot_general3A_95, %dot_general3A_100 : vector<2000x272xf32>
    %get3A_102 = arith.constant 0 : index
    %get3A_103 = arith.constant 0 : index
    %get3A_104 = vector.load %arg7[%get3A_102, %get3A_103] : memref<1x272xf32, #tpu.memory_space<vmem>>, vector<1x272xf32>
    %add3A_105 = vector.broadcast %get3A_104 : vector<1x272xf32> to vector<2000x272xf32>
    %add3A_106 = arith.addf %add3A_101, %add3A_105 : vector<2000x272xf32>
    %max3A_107 = arith.constant 0.000000e+00 : f32
    %max3A_108 = vector.broadcast %max3A_107 : f32 to vector<2000x272xf32>
    %max3A_109 = arith.maximumf %add3A_106, %max3A_108 : vector<2000x272xf32>
    %get3A_110 = arith.constant 0 : index
    %get3A_111 = arith.constant 0 : index
    %get3A_112 = vector.load %arg8[%get3A_110, %get3A_111] : memref<272x256xf32, #tpu.memory_space<vmem>>, vector<272x256xf32>
    %dot_general3A_113 = arith.constant dense<0.000000e+00> : vector<2000x256xf32>
    %dot_general3A_114 = tpu.matmul %max3A_109, %get3A_112, %dot_general3A_113 {dimension_numbers = #tpu.dot_dimension_numbers<[1], [0], [0], [1], [0, 0, 1, 1], [], []>, transpose_lhs_hint = false} : vector<2000x272xf32>, vector<272x256xf32>, vector<2000x256xf32> -> vector<2000x256xf32>
    %get3A_115 = arith.constant 0 : index
    %get3A_116 = arith.constant 0 : index
    %get3A_117 = vector.load %arg9[%get3A_115, %get3A_116] : memref<1x256xf32, #tpu.memory_space<vmem>>, vector<1x256xf32>
    %add3A_118 = vector.broadcast %get3A_117 : vector<1x256xf32> to vector<2000x256xf32>
    %add3A_119 = arith.addf %dot_general3A_114, %add3A_118 : vector<2000x256xf32>
    %swap3A = arith.constant 0 : index
    %swap3A_120 = arith.constant 0 : index
    %swap3A_121 = vector.load %arg10[%swap3A, %swap3A_120] : memref<2000x256xf32, #tpu.memory_space<vmem>>, vector<2000x256xf32>
    tpu.vector_store %arg10[%swap3A, %swap3A_120], %add3A_119 {strides = array<i32>} : memref<2000x256xf32, #tpu.memory_space<vmem>>, vector<2000x256xf32>,
    return
  }
  func.func @transform_0(%arg0: i32) -> (i32, i32, i32) {
    %c0_i32 = arith.constant 0 : i32
    %c0_i32_0 = arith.constant 0 : i32
    %c0_i32_1 = arith.constant 0 : i32
    return %c0_i32, %arg0, %c0_i32_0 : i32, i32, i32
  }
  func.func @transform_1(%arg0: i32) -> (i32, i32) {
    %c0_i32 = arith.constant 0 : i32
    %c0_i32_0 = arith.constant 0 : i32
    return %arg0, %c0_i32 : i32, i32
  }
  func.func @transform_2(%arg0: i32) -> (i32, i32, i32) {
    %c0_i32 = arith.constant 0 : i32
    %c0_i32_0 = arith.constant 0 : i32
    %c0_i32_1 = arith.constant 0 : i32
    %c0_i32_2 = arith.constant 0 : i32
    return %c0_i32, %c0_i32_0, %c0_i32_1 : i32, i32, i32
  }
  func.func @transform_3(%arg0: i32) -> (i32, i32) {
    %c0_i32 = arith.constant 0 : i32
    %c0_i32_0 = arith.constant 0 : i32
    %c0_i32_1 = arith.constant 0 : i32
    return %c0_i32, %c0_i32_0 : i32, i32
  }
  func.func @transform_4(%arg0: i32) -> (i32, i32) {
    %c0_i32 = arith.constant 0 : i32
    %c0_i32_0 = arith.constant 0 : i32
    %c0_i32_1 = arith.constant 0 : i32
    return %c0_i32, %c0_i32_0 : i32, i32
  }
  func.func @transform_5(%arg0: i32) -> (i32, i32) {
    %c0_i32 = arith.constant 0 : i32
    %c0_i32_0 = arith.constant 0 : i32
    %c0_i32_1 = arith.constant 0 : i32
    return %c0_i32, %c0_i32_0 : i32, i32
  }
  func.func @transform_6(%arg0: i32) -> (i32, i32) {
    %c0_i32 = arith.constant 0 : i32
    %c0_i32_0 = arith.constant 0 : i32
    %c0_i32_1 = arith.constant 0 : i32
    return %c0_i32, %c0_i32_0 : i32, i32
  }
  func.func @transform_7(%arg0: i32) -> (i32, i32) {
    %c0_i32 = arith.constant 0 : i32
    %c0_i32_0 = arith.constant 0 : i32
    %c0_i32_1 = arith.constant 0 : i32
    return %c0_i32, %c0_i32_0 : i32, i32
  }
  func.func @transform_8(%arg0: i32) -> (i32, i32) {
    %c0_i32 = arith.constant 0 : i32
    %c0_i32_0 = arith.constant 0 : i32
    %c0_i32_1 = arith.constant 0 : i32
    return %c0_i32, %c0_i32_0 : i32, i32
  }
  func.func @transform_9(%arg0: i32) -> (i32, i32) {
    %c0_i32 = arith.constant 0 : i32
    %c0_i32_0 = arith.constant 0 : i32
    return %arg0, %c0_i32 : i32, i32
  }
}

</mosaic_0001>

<sc_bundles>
// kernel: kernel.6.cloned.1.call-start
scs
__scs_entry_jumppad:
0x0: {  	(pc) =	sbr.rel $0x88, $3  }
0x1: {  	(tag) =	ssettag $0x0;
	lr =	simm.s32 $0x1  }
0x2: {  	[smem:$0x3F96] =	sst lr;
	_ =	strace $0xD0000000  }
0x3: {  	_ = 	snop  }
0x4: {  	_ = 	snop  }
0x5: {  	_ = 	snop  }
0x6: {  	_ = 	snop  }
0x7: {  	_ = 	snop  }
__scs_overlays_trampoline_lowered:
0x8: {  	[smem:$0x3FA5] =	sst s0  }
0x9: {  	[smem:$0x3FA6] =	sst s1  }
0xa: {  	[smem:$0x3FA7] =	sst s2  }
0xb: {  	[smem:$0x3FA8] =	sst s3  }
0xc: {  	[smem:$0x3FA9] =	sst s4  }
0xd: {  	[smem:$0x3FAA] =	sst s5  }
0xe: {  	[smem:$0x3FAB] =	sst s6  }
0xf: {  	[smem:$0x3FAC] =	sst s7  }
0x10: {  	[smem:$0x3FAD] =	sst s8  }
0x11: {  	[smem:$0x3FAE] =	sst s9;
	s0 =	simm.s32 @!p0 $0x0  }
0x12: {  	s1 =	sld [smem:$0x3F94];
	s0 =	simm.s32 @p0 $0x1  }
0x13: {  	[smem:$0x3FAF] =	sst s0;
	s0 =	simm.s32 @!p1 $0x0  }
0x14: {  	s2 =	sld [smem:$0x3F93];
	s0 =	simm.s32 @p1 $0x1  }
0x15: {  	[smem:$0x3FB0] =	sst s0;
	s0 =	simm.s32 @!p2 $0x0  }
0x16: {  	s3 =	sld [smem:$0x3FDB];
	s0 =	simm.s32 @p2 $0x1  }
0x17: {  	s4 =	simm.s32 $0x1BF5;
	[smem:$0x3FB2] =	sst s0  }
0x18: {  	s0 =	sld [smem:$0x3F95];
	_ =	swait.ge [sflag:s4], $0x0  }
0x19: {  	s7 =	sld [smem:$0x3F96]  }
0x1a: {  	s8 =	sadd.s32 $0xFFFFE003, lr  }
0x1b: {  	s9 =	sadd.s32 $0xFFFFFEF7, lr;
	s5 =	simm.s32 $0xFFFFFFFF;
	p2 =	slt.u32 s8, $0xFFFFF086  }
0x1c: {  	p1 =	slt.u32 s9, $0xF7A;
	s5 =	simm.s32 @!p2 $0x0  }
0x1d: {  	s5 =	simm.s32 @p1 $0x1;
	p0 =	seq.s32 s7, s2  }
0x1e: {  	s7 =	smul.u32 @!p0 $0xF7A, s2;
	p2 =	seq.s32 @!p0 s5, $0x0  }
0x1f: {  	s9 =	smul.u32 $0xF7A, s1;
	s8 =	simm.s32 @!p0 $0x1BF5;
	p2 =	por !p2, p0  }
0x20: {  	[sflag:s8] =	ssyncset.s32 @!p0 $0xFFFFF086;
	s6 =	sadd.s32 @!p0 s3, s7;
	s7 =	simm.s32 @!p0 $0x108  }
0x21: {  	s3 =	sadd.s32 s3, s9;
	s6 =	sadd.s32 @!p0 $0x88, s6;
	s7 =	simm.s32 @p2 $0x1082  }
0x22: {  	[simem:s7], [sflag:s8] =	dma.local @!p0 [hbm:s6], $0xF7A  }
0x23: {  	s9 =	sor.u32 $0xD0000000, s2;
	s6 =	simm.s32 $0x108;
	_ =	swait.ge @!p0 [sflag:s8], $0x0  }
0x24: {  	s3 =	sadd.s32 $0x88, s3;
	s6 =	simm.s32 @!p1 $0x1082;
	[sflag:s4] =	ssyncset.s32 $0xFFFFF086  }
0x25: {  	[simem:s6], [sflag:s4] =	dma.local [hbm:s3], $0xF7A  }
0x26: {  	[smem:$0x3F96] =	sst s1;
	(tag) =	ssettag s2;
	_ =	strace s9  }
0x27: {  	s1 =	sld [smem:$0x3FA6]  }
0x28: {  	s2 =	sld [smem:$0x3FA7]  }
0x29: {  	s4 =	sld [smem:$0x3FA9]  }
0x2a: {  	p0 =	seq.s32 s5, $0x0;
	s5 =	sld [smem:$0x3FAA]  }
0x2b: {  	s6 =	sld [smem:$0x3FAB]  }
0x2c: {  	s7 =	sld [smem:$0x3FAC]  }
0x2d: {  	s3 =	simm.s32 $0x108;
	s8 =	sld [smem:$0x3FAD]  }
0x2e: {  	s3 =	simm.s32 @!p0 $0x1082;
	s9 =	sld [smem:$0x3FAE]  }
0x2f: {  	lr =	sadd.s32 s0, s3;
	s0 =	sld [smem:$0x3FA5]  }
0x30: {  	s3 =	sld [smem:$0x3FA8]  }
0x31: {  	[smem:$0x3FB1] =	sst s10  }
0x32: {  	s10 =	sld [smem:$0x3FAF];
	_ =	sdelay $0x3  }
0x33: {  	p0 =	seq.s32 s10, $0x1;
	s10 =	sld [smem:$0x3FB1];
	_ =	sdelay $0x3  }
0x34: {  	[smem:$0x3FB1] =	sst s10  }
0x35: {  	s10 =	sld [smem:$0x3FB0];
	_ =	sdelay $0x3  }
0x36: {  	p1 =	seq.s32 s10, $0x1;
	s10 =	sld [smem:$0x3FB1];
	_ =	sdelay $0x3  }
0x37: {  	[smem:$0x3FB1] =	sst s10  }
0x38: {  	s10 =	sld [smem:$0x3FB2]  }
0x39: {  	_ = 	snop;
	(pc) =	sbr.ind lr, $3  }
0x3a: {  	_ = 	snop  }
0x3b: {  	_ = 	snop  }
0x3c: {  	p2 =	seq.s32 s10, $0x1;
	s10 =	sld [smem:$0x3FB1]  }
0x3d: {  	_ =	shalt  }
0x3e: {  	_ =	shalt  }
0x3f: {  	_ =	shalt  }
0x40: {  	_ =	shalt  }
0x41: {  	_ =	shalt  }
0x42: {  	_ =	shalt  }
0x43: {  	_ =	shalt  }
0x44: {  	_ =	shalt  }
0x45: {  	_ =	shalt  }
0x46: {  	_ =	shalt  }
0x47: {  	_ =	shalt  }
0x48: {  	_ =	shalt  }
0x49: {  	_ =	shalt  }
0x4a: {  	_ =	shalt  }
0x4b: {  	_ =	shalt  }
0x4c: {  	_ =	shalt  }
0x4d: {  	_ =	shalt  }
0x4e: {  	_ =	shalt  }
0x4f: {  	_ =	shalt  }
0x50: {  	_ =	shalt  }
0x51: {  	_ =	shalt  }
0x52: {  	_ =	shalt  }
0x53: {  	_ =	shalt  }
0x54: {  	_ =	shalt  }
0x55: {  	_ =	shalt  }
0x56: {  	_ =	shalt  }
0x57: {  	_ =	shalt  }
0x58: {  	_ =	shalt  }
0x59: {  	_ =	shalt  }
0x5a: {  	_ =	shalt  }
0x5b: {  	_ =	shalt  }
0x5c: {  	_ =	shalt  }
0x5d: {  	_ =	shalt  }
0x5e: {  	_ =	shalt  }
0x5f: {  	_ =	shalt  }
0x60: {  	_ =	shalt  }
0x61: {  	_ =	shalt  }
0x62: {  	_ =	shalt  }
0x63: {  	_ =	shalt  }
0x64: {  	_ =	shalt  }
0x65: {  	_ =	shalt  }
0x66: {  	_ =	shalt  }
0x67: {  	_ =	shalt  }
0x68: {  	_ =	shalt  }
0x69: {  	_ =	shalt  }
0x6a: {  	_ =	shalt  }
0x6b: {  	_ =	shalt  }
0x6c: {  	_ =	shalt  }
0x6d: {  	_ =	shalt  }
0x6e: {  	_ =	shalt  }
0x6f: {  	_ =	shalt  }
0x70: {  	_ =	shalt  }
0x71: {  	_ =	shalt  }
0x72: {  	_ =	shalt  }
0x73: {  	_ =	shalt  }
0x74: {  	_ =	shalt  }
0x75: {  	_ =	shalt  }
0x76: {  	_ =	shalt  }
0x77: {  	_ =	shalt  }
0x78: {  	_ =	shalt  }
0x79: {  	_ =	shalt  }
0x7a: {  	_ =	shalt  }
0x7b: {  	_ =	shalt  }
0x7c: {  	_ =	shalt  }
0x7d: {  	_ =	shalt  }
0x7e: {  	_ =	shalt  }
0x7f: {  	_ =	shalt  }
0x80: {  	_ =	shalt  }
0x81: {  	_ =	shalt  }
0x82: {  	_ =	shalt  }
0x83: {  	_ =	shalt  }
0x84: {  	_ =	shalt  }
0x85: {  	_ =	shalt  }
0x86: {  	_ =	shalt  }
0x87: {  	_ =	shalt  }
.Lfunc_end0:
.L_simem_size_0:
called_computation.2_lowered:
.L_overlay_start_0:
0x88: {  	s2 =	sld [smem:$0x3FD9]  }
0x89: {  	s3 =	sld [smem:$0x3FFE];
	_ =	sdelay $0x1  }
0x8a: {  	s1 =	srdreg.scid  }
0x8b: {  	s0 =	sand.u32 $0x1, s1  }
0x8c: {  	s17 =	sshll.u32 s0, $0xA;
	s2 =	sadd.s32 s3, s2  }
0x8d: {  	s2 =	sadd.s32 s2, s17  }
0x8e: {  	[smem:$0x3FBD] =	sst s2  }
0x8f: {  	_ = 	snop  }
0x90: {  	s2 =	sld [smem:$0x3FD0];
	(tm) =	ssettm $0x1  }
0x91: {  	s18 =	sld [smem:$0x3FFB];
	_ =	sdelay $0x3  }
0x92: {  	_ =	strace s18  }
0x93: {  	s3 =	sld [smem:$0x3FFC];
	_ =	sdelay $0x3  }
0x94: {  	_ =	strace s3  }
0x95: {  	s3 =	sld [smem:$0x3FFD];
	_ =	sdelay $0x3  }
0x96: {  	_ =	strace s3  }
0x97: {  	_ =	strace $0x8FFFFFFF  }
0x98: {  	s19 =	sld [smem:$0x3FDB];
	_ =	sdelay $0x1  }
0x99: {  	s4 =	simm.s32 $_scs_section_size  }
0x9a: {  	s5 =	simm.s32 $_size__tile_overlayer_lowered;
	s6 =	simm.s32 $_tile_overlayer_lowered  }
0x9b: {  	s22 =	simm.s32 $0x1BFF;
	s21 =	sshll.u32 s6, $0x1;
	s3 =	sadd.s32 s4, s19  }
0x9c: {  	s7 =	simm.s32 $0x0;
	s20 =	sshll.u32 s5, $0x1;
	s5 =	sadd.s32 s21, s3  }
0x9d: {  	[timem:s7], [sflag:s22] =	dma.local [hbm:s5], s20  }
0x9e: {  	_ =	swait.ge [sflag:s22], s20  }
0x9f: {  	s4 =	ssub.s32 $0x0, s20;
	[sflag:s22] =	ssyncset.done $0x0  }
0xa0: {  	[sflag:s22] =	ssyncadd.s32 s4;
	_ =	sdelay $0x1  }
0xa1: {  	s23 =	simm.s32 $0x1B8B  }
0xa2: {  	_ =	swait.ge [sflag:s23], $0x1  }
0xa3: {  	[sflag:s23] =	ssyncset.done $0x0  }
0xa4: {  	s25 =	simm.s32 $0x1B8E;
	s24 =	sld [smem:$0x3FFE];
	[sflag:s23] =	ssyncadd.s32 $0xFFFFFFFF  }
0xa5: {  	s26 =	simm.s32 $execute0_lowered;
	[smem:$0x3FD2] =	sst s25  }
0xa6: {  	s5 =	sshll.u32 s26, $0x1;
	_ =	strace $0x8000004C;
	[dreg:$0x1] =	wrdreg $0xFFFFFFFF  }
0xa7: {  	s28 =	simm.s32 $_size_execute0_lowered;
	s3 =	sadd.s32 s3, s5;
	[dreg:$0x0] =	wrdreg $0x0  }
0xa8: {  	s5 =	sshll.u32 s28, $0x1;
	[dreg:$0x2] =	wrdreg s3  }
0xa9: {  	[dreg:$0x3] =	wrdreg s5  }
0xaa: {  	[dreg:$0x4] =	wrdreg $0xC0  }
0xab: {  	_ =	task [dreg:s7], $0x5FFFF  }
0xac: {  	[dreg:$0x1] =	wrdreg $0xFFFFFFFF  }
0xad: {  	[dreg:$0x0] =	wrdreg $0x60  }
0xae: {  	[dreg:$0x2] =	wrdreg s24  }
0xaf: {  	[dreg:$0x3] =	wrdreg s2  }
0xb0: {  	[dreg:$0x4] =	wrdreg $0xF5000  }
0xb1: {  	[dreg:$0x5] =	wrdreg $0x9  }
0xb2: {  	_ =	task.clear_ibuf [dreg:s7], $0x6FFFF;
	_ =	strace $0x9000004C  }
0xb3: {  	s29 =	simm.s32 $0x9;
	_ =	strace $0x8000004E  }
0xb4: {  	_ =	swait.ge [sflag:s29], $0x1  }
0xb5: {  	[sflag:s29] =	ssyncadd.s32 $0xFFFFFFFF  }
0xb6: {  	_ =	strace $0x9000004E  }
0xb7: {  	_ =	sfence  }
0xb8: {  	s30 =	sld [smem:$0x0];
	_ =	sdelay $0x2  }
0xb9: {  	s31 =	sshll.u32 s1, $0xD;
	s1 =	sshrl.u32 s1, $0x2  }
0xba: {  	s3 =	sand.u32 $0x4000, s31;
	s1 =	sadd.s32 s1, s30  }
0xbb: {  	s0 =	sor.u32 s3, s0;
	s1 =	sshll.u32 s1, $0x11  }
0xbc: {  	s0 =	sor.u32 s1, s0  }
0xbd: {  	s0 =	sadd.s32 $0x8F2B, s0  }
0xbe: {  	[sflag:s0] =	ssyncadd.remote.s32 $0x1  }
0xbf: {  	_ =	sfence.sel $0xFFFF  }
0xc0: {  	[dreg:$0x0] =	wrdreg $0xFFFFFFFF;
	(pc) =	sbr.abs _section_cstart, $3  }
0xc1: {  	[dreg:$0x1] =	wrdreg $0xFFFFFFFF  }
0xc2: {  	_ =	task.clear_ibuf [dreg:s7], $0x2FFFF;
	_ =	strace $0x9FFFFFFF  }
0xc3: {  	(tm) =	ssettm $0x7FFFFFFF  }
tec
execute0_lowered:
.L_overlay_start_1:
0x0: {  	(tag) =	ssettag $0x1  }
0x1: {  	s0 =	rddreg [dreg:$0x0]  }
0x2: {  	s1 =	rddreg [dreg:$0x1]  }
0x3: {  	s2 =	rddreg [dreg:$0x2]  }
0x4: {  	s3 =	simm.s32 $0x0;
	s8 =	stileid.u32;
	s4 =	srdreg.scid  }
0x5: {  	s28 =	simm.s32 $0x4E20;
	s29 =	simm.s32 $0x6C20;
	s9 =	smul.u32 $0x2710, s8  }
0x6: {  	s30 =	simm.s32 $0x1;
	s31 =	simm.s32 $0x8A20;
	s11 =	smul.u32 $0x271, s8  }
0x7: {  	[smem:$0x7FF] =	sst s3;
	s7 =	sand.u32 $0x1, s4;
	s8 =	smul.u32 $0x3A980, s8  }
0x8: {  	s4 =	sadd.s32 $0x1426800, s0;
	s5 =	sadd.s32 $0x2400, s0;
	s15 =	smul.u32 $0x3, s7  }
0x9: {  	_ =	strace $0x8000004D;
	s6 =	smul.u32 $0x75300, s7;
	s10 =	ssub.s32 $0x2, s7  }
0xa: {  	s17 =	smul.u32 $0x7530, s7;
	s14 =	sshrl.u32 s9, $0x3;
	s12 =	sshrl.u32 s10, $0x1  }
0xb: {  	s21 =	sshrl.u32 s8, $0x2;
	s13 =	sadd.s32 s14, s0;
	s6 =	sadd.s32 s9, s6  }
0xc: {  	s0 =	sadd.s32 $0x580800, s0;
	s18 =	sadd.s32 $0x1, s15;
	s16 =	smul.u32 $0x6, s6  }
0xd: {  	s20 =	ssub.s32 s10, s12;
	s7 =	sadd.s32 s21, s2;
	s22 =	smul.u32 $0x27100, s18  }
0xe: {  	s23 =	sadd.s32 s11, s17;
	s14 =	sadd.s32 s1, s14;
	s24 =	smul.u32 $0x2710, s18  }
0xf: {  	s8 =	sadd.s32 $0x2EE0, s7;
	s19 =	smul.u32 $0xC, s23;
	s10 =	sadd.s32 $0x5DC0, s7  }
0x10: {  	s12 =	sadd.s32 $0xBB80, s7;
	s13 =	sadd.s32 $0x147E800, s13;
	s23 =	simm.s32 $0xC620  }
0x11: {  	s9 =	sadd.s32 s9, s22;
	s17 =	sadd.s32 s11, s24;
	s11 =	sadd.s32 $0x8CA0, s7  }
0x12: {  	s25 =	sadd.s32 s5, s16;
	s26 =	sadd.s32 s0, s19;
	s22 =	sadd.s32 $0x2, s15  }
0x13: {  	s19 =	sadd.s32 $0x4E200, s6;
	s24 =	simm.s32 $0x3;
	[dreg:$0x4] =	wrdreg s25  }
0x14: {  	s21 =	smul.u32 $0x6, s9;
	s1 =	sadd.s32 $0x1D4C00, s25;
	[dreg:$0x5] =	wrdreg s26  }
.Ltmp0:
0x15: {  	s25 =	sadd.s32 $0x3A980, s26;
	[dreg:$0x8] =	wrdreg s1;
	(pc) =	sbr.rel .LBB2_1-.Ltmp0, $4  }
0x16: {  	s17 =	smul.u32 $0xC, s17;
	s26 =	smax.u32 s20, $0x1;
	[dreg:$0x9] =	wrdreg s25  }
0x17: {  	[dreg:$0xa] =	wrdreg s26;
	s25 =	simm.s32 $0x2710;
	s21 =	sadd.s32 s5, s21  }
0x18: {  	v3 =	vimm.f32 $0.0e+00;
	s26 =	simm.s32 $0x50;
	s0 =	sadd.s32 s0, s17;
	[dreg:$0x6] =	wrdreg s21  }
0x19: {  	v0 =	vmov s15;
	v1 =	vmov s18;
	v2 =	vmov s22;
	s1 =	simm.s32 $0xA820;
	[dreg:$0x7] =	wrdreg s0;
	s0 =	simm.s32 $0x2  }
.LBB2_36:
0x1a: {  	[bflag:$0x0] =	sbarrier.arrive $0xFFFF  }
0x1b: {  	s15 =	rddreg [dreg:$0x9]  }
0x1c: {  	[hbm:s15], [sflag:s17] =	dma.local [spmem:s18], $0x1D4C  }
0x1d: {  	_ =	swait.ge [sflag:s24], $0x1D4C  }
0x1e: {  	s3 =	sadd.s32 $0x1, s3;
	s22 =	rddreg [dreg:$0xa]  }
0x1f: {  	p0 =	sne.s32 s3, s22  }
.Ltmp1:
0x20: {  	_ = 	snop;
	(pc) =	sbr.rel @!p0 .LBB2_37-.Ltmp1, $3  }
0x21: {  	_ =	sdelay $0x1  }
0x22: {  	[sflag:s24] =	ssyncset.done $0x0  }
0x23: {  	[sflag:s24] =	ssyncadd.s32 $0xFFFFE2B4  }
.LBB2_1:
0x24: {  	s15 =	simm.s32 $0x0  }
0x25: {  	[tilespmem:s15+$0xC670] =	vst v3  }
0x26: {  	[tilespmem:s15+$0xC620] =	vst v3  }
0x27: {  	[tilespmem:s15+$0xC630] =	vst v3  }
0x28: {  	[tilespmem:s15+$0xC640] =	vst v3  }
0x29: {  	s17 =	simm.s32 $0x180;
	[tilespmem:s15+$0xC650] =	vst v3  }
.LBB2_2:
0x2a: {  	p0 =	sne.s32 s17, $0xBA00;
	[tilespmem:s15+$0xC660] =	vst v3;
	s15 =	sshra.s32 s17, $0x2;
	s17 =	sadd.s32 $0x180, s17  }
.Ltmp2:
0x2b: {  	[tilespmem:s15+$0xC670] =	vst v3;
	(pc) =	sbr.rel @p0 .LBB2_2-.Ltmp2, $4  }
0x2c: {  	[tilespmem:s15+$0xC620] =	vst v3  }
0x2d: {  	[tilespmem:s15+$0xC630] =	vst v3  }
0x2e: {  	[tilespmem:s15+$0xC640] =	vst v3  }
0x2f: {  	[tilespmem:s15+$0xC650] =	vst v3  }
0x30: {  	[tilespmem:s15+$0xC660] =	vst v3  }
0x31: {  	[spmem:s7] =	stream.linear.scatter [tilespmem:s23], [sflag:$0x3], $0x2EE0, $0x38;
	[tilespmem:$0x1DF60] =	vst v63  }
0x32: {  	_ =	swait.ge [sflag:s24], $0x2EE0  }
0x33: {  	[sflag:s24] =	ssyncset.done $0x0  }
0x34: {  	[sflag:s24] =	ssyncadd.s32 $0xFFFFD120  }
0x35: {  	[spmem:s8] =	stream.linear.scatter [tilespmem:s23], [sflag:$0x3], $0x2EE0, $0x38;
	[tilespmem:$0x1DF60] =	vst v63  }
0x36: {  	_ =	swait.ge [sflag:s24], $0x2EE0  }
0x37: {  	[sflag:s24] =	ssyncset.done $0x0  }
0x38: {  	[sflag:s24] =	ssyncadd.s32 $0xFFFFD120  }
0x39: {  	[spmem:s10] =	stream.linear.scatter [tilespmem:s23], [sflag:$0x3], $0x2EE0, $0x38;
	[tilespmem:$0x1DF60] =	vst v63  }
0x3a: {  	_ =	swait.ge [sflag:s24], $0x2EE0  }
0x3b: {  	[sflag:s24] =	ssyncset.done $0x0  }
0x3c: {  	[sflag:s24] =	ssyncadd.s32 $0xFFFFD120  }
0x3d: {  	[spmem:s11] =	stream.linear.scatter [tilespmem:s23], [sflag:$0x3], $0x2EE0, $0x38;
	[tilespmem:$0x1DF60] =	vst v63  }
0x3e: {  	_ =	swait.ge [sflag:s24], $0x2EE0  }
0x3f: {  	[sflag:s24] =	ssyncset.done $0x0  }
0x40: {  	[sflag:s24] =	ssyncadd.s32 $0xFFFFD120  }
0x41: {  	[spmem:s12] =	stream.linear.scatter [tilespmem:s23], [sflag:$0x3], $0x2EE0, $0x38;
	[tilespmem:$0x1DF60] =	vst v63  }
0x42: {  	_ =	swait.ge [sflag:s24], $0x2EE0  }
0x43: {  	[sflag:s24] =	ssyncset.done $0x0  }
0x44: {  	s22 =	simm.s32 $0x0;
	[sflag:s24] =	ssyncadd.s32 $0xFFFFD120  }
0x45: {  	[tilespmem:s22], [sflag:$0x3] =	stream.linear.gather [hbm4b:s13+s22], $0x2710, $0x38;
	[tilespmem:$0x1DF60] =	vst v63  }
0x46: {  	_ =	swait.ge [sflag:s24], $0x2710  }
0x47: {  	[sflag:s24] =	ssyncset.done $0x0  }
0x48: {  	[sflag:s24] =	ssyncadd.s32 $0xFFFFD8F0  }
0x49: {  	[tilespmem:s25], [sflag:$0x3] =	stream.linear.gather [hbm4b:s14+s22], $0x2710, $0x38;
	[tilespmem:$0x1DF60] =	vst v63  }
0x4a: {  	_ =	swait.ge [sflag:s24], $0x2710  }
0x4b: {  	[sflag:s24] =	ssyncset.done $0x0  }
0x4c: {  	s15 =	simm.s32 $0x0;
	[sflag:s24] =	ssyncadd.s32 $0xFFFFD8F0  }
0x4d: {  	v4 =	vld [tilespmem:s15+$0x0]  }
0x4e: {  	v6 =	vld [tilespmem:s15+$0x10]  }
0x4f: {  	v7 =	vld [tilespmem:s15+$0x20]  }
0x50: {  	s17 =	simm.s32 $0x140;
	v5 =	vld [tilespmem:s15+$0x30]  }
.LBB2_4:
0x51: {  	p0 =	sne.s32 s17, $0x9B00;
	v8 =	vld [tilespmem:s15+$0x40]  }
0x52: {  	v4 =	vmul.u32 $0x6, v4  }
0x53: {  	v6 =	vmul.u32 $0x6, v6  }
0x54: {  	v4 =	vadd.s32 v0, v4;
	v7 =	vmul.u32 $0x6, v7  }
.Ltmp3:
0x55: {  	s18 =	sshra.s32 s17, $0x2;
	[tilespmem:s15+$0x0] =	vst v4;
	v6 =	vadd.s32 v0, v6;
	v5 =	vmul.u32 $0x6, v5;
	(pc) =	sbr.rel @p0 .LBB2_4-.Ltmp3, $4  }
0x56: {  	v4 =	vld [tilespmem:s18+$0x0];
	[tilespmem:s15+$0x10] =	vst v6;
	v7 =	vadd.s32 v0, v7;
	v8 =	vmul.u32 $0x6, v8  }
0x57: {  	v6 =	vld [tilespmem:s18+$0x10];
	[tilespmem:s15+$0x20] =	vst v7;
	v5 =	vadd.s32 v0, v5  }
0x58: {  	v7 =	vld [tilespmem:s18+$0x20];
	[tilespmem:s15+$0x30] =	vst v5;
	v8 =	vadd.s32 v0, v8  }
0x59: {  	s17 =	sadd.s32 $0x140, s17;
	v5 =	vld [tilespmem:s18+$0x30];
	[tilespmem:s15+$0x40] =	vst v8;
	s15 =	smov.u32 s18  }
0x5a: {  	v8 =	vld [tilespmem:s15+$0x40]  }
0x5b: {  	v4 =	vmul.u32 $0x6, v4  }
0x5c: {  	v6 =	vmul.u32 $0x6, v6  }
0x5d: {  	v4 =	vadd.s32 v0, v4;
	v7 =	vmul.u32 $0x6, v7  }
0x5e: {  	[tilespmem:s15+$0x0] =	vst v4;
	v4 =	vadd.s32 v0, v6;
	v5 =	vmul.u32 $0x6, v5  }
0x5f: {  	[tilespmem:s15+$0x10] =	vst v4;
	v4 =	vadd.s32 v0, v7;
	v63 =	vmul.u32 $0x6, v8  }
0x60: {  	[tilespmem:s15+$0x20] =	vst v4;
	v4 =	vadd.s32 v0, v5  }
0x61: {  	[tilespmem:s15+$0x30] =	vst v4;
	v4 =	vadd.s32 v0, v63  }
.Ltmp4:
0x62: {  	[tilespmem:s15+$0x40] =	vst v4;
	(pc) =	sbr.rel .LBB2_6-.Ltmp4, $4  }
0x63: {  	s17 =	simm.s32 $0x0;
	[bflag:$0x0] =	sbarrier.arrive $0xFFFF  }
0x64: {  	[tilespmem:s28], [sflag:$0x1] =	stream.indirect.gather [hbm4b:s4+s26], $0x30, s17, s26, $0xb8;
	[tilespmem:$0x1DF60] =	vst v63  }
0x65: {  	s22 =	rddreg [dreg:$0x4]  }
0x66: {  	[tilespmem:s29], [sflag:$0x1] =	stream.linear.gather [hbm4b:s22+s17], $0xF00, $0x38;
	[tilespmem:$0x1DF60] =	vst v63  }
.LBB2_12:
0x67: {  	v6 =	vshll.u32 v5, $0x10;
	v7 =	vshll.u32 v4, $0x10  }
0x68: {  	v5 =	vand.u32 $0xFFFF0000, v5;
	v4 =	vand.u32 $0xFFFF0000, v4;
	v6 =	vadd.f32 v7, v6  }
0x69: {  	s15 =	smul.u32 $0x140, s17;
	v4 =	vadd.f32 v4, v5  }
0x6a: {  	v5 =	vmax.f32 v6, $0.0e+00  }
0x6b: {  	s15 =	sshra.s32 s15, $0x2;
	v4 =	vmax.f32 v4, $0.0e+00;
	[tilespmem:s20+$0x10] =	vst v5  }
0x6c: {  	s15 =	sadd.s32 $0x2710, s15;
	[tilespmem:s20+$0x20] =	vst v4  }
0x6d: {  	[spmem:s2] =	stream.indirect.scatter.add.f32 [tilespmem:s1], [sflag:$0x3], $0x60, s15, s26, $0xb8;
	[tilespmem:$0x1DF60] =	vst v63  }
0x6e: {  	s15 =	simm.s32 $0x3  }
.LBB2_13:
0x6f: {  	s17 =	sadd.s32 $0x1, s17  }
0x70: {  	p0 =	sne.s32 s17, $0x7D  }
.Ltmp5:
0x71: {  	_ = 	snop;
	(pc) =	sbr.rel @!p0 .LBB2_14-.Ltmp5, $4  }
0x72: {  	_ = 	snop  }
0x73: {  	_ =	swait.ge [sflag:s15], $0x1E00  }
0x74: {  	[sflag:s15] =	ssyncset.done $0x0  }
0x75: {  	[sflag:s15] =	ssyncadd.s32 $0xFFFFE200  }
.LBB2_6:
0x76: {  	s15 =	sand.u32 $0x1, s17  }
0x77: {  	p0 =	seq.s32 s15, $0x1  }
.Ltmp6:
0x78: {  	_ = 	snop;
	(pc) =	sbr.rel @p0 .LBB2_10-.Ltmp6, $1  }
0x79: {  	_ =	sdelay $0x3  }
0x7a: {  	_ =	swait.ge [sflag:s30], $0xF00;
	p0 =	seq.s32 s17, $0x7C  }
0x7b: {  	[sflag:s30] =	ssyncset.done $0x0;
	s15 =	smul.u32 @!p0 $0x50, s17  }
0x7c: {  	[sflag:s30] =	ssyncadd.s32 $0xFFFFF100  }
0x7d: {  	s22 =	simm.s32 $0x0;
	_ =	swait.ge [sflag:s30], $0xF00;
	s15 =	sadd.s32 @!p0 $0x50, s15  }
0x7e: {  	s20 =	simm.s32 @!p0 $0x50;
	[sflag:s30] =	ssyncset.done $0x0;
	s18 =	sadd.s32 @!p0 s6, s15  }
0x7f: {  	s21 =	simm.s32 @!p0 $0x5D20;
	[sflag:s30] =	ssyncadd.s32 $0xFFFFF100;
	s18 =	smul.u32 @!p0 $0x6, s18  }
0x80: {  	[tilespmem:s21], [sflag:$0x2] =	stream.indirect.gather @!p0 [hbm4b:s4+s20], $0x30, s15, s20, $0xb8;
	[tilespmem:$0x1DF60] =	vst v63  }
0x81: {  	s20 =	simm.s32 @!p0 $0x7B20;
	s15 =	sadd.s32 @!p0 s5, s18;
	s18 =	simm.s32 @!p0 $0x0  }
0x82: {  	[tilespmem:s20], [sflag:$0x2] =	stream.linear.gather @!p0 [hbm4b:s15+s18], $0xF00, $0x38;
	[tilespmem:$0x1DF60] =	vst v63  }
0x83: {  	v4 =	vld [tilespmem:s22+$0x4E20]  }
0x84: {  	v5 =	vld [tilespmem:s22+$0x6C20];
	_ =	sdelay $0x4  }
0x85: {  	v6 =	vshll.u32 v4, $0x10;
	v7 =	vshll.u32 v5, $0x10  }
0x86: {  	v4 =	vand.u32 $0xFFFF0000, v4;
	v5 =	vand.u32 $0xFFFF0000, v5;
	v6 =	vadd.f32 v7, v6  }
0x87: {  	v4 =	vadd.f32 v5, v4  }
0x88: {  	s18 =	simm.s32 $0x8A50;
	v5 =	vmax.f32 v6, $0.0e+00  }
0x89: {  	v4 =	vmax.f32 v4, $0.0e+00;
	[tilespmem:s18+$0xFFFFFFD0] =	vst v5  }
0x8a: {  	[tilespmem:s18+$0xFFFFFFE0] =	vst v4  }
0x8b: {  	v4 =	vld [tilespmem:s22+$0x4E30]  }
0x8c: {  	v5 =	vld [tilespmem:s22+$0x6C30];
	_ =	sdelay $0x4  }
0x8d: {  	v6 =	vshll.u32 v4, $0x10;
	v7 =	vshll.u32 v5, $0x10  }
0x8e: {  	v4 =	vand.u32 $0xFFFF0000, v4;
	v5 =	vand.u32 $0xFFFF0000, v5;
	v6 =	vadd.f32 v7, v6  }
0x8f: {  	v4 =	vadd.f32 v5, v4  }
0x90: {  	v5 =	vmax.f32 v6, $0.0e+00  }
0x91: {  	v4 =	vmax.f32 v4, $0.0e+00;
	[tilespmem:s18+$0xFFFFFFF0] =	vst v5  }
0x92: {  	[tilespmem:s18+$0x0] =	vst v4  }
0x93: {  	v5 =	vld [tilespmem:s22+$0x4E40]  }
0x94: {  	s21 =	simm.s32 $0xC0;
	s20 =	simm.s32 $0x8A50;
	v4 =	vld [tilespmem:s22+$0x6C40]  }
.LBB2_8:
0x95: {  	_ =	sdelay $0x1  }
0x96: {  	p0 =	sne.s32 s21, $0x3B40  }
0x97: {  	s18 =	sadd.s32 $0x60, s18;
	s15 =	smov.u32 s21;
	s21 =	sadd.s32 $0xC0, s21;
	v6 =	vshll.u32 v5, $0x10;
	v5 =	vand.u32 $0xFFFF0000, v5  }
0x98: {  	v7 =	vshll.u32 v4, $0x10;
	v4 =	vand.u32 $0xFFFF0000, v4  }
0x99: {  	v6 =	vadd.f32 v7, v6;
	v4 =	vadd.f32 v4, v5;
	_ =	sdelay $0x1  }
0x9a: {  	v5 =	vmax.f32 v6, $0.0e+00;
	v4 =	vmax.f32 v4, $0.0e+00  }
0x9b: {  	[tilespmem:s20+$0x10] =	vst v5  }
0x9c: {  	s15 =	sshra.s32 s15, $0x2;
	[tilespmem:s20+$0x20] =	vst v4;
	s20 =	smov.u32 s18  }
0x9d: {  	v4 =	vld [tilespmem:s15+$0x4E20]  }
0x9e: {  	v5 =	vld [tilespmem:s15+$0x6C20];
	_ =	sdelay $0x3  }
0x9f: {  	v6 =	vshll.u32 v4, $0x10;
	v4 =	vand.u32 $0xFFFF0000, v4  }
0xa0: {  	v7 =	vshll.u32 v5, $0x10;
	v5 =	vand.u32 $0xFFFF0000, v5  }
0xa1: {  	v6 =	vadd.f32 v7, v6;
	v4 =	vadd.f32 v5, v4;
	_ =	sdelay $0x1  }
0xa2: {  	v5 =	vmax.f32 v6, $0.0e+00;
	v4 =	vmax.f32 v4, $0.0e+00  }
0xa3: {  	[tilespmem:s18+$0xFFFFFFD0] =	vst v5  }
0xa4: {  	[tilespmem:s18+$0xFFFFFFE0] =	vst v4  }
0xa5: {  	v4 =	vld [tilespmem:s15+$0x4E30]  }
0xa6: {  	v5 =	vld [tilespmem:s15+$0x6C30];
	_ =	sdelay $0x3  }
0xa7: {  	v6 =	vshll.u32 v4, $0x10;
	v4 =	vand.u32 $0xFFFF0000, v4  }
0xa8: {  	v7 =	vshll.u32 v5, $0x10;
	v5 =	vand.u32 $0xFFFF0000, v5  }
0xa9: {  	v6 =	vadd.f32 v7, v6;
	v4 =	vadd.f32 v5, v4;
	_ =	sdelay $0x1  }
.Ltmp7:
0xaa: {  	v5 =	vmax.f32 v6, $0.0e+00;
	v4 =	vmax.f32 v4, $0.0e+00;
	(pc) =	sbr.rel @p0 .LBB2_8-.Ltmp7, $4  }
0xab: {  	[tilespmem:s18+$0xFFFFFFF0] =	vst v5  }
0xac: {  	[tilespmem:s18+$0x0] =	vst v4  }
0xad: {  	v5 =	vld [tilespmem:s15+$0x4E40]  }
0xae: {  	v4 =	vld [tilespmem:s15+$0x6C40]  }
0xaf: {  	_ =	sdelay $0x3  }
0xb0: {  	v6 =	vshll.u32 v5, $0x10;
	v7 =	vshll.u32 v4, $0x10  }
0xb1: {  	v5 =	vand.u32 $0xFFFF0000, v5;
	v4 =	vand.u32 $0xFFFF0000, v4;
	v6 =	vadd.f32 v7, v6  }
0xb2: {  	s15 =	smul.u32 $0x140, s17;
	v4 =	vadd.f32 v4, v5  }
.Ltmp8:
0xb3: {  	v5 =	vmax.f32 v6, $0.0e+00;
	(pc) =	sbr.rel .LBB2_13-.Ltmp8, $4  }
0xb4: {  	s15 =	sshra.s32 s15, $0x2;
	v4 =	vmax.f32 v4, $0.0e+00;
	[tilespmem:s20+$0x10] =	vst v5  }
0xb5: {  	s15 =	sadd.s32 $0x2710, s15;
	[tilespmem:s20+$0x20] =	vst v4  }
0xb6: {  	[spmem:s2] =	stream.indirect.scatter.add.f32 [tilespmem:s31], [sflag:$0x4], $0x60, s15, s26, $0xb8;
	[tilespmem:$0x1DF60] =	vst v63  }
0xb7: {  	s15 =	simm.s32 $0x4  }
.LBB2_10:
0xb8: {  	_ =	swait.ge [sflag:s0], $0xF00  }
0xb9: {  	s15 =	smul.u32 $0x50, s17;
	[sflag:s0] =	ssyncset.done $0x0  }
0xba: {  	[sflag:s0] =	ssyncadd.s32 $0xFFFFF100  }
0xbb: {  	s15 =	sadd.s32 $0x50, s15;
	_ =	swait.ge [sflag:s0], $0xF00  }
0xbc: {  	s18 =	sadd.s32 s6, s15;
	[sflag:s0] =	ssyncset.done $0x0  }
0xbd: {  	s18 =	smul.u32 $0x6, s18;
	[sflag:s0] =	ssyncadd.s32 $0xFFFFF100  }
0xbe: {  	[tilespmem:s28], [sflag:$0x1] =	stream.indirect.gather [hbm4b:s4+s26], $0x30, s15, s26, $0xb8;
	[tilespmem:$0x1DF60] =	vst v63  }
0xbf: {  	s21 =	simm.s32 $0x0;
	s22 =	simm.s32 $0x0;
	s20 =	sadd.s32 s5, s18  }
0xc0: {  	[tilespmem:s29], [sflag:$0x1] =	stream.linear.gather [hbm4b:s20+s21], $0xF00, $0x38;
	[tilespmem:$0x1DF60] =	vst v63  }
0xc1: {  	v4 =	vld [tilespmem:s22+$0x5D20]  }
0xc2: {  	v5 =	vld [tilespmem:s22+$0x7B20];
	_ =	sdelay $0x4  }
0xc3: {  	v6 =	vshll.u32 v4, $0x10;
	v7 =	vshll.u32 v5, $0x10  }
0xc4: {  	v4 =	vand.u32 $0xFFFF0000, v4;
	v5 =	vand.u32 $0xFFFF0000, v5;
	v6 =	vadd.f32 v7, v6  }
0xc5: {  	v4 =	vadd.f32 v5, v4  }
0xc6: {  	s18 =	simm.s32 $0xA850;
	v5 =	vmax.f32 v6, $0.0e+00  }
0xc7: {  	v4 =	vmax.f32 v4, $0.0e+00;
	[tilespmem:s18+$0xFFFFFFD0] =	vst v5  }
0xc8: {  	[tilespmem:s18+$0xFFFFFFE0] =	vst v4  }
0xc9: {  	v4 =	vld [tilespmem:s22+$0x5D30]  }
0xca: {  	v5 =	vld [tilespmem:s22+$0x7B30];
	_ =	sdelay $0x4  }
0xcb: {  	v6 =	vshll.u32 v4, $0x10;
	v7 =	vshll.u32 v5, $0x10  }
0xcc: {  	v4 =	vand.u32 $0xFFFF0000, v4;
	v5 =	vand.u32 $0xFFFF0000, v5;
	v6 =	vadd.f32 v7, v6  }
0xcd: {  	v4 =	vadd.f32 v5, v4  }
0xce: {  	v5 =	vmax.f32 v6, $0.0e+00  }
0xcf: {  	v4 =	vmax.f32 v4, $0.0e+00;
	[tilespmem:s18+$0xFFFFFFF0] =	vst v5  }
0xd0: {  	[tilespmem:s18+$0x0] =	vst v4  }
0xd1: {  	v5 =	vld [tilespmem:s22+$0x5D40]  }
0xd2: {  	v4 =	vld [tilespmem:s22+$0x7B40];
	_ =	sdelay $0x1  }
0xd3: {  	s21 =	simm.s32 $0xC0;
	s20 =	simm.s32 $0xA850  }
.LBB2_11:
0xd4: {  	p0 =	sne.s32 s21, $0x3B40  }
0xd5: {  	v6 =	vshll.u32 v5, $0x10;
	v5 =	vand.u32 $0xFFFF0000, v5;
	s18 =	sadd.s32 $0x60, s18;
	s15 =	smov.u32 s21;
	s21 =	sadd.s32 $0xC0, s21  }
0xd6: {  	v7 =	vshll.u32 v4, $0x10;
	v4 =	vand.u32 $0xFFFF0000, v4  }
0xd7: {  	v6 =	vadd.f32 v7, v6;
	v4 =	vadd.f32 v4, v5;
	_ =	sdelay $0x1  }
0xd8: {  	v5 =	vmax.f32 v6, $0.0e+00;
	v4 =	vmax.f32 v4, $0.0e+00  }
0xd9: {  	[tilespmem:s20+$0x10] =	vst v5  }
0xda: {  	s15 =	sshra.s32 s15, $0x2;
	[tilespmem:s20+$0x20] =	vst v4;
	s20 =	smov.u32 s18  }
0xdb: {  	v4 =	vld [tilespmem:s15+$0x5D20]  }
0xdc: {  	v5 =	vld [tilespmem:s15+$0x7B20];
	_ =	sdelay $0x3  }
0xdd: {  	v6 =	vshll.u32 v4, $0x10;
	v4 =	vand.u32 $0xFFFF0000, v4  }
0xde: {  	v7 =	vshll.u32 v5, $0x10;
	v5 =	vand.u32 $0xFFFF0000, v5  }
0xdf: {  	v6 =	vadd.f32 v7, v6;
	v4 =	vadd.f32 v5, v4;
	_ =	sdelay $0x1  }
0xe0: {  	v5 =	vmax.f32 v6, $0.0e+00;
	v4 =	vmax.f32 v4, $0.0e+00  }
0xe1: {  	[tilespmem:s18+$0xFFFFFFD0] =	vst v5  }
0xe2: {  	[tilespmem:s18+$0xFFFFFFE0] =	vst v4  }
0xe3: {  	v4 =	vld [tilespmem:s15+$0x5D30]  }
0xe4: {  	v5 =	vld [tilespmem:s15+$0x7B30];
	_ =	sdelay $0x3  }
0xe5: {  	v6 =	vshll.u32 v4, $0x10;
	v4 =	vand.u32 $0xFFFF0000, v4  }
0xe6: {  	v7 =	vshll.u32 v5, $0x10;
	v5 =	vand.u32 $0xFFFF0000, v5  }
0xe7: {  	v6 =	vadd.f32 v7, v6;
	v4 =	vadd.f32 v5, v4;
	_ =	sdelay $0x1  }
.Ltmp9:
0xe8: {  	v5 =	vmax.f32 v6, $0.0e+00;
	v4 =	vmax.f32 v4, $0.0e+00;
	(pc) =	sbr.rel @p0 .LBB2_11-.Ltmp9, $4  }
0xe9: {  	[tilespmem:s18+$0xFFFFFFF0] =	vst v5  }
0xea: {  	[tilespmem:s18+$0x0] =	vst v4  }
0xeb: {  	v5 =	vld [tilespmem:s15+$0x5D40]  }
0xec: {  	v4 =	vld [tilespmem:s15+$0x7B40]  }
.Ltmp10:
0xed: {  	_ = 	snop;
	(pc) =	sbr.rel .LBB2_12-.Ltmp10, $1  }
0xee: {  	_ =	sdelay $0x3  }
.LBB2_14:
0xef: {  	s15 =	stileid.u32  }
0xf0: {  	[bflag:$0x0] =	sbarrier.arrive $0xFFFF;
	s15 =	sshll.u32 s15, $0x6  }
0xf1: {  	s18 =	sshrl.u32 s7, $0x3;
	s21 =	rddreg [dreg:$0x5];
	s17 =	sor.u32 $0x1C03, s15  }
0xf2: {  	[hbm:s21], [sflag:s17] =	dma.local [spmem:s18], $0x1D4C  }
0xf3: {  	_ =	swait.ge [sflag:s24], $0x1D4C  }
0xf4: {  	[sflag:s24] =	ssyncset.done $0x0  }
0xf5: {  	[sflag:s24] =	ssyncadd.s32 $0xFFFFE2B4  }
0xf6: {  	[spmem:s7] =	stream.linear.scatter [tilespmem:s23], [sflag:$0x3], $0x2EE0, $0x38;
	[tilespmem:$0x1DF60] =	vst v63  }
0xf7: {  	_ =	swait.ge [sflag:s24], $0x2EE0  }
0xf8: {  	[sflag:s24] =	ssyncset.done $0x0  }
0xf9: {  	[sflag:s24] =	ssyncadd.s32 $0xFFFFD120  }
0xfa: {  	[spmem:s8] =	stream.linear.scatter [tilespmem:s23], [sflag:$0x3], $0x2EE0, $0x38;
	[tilespmem:$0x1DF60] =	vst v63  }
0xfb: {  	_ =	swait.ge [sflag:s24], $0x2EE0  }
0xfc: {  	[sflag:s24] =	ssyncset.done $0x0  }
0xfd: {  	[sflag:s24] =	ssyncadd.s32 $0xFFFFD120  }
0xfe: {  	[spmem:s10] =	stream.linear.scatter [tilespmem:s23], [sflag:$0x3], $0x2EE0, $0x38;
	[tilespmem:$0x1DF60] =	vst v63  }
0xff: {  	_ =	swait.ge [sflag:s24], $0x2EE0  }
0x100: {  	[sflag:s24] =	ssyncset.done $0x0  }
0x101: {  	[sflag:s24] =	ssyncadd.s32 $0xFFFFD120  }
0x102: {  	[spmem:s11] =	stream.linear.scatter [tilespmem:s23], [sflag:$0x3], $0x2EE0, $0x38;
	[tilespmem:$0x1DF60] =	vst v63  }
0x103: {  	_ =	swait.ge [sflag:s24], $0x2EE0  }
0x104: {  	[sflag:s24] =	ssyncset.done $0x0  }
0x105: {  	[sflag:s24] =	ssyncadd.s32 $0xFFFFD120  }
0x106: {  	[spmem:s12] =	stream.linear.scatter [tilespmem:s23], [sflag:$0x3], $0x2EE0, $0x38;
	[tilespmem:$0x1DF60] =	vst v63  }
0x107: {  	_ =	swait.ge [sflag:s24], $0x2EE0  }
0x108: {  	[sflag:s24] =	ssyncset.done $0x0  }
0x109: {  	s22 =	simm.s32 $0x0;
	[sflag:s24] =	ssyncadd.s32 $0xFFFFD120  }
0x10a: {  	[tilespmem:s22], [sflag:$0x3] =	stream.linear.gather [hbm4b:s13+s22], $0x2710, $0x38;
	[tilespmem:$0x1DF60] =	vst v63  }
0x10b: {  	_ =	swait.ge [sflag:s24], $0x2710  }
0x10c: {  	[sflag:s24] =	ssyncset.done $0x0  }
0x10d: {  	[sflag:s24] =	ssyncadd.s32 $0xFFFFD8F0  }
0x10e: {  	[tilespmem:s25], [sflag:$0x3] =	stream.linear.gather [hbm4b:s14+s22], $0x2710, $0x38;
	[tilespmem:$0x1DF60] =	vst v63  }
0x10f: {  	_ =	swait.ge [sflag:s24], $0x2710  }
0x110: {  	[sflag:s24] =	ssyncset.done $0x0  }
0x111: {  	s15 =	simm.s32 $0x0;
	[sflag:s24] =	ssyncadd.s32 $0xFFFFD8F0  }
0x112: {  	v4 =	vld [tilespmem:s15+$0x0]  }
0x113: {  	v6 =	vld [tilespmem:s15+$0x10]  }
0x114: {  	v7 =	vld [tilespmem:s15+$0x20]  }
0x115: {  	s20 =	simm.s32 $0x140;
	v5 =	vld [tilespmem:s15+$0x30]  }
.LBB2_15:
0x116: {  	p0 =	sne.s32 s20, $0x9B00;
	v8 =	vld [tilespmem:s15+$0x40]  }
0x117: {  	v4 =	vmul.u32 $0x6, v4  }
0x118: {  	v6 =	vmul.u32 $0x6, v6  }
0x119: {  	v4 =	vadd.s32 v1, v4;
	v7 =	vmul.u32 $0x6, v7  }
.Ltmp11:
0x11a: {  	s21 =	sshra.s32 s20, $0x2;
	[tilespmem:s15+$0x0] =	vst v4;
	v6 =	vadd.s32 v1, v6;
	v5 =	vmul.u32 $0x6, v5;
	(pc) =	sbr.rel @p0 .LBB2_15-.Ltmp11, $4  }
0x11b: {  	v4 =	vld [tilespmem:s21+$0x0];
	[tilespmem:s15+$0x10] =	vst v6;
	v7 =	vadd.s32 v1, v7;
	v8 =	vmul.u32 $0x6, v8  }
0x11c: {  	v6 =	vld [tilespmem:s21+$0x10];
	[tilespmem:s15+$0x20] =	vst v7;
	v5 =	vadd.s32 v1, v5  }
0x11d: {  	v7 =	vld [tilespmem:s21+$0x20];
	[tilespmem:s15+$0x30] =	vst v5;
	v8 =	vadd.s32 v1, v8  }
0x11e: {  	s20 =	sadd.s32 $0x140, s20;
	v5 =	vld [tilespmem:s21+$0x30];
	[tilespmem:s15+$0x40] =	vst v8;
	s15 =	smov.u32 s21  }
0x11f: {  	v8 =	vld [tilespmem:s15+$0x40]  }
0x120: {  	v4 =	vmul.u32 $0x6, v4  }
0x121: {  	v6 =	vmul.u32 $0x6, v6  }
0x122: {  	v4 =	vadd.s32 v1, v4;
	v7 =	vmul.u32 $0x6, v7  }
0x123: {  	[tilespmem:s15+$0x0] =	vst v4;
	v4 =	vadd.s32 v1, v6;
	v5 =	vmul.u32 $0x6, v5  }
0x124: {  	[tilespmem:s15+$0x10] =	vst v4;
	v4 =	vadd.s32 v1, v7;
	v63 =	vmul.u32 $0x6, v8  }
0x125: {  	[tilespmem:s15+$0x20] =	vst v4;
	v4 =	vadd.s32 v1, v5  }
0x126: {  	[tilespmem:s15+$0x30] =	vst v4;
	v4 =	vadd.s32 v1, v63  }
.Ltmp12:
0x127: {  	[tilespmem:s15+$0x40] =	vst v4;
	(pc) =	sbr.rel .LBB2_17-.Ltmp12, $4  }
0x128: {  	s20 =	simm.s32 $0x0;
	[bflag:$0x0] =	sbarrier.arrive $0xFFFF  }
0x129: {  	[tilespmem:s28], [sflag:$0x1] =	stream.indirect.gather [hbm4b:s4+s26], $0x30, s20, s26, $0xb8;
	[tilespmem:$0x1DF60] =	vst v63  }
0x12a: {  	s22 =	rddreg [dreg:$0x6]  }
0x12b: {  	[tilespmem:s29], [sflag:$0x1] =	stream.linear.gather [hbm4b:s22+s20], $0xF00, $0x38;
	[tilespmem:$0x1DF60] =	vst v63  }
.LBB2_23:
0x12c: {  	v6 =	vshll.u32 v5, $0x10;
	v7 =	vshll.u32 v4, $0x10  }
0x12d: {  	v5 =	vand.u32 $0xFFFF0000, v5;
	v4 =	vand.u32 $0xFFFF0000, v4;
	v6 =	vadd.f32 v7, v6  }
0x12e: {  	s15 =	smul.u32 $0x140, s20;
	v4 =	vadd.f32 v4, v5  }
0x12f: {  	v5 =	vmax.f32 v6, $0.0e+00  }
0x130: {  	s15 =	sshra.s32 s15, $0x2;
	v4 =	vmax.f32 v4, $0.0e+00;
	[tilespmem:s22+$0x10] =	vst v5  }
0x131: {  	s15 =	sadd.s32 $0x2710, s15;
	[tilespmem:s22+$0x20] =	vst v4  }
0x132: {  	[spmem:s2] =	stream.indirect.scatter.add.f32 [tilespmem:s1], [sflag:$0x3], $0x60, s15, s26, $0xb8;
	[tilespmem:$0x1DF60] =	vst v63  }
0x133: {  	s15 =	simm.s32 $0x3  }
.LBB2_24:
0x134: {  	s20 =	sadd.s32 $0x1, s20  }
0x135: {  	p0 =	sne.s32 s20, $0x7D  }
.Ltmp13:
0x136: {  	_ = 	snop;
	(pc) =	sbr.rel @!p0 .LBB2_25-.Ltmp13, $4  }
0x137: {  	_ = 	snop  }
0x138: {  	_ =	swait.ge [sflag:s15], $0x1E00  }
0x139: {  	[sflag:s15] =	ssyncset.done $0x0  }
0x13a: {  	[sflag:s15] =	ssyncadd.s32 $0xFFFFE200  }
.LBB2_17:
0x13b: {  	s15 =	sand.u32 $0x1, s20  }
0x13c: {  	p0 =	seq.s32 s15, $0x1  }
.Ltmp14:
0x13d: {  	_ = 	snop;
	(pc) =	sbr.rel @p0 .LBB2_21-.Ltmp14, $1  }
0x13e: {  	_ =	sdelay $0x3  }
0x13f: {  	_ =	swait.ge [sflag:s30], $0xF00;
	p0 =	seq.s32 s20, $0x7C  }
0x140: {  	[sflag:s30] =	ssyncset.done $0x0;
	s15 =	smul.u32 @!p0 $0x50, s20  }
0x141: {  	[sflag:s30] =	ssyncadd.s32 $0xFFFFF100  }
0x142: {  	_ =	swait.ge [sflag:s30], $0xF00;
	s15 =	sadd.s32 @!p0 $0x50, s15  }
0x143: {  	s22 =	simm.s32 @!p0 $0x50;
	[sflag:s30] =	ssyncset.done $0x0;
	s21 =	sadd.s32 @!p0 s9, s15  }
0x144: {  	s16 =	simm.s32 @!p0 $0x5D20;
	[sflag:s30] =	ssyncadd.s32 $0xFFFFF100;
	s21 =	smul.u32 @!p0 $0x6, s21  }
0x145: {  	[tilespmem:s16], [sflag:$0x2] =	stream.indirect.gather @!p0 [hbm4b:s4+s22], $0x30, s15, s22, $0xb8;
	[tilespmem:$0x1DF60] =	vst v63  }
0x146: {  	s16 =	simm.s32 @!p0 $0x0  }
0x147: {  	s22 =	simm.s32 $0x0;
	s15 =	sadd.s32 @!p0 s5, s21;
	s21 =	simm.s32 @!p0 $0x7B20  }
0x148: {  	[tilespmem:s21], [sflag:$0x2] =	stream.linear.gather @!p0 [hbm4b:s15+s16], $0xF00, $0x38;
	[tilespmem:$0x1DF60] =	vst v63  }
0x149: {  	v4 =	vld [tilespmem:s22+$0x4E20]  }
0x14a: {  	v5 =	vld [tilespmem:s22+$0x6C20];
	_ =	sdelay $0x4  }
0x14b: {  	v6 =	vshll.u32 v4, $0x10;
	v7 =	vshll.u32 v5, $0x10  }
0x14c: {  	v4 =	vand.u32 $0xFFFF0000, v4;
	v5 =	vand.u32 $0xFFFF0000, v5;
	v6 =	vadd.f32 v7, v6  }
0x14d: {  	v4 =	vadd.f32 v5, v4  }
0x14e: {  	s21 =	simm.s32 $0x8A50;
	v5 =	vmax.f32 v6, $0.0e+00  }
0x14f: {  	v4 =	vmax.f32 v4, $0.0e+00;
	[tilespmem:s21+$0xFFFFFFD0] =	vst v5  }
0x150: {  	[tilespmem:s21+$0xFFFFFFE0] =	vst v4  }
0x151: {  	v4 =	vld [tilespmem:s22+$0x4E30]  }
0x152: {  	v5 =	vld [tilespmem:s22+$0x6C30];
	_ =	sdelay $0x4  }
0x153: {  	v6 =	vshll.u32 v4, $0x10;
	v7 =	vshll.u32 v5, $0x10  }
0x154: {  	v4 =	vand.u32 $0xFFFF0000, v4;
	v5 =	vand.u32 $0xFFFF0000, v5;
	v6 =	vadd.f32 v7, v6  }
0x155: {  	v4 =	vadd.f32 v5, v4  }
0x156: {  	v5 =	vmax.f32 v6, $0.0e+00  }
0x157: {  	v4 =	vmax.f32 v4, $0.0e+00;
	[tilespmem:s21+$0xFFFFFFF0] =	vst v5  }
0x158: {  	[tilespmem:s21+$0x0] =	vst v4  }
0x159: {  	v5 =	vld [tilespmem:s22+$0x4E40]  }
0x15a: {  	s15 =	simm.s32 $0xC0;
	v4 =	vld [tilespmem:s22+$0x6C40];
	s22 =	simm.s32 $0x8A50  }
.LBB2_19:
0x15b: {  	_ =	sdelay $0x1  }
0x15c: {  	p0 =	sne.s32 s15, $0x3B40  }
0x15d: {  	s21 =	sadd.s32 $0x60, s21;
	s16 =	smov.u32 s15;
	s15 =	sadd.s32 $0xC0, s15;
	v6 =	vshll.u32 v5, $0x10;
	v5 =	vand.u32 $0xFFFF0000, v5  }
0x15e: {  	v7 =	vshll.u32 v4, $0x10;
	v4 =	vand.u32 $0xFFFF0000, v4  }
0x15f: {  	v6 =	vadd.f32 v7, v6;
	v4 =	vadd.f32 v4, v5;
	_ =	sdelay $0x1  }
0x160: {  	v5 =	vmax.f32 v6, $0.0e+00;
	v4 =	vmax.f32 v4, $0.0e+00  }
0x161: {  	[tilespmem:s22+$0x10] =	vst v5  }
0x162: {  	s16 =	sshra.s32 s16, $0x2;
	[tilespmem:s22+$0x20] =	vst v4;
	s22 =	smov.u32 s21  }
0x163: {  	v4 =	vld [tilespmem:s16+$0x4E20]  }
0x164: {  	v5 =	vld [tilespmem:s16+$0x6C20];
	_ =	sdelay $0x3  }
0x165: {  	v6 =	vshll.u32 v4, $0x10;
	v4 =	vand.u32 $0xFFFF0000, v4  }
0x166: {  	v7 =	vshll.u32 v5, $0x10;
	v5 =	vand.u32 $0xFFFF0000, v5  }
0x167: {  	v6 =	vadd.f32 v7, v6;
	v4 =	vadd.f32 v5, v4;
	_ =	sdelay $0x1  }
0x168: {  	v5 =	vmax.f32 v6, $0.0e+00;
	v4 =	vmax.f32 v4, $0.0e+00  }
0x169: {  	[tilespmem:s21+$0xFFFFFFD0] =	vst v5  }
0x16a: {  	[tilespmem:s21+$0xFFFFFFE0] =	vst v4  }
0x16b: {  	v4 =	vld [tilespmem:s16+$0x4E30]  }
0x16c: {  	v5 =	vld [tilespmem:s16+$0x6C30];
	_ =	sdelay $0x3  }
0x16d: {  	v6 =	vshll.u32 v4, $0x10;
	v4 =	vand.u32 $0xFFFF0000, v4  }
0x16e: {  	v7 =	vshll.u32 v5, $0x10;
	v5 =	vand.u32 $0xFFFF0000, v5  }
0x16f: {  	v6 =	vadd.f32 v7, v6;
	v4 =	vadd.f32 v5, v4;
	_ =	sdelay $0x1  }
.Ltmp15:
0x170: {  	v5 =	vmax.f32 v6, $0.0e+00;
	v4 =	vmax.f32 v4, $0.0e+00;
	(pc) =	sbr.rel @p0 .LBB2_19-.Ltmp15, $4  }
0x171: {  	[tilespmem:s21+$0xFFFFFFF0] =	vst v5  }
0x172: {  	[tilespmem:s21+$0x0] =	vst v4  }
0x173: {  	v5 =	vld [tilespmem:s16+$0x4E40]  }
0x174: {  	v4 =	vld [tilespmem:s16+$0x6C40]  }
0x175: {  	_ =	sdelay $0x3  }
0x176: {  	v6 =	vshll.u32 v5, $0x10;
	v7 =	vshll.u32 v4, $0x10  }
0x177: {  	v5 =	vand.u32 $0xFFFF0000, v5;
	v4 =	vand.u32 $0xFFFF0000, v4;
	v6 =	vadd.f32 v7, v6  }
0x178: {  	s15 =	smul.u32 $0x140, s20;
	v4 =	vadd.f32 v4, v5  }
.Ltmp16:
0x179: {  	v5 =	vmax.f32 v6, $0.0e+00;
	(pc) =	sbr.rel .LBB2_24-.Ltmp16, $4  }
0x17a: {  	s15 =	sshra.s32 s15, $0x2;
	v4 =	vmax.f32 v4, $0.0e+00;
	[tilespmem:s22+$0x10] =	vst v5  }
0x17b: {  	s15 =	sadd.s32 $0x2710, s15;
	[tilespmem:s22+$0x20] =	vst v4  }
0x17c: {  	[spmem:s2] =	stream.indirect.scatter.add.f32 [tilespmem:s31], [sflag:$0x4], $0x60, s15, s26, $0xb8;
	[tilespmem:$0x1DF60] =	vst v63  }
0x17d: {  	s15 =	simm.s32 $0x4  }
.LBB2_21:
0x17e: {  	_ =	swait.ge [sflag:s0], $0xF00  }
0x17f: {  	s15 =	smul.u32 $0x50, s20;
	[sflag:s0] =	ssyncset.done $0x0  }
0x180: {  	[sflag:s0] =	ssyncadd.s32 $0xFFFFF100  }
0x181: {  	s15 =	sadd.s32 $0x50, s15;
	_ =	swait.ge [sflag:s0], $0xF00  }
0x182: {  	s16 =	sadd.s32 s9, s15;
	[sflag:s0] =	ssyncset.done $0x0  }
0x183: {  	s16 =	smul.u32 $0x6, s16;
	[sflag:s0] =	ssyncadd.s32 $0xFFFFF100  }
0x184: {  	[tilespmem:s28], [sflag:$0x1] =	stream.indirect.gather [hbm4b:s4+s26], $0x30, s15, s26, $0xb8;
	[tilespmem:$0x1DF60] =	vst v63  }
0x185: {  	s21 =	simm.s32 $0x0;
	s22 =	simm.s32 $0x0;
	s16 =	sadd.s32 s5, s16  }
0x186: {  	[tilespmem:s29], [sflag:$0x1] =	stream.linear.gather [hbm4b:s16+s21], $0xF00, $0x38;
	[tilespmem:$0x1DF60] =	vst v63  }
0x187: {  	v4 =	vld [tilespmem:s22+$0x5D20]  }
0x188: {  	v5 =	vld [tilespmem:s22+$0x7B20];
	_ =	sdelay $0x4  }
0x189: {  	v6 =	vshll.u32 v4, $0x10;
	v7 =	vshll.u32 v5, $0x10  }
0x18a: {  	v4 =	vand.u32 $0xFFFF0000, v4;
	v5 =	vand.u32 $0xFFFF0000, v5;
	v6 =	vadd.f32 v7, v6  }
0x18b: {  	v4 =	vadd.f32 v5, v4  }
0x18c: {  	s21 =	simm.s32 $0xA850;
	v5 =	vmax.f32 v6, $0.0e+00  }
0x18d: {  	v4 =	vmax.f32 v4, $0.0e+00;
	[tilespmem:s21+$0xFFFFFFD0] =	vst v5  }
0x18e: {  	[tilespmem:s21+$0xFFFFFFE0] =	vst v4  }
0x18f: {  	v4 =	vld [tilespmem:s22+$0x5D30]  }
0x190: {  	v5 =	vld [tilespmem:s22+$0x7B30];
	_ =	sdelay $0x4  }
0x191: {  	v6 =	vshll.u32 v4, $0x10;
	v7 =	vshll.u32 v5, $0x10  }
0x192: {  	v4 =	vand.u32 $0xFFFF0000, v4;
	v5 =	vand.u32 $0xFFFF0000, v5;
	v6 =	vadd.f32 v7, v6  }
0x193: {  	v4 =	vadd.f32 v5, v4  }
0x194: {  	v5 =	vmax.f32 v6, $0.0e+00  }
0x195: {  	v4 =	vmax.f32 v4, $0.0e+00;
	[tilespmem:s21+$0xFFFFFFF0] =	vst v5  }
0x196: {  	[tilespmem:s21+$0x0] =	vst v4  }
0x197: {  	v5 =	vld [tilespmem:s22+$0x5D40]  }
0x198: {  	v4 =	vld [tilespmem:s22+$0x7B40];
	_ =	sdelay $0x1  }
0x199: {  	s15 =	simm.s32 $0xC0;
	s22 =	simm.s32 $0xA850  }
.LBB2_22:
0x19a: {  	p0 =	sne.s32 s15, $0x3B40  }
0x19b: {  	v6 =	vshll.u32 v5, $0x10;
	v5 =	vand.u32 $0xFFFF0000, v5;
	s21 =	sadd.s32 $0x60, s21;
	s16 =	smov.u32 s15;
	s15 =	sadd.s32 $0xC0, s15  }
0x19c: {  	v7 =	vshll.u32 v4, $0x10;
	v4 =	vand.u32 $0xFFFF0000, v4  }
0x19d: {  	v6 =	vadd.f32 v7, v6;
	v4 =	vadd.f32 v4, v5;
	_ =	sdelay $0x1  }
0x19e: {  	v5 =	vmax.f32 v6, $0.0e+00;
	v4 =	vmax.f32 v4, $0.0e+00  }
0x19f: {  	[tilespmem:s22+$0x10] =	vst v5  }
0x1a0: {  	s16 =	sshra.s32 s16, $0x2;
	[tilespmem:s22+$0x20] =	vst v4;
	s22 =	smov.u32 s21  }
0x1a1: {  	v4 =	vld [tilespmem:s16+$0x5D20]  }
0x1a2: {  	v5 =	vld [tilespmem:s16+$0x7B20];
	_ =	sdelay $0x3  }
0x1a3: {  	v6 =	vshll.u32 v4, $0x10;
	v4 =	vand.u32 $0xFFFF0000, v4  }
0x1a4: {  	v7 =	vshll.u32 v5, $0x10;
	v5 =	vand.u32 $0xFFFF0000, v5  }
0x1a5: {  	v6 =	vadd.f32 v7, v6;
	v4 =	vadd.f32 v5, v4;
	_ =	sdelay $0x1  }
0x1a6: {  	v5 =	vmax.f32 v6, $0.0e+00;
	v4 =	vmax.f32 v4, $0.0e+00  }
0x1a7: {  	[tilespmem:s21+$0xFFFFFFD0] =	vst v5  }
0x1a8: {  	[tilespmem:s21+$0xFFFFFFE0] =	vst v4  }
0x1a9: {  	v4 =	vld [tilespmem:s16+$0x5D30]  }
0x1aa: {  	v5 =	vld [tilespmem:s16+$0x7B30];
	_ =	sdelay $0x3  }
0x1ab: {  	v6 =	vshll.u32 v4, $0x10;
	v4 =	vand.u32 $0xFFFF0000, v4  }
0x1ac: {  	v7 =	vshll.u32 v5, $0x10;
	v5 =	vand.u32 $0xFFFF0000, v5  }
0x1ad: {  	v6 =	vadd.f32 v7, v6;
	v4 =	vadd.f32 v5, v4;
	_ =	sdelay $0x1  }
.Ltmp17:
0x1ae: {  	v5 =	vmax.f32 v6, $0.0e+00;
	v4 =	vmax.f32 v4, $0.0e+00;
	(pc) =	sbr.rel @p0 .LBB2_22-.Ltmp17, $4  }
0x1af: {  	[tilespmem:s21+$0xFFFFFFF0] =	vst v5  }
0x1b0: {  	[tilespmem:s21+$0x0] =	vst v4  }
0x1b1: {  	v5 =	vld [tilespmem:s16+$0x5D40]  }
0x1b2: {  	v4 =	vld [tilespmem:s16+$0x7B40]  }
.Ltmp18:
0x1b3: {  	_ = 	snop;
	(pc) =	sbr.rel .LBB2_23-.Ltmp18, $1  }
0x1b4: {  	_ =	sdelay $0x3  }
.LBB2_25:
0x1b5: {  	[bflag:$0x0] =	sbarrier.arrive $0xFFFF  }
0x1b6: {  	s15 =	rddreg [dreg:$0x7]  }
0x1b7: {  	[hbm:s15], [sflag:s17] =	dma.local [spmem:s18], $0x1D4C  }
0x1b8: {  	_ =	swait.ge [sflag:s24], $0x1D4C  }
0x1b9: {  	[sflag:s24] =	ssyncset.done $0x0  }
0x1ba: {  	[sflag:s24] =	ssyncadd.s32 $0xFFFFE2B4  }
0x1bb: {  	[spmem:s7] =	stream.linear.scatter [tilespmem:s23], [sflag:$0x3], $0x2EE0, $0x38;
	[tilespmem:$0x1DF60] =	vst v63  }
0x1bc: {  	_ =	swait.ge [sflag:s24], $0x2EE0  }
0x1bd: {  	[sflag:s24] =	ssyncset.done $0x0  }
0x1be: {  	[sflag:s24] =	ssyncadd.s32 $0xFFFFD120  }
0x1bf: {  	[spmem:s8] =	stream.linear.scatter [tilespmem:s23], [sflag:$0x3], $0x2EE0, $0x38;
	[tilespmem:$0x1DF60] =	vst v63  }
0x1c0: {  	_ =	swait.ge [sflag:s24], $0x2EE0  }
0x1c1: {  	[sflag:s24] =	ssyncset.done $0x0  }
0x1c2: {  	[sflag:s24] =	ssyncadd.s32 $0xFFFFD120  }
0x1c3: {  	[spmem:s10] =	stream.linear.scatter [tilespmem:s23], [sflag:$0x3], $0x2EE0, $0x38;
	[tilespmem:$0x1DF60] =	vst v63  }
0x1c4: {  	_ =	swait.ge [sflag:s24], $0x2EE0  }
0x1c5: {  	[sflag:s24] =	ssyncset.done $0x0  }
0x1c6: {  	[sflag:s24] =	ssyncadd.s32 $0xFFFFD120  }
0x1c7: {  	[spmem:s11] =	stream.linear.scatter [tilespmem:s23], [sflag:$0x3], $0x2EE0, $0x38;
	[tilespmem:$0x1DF60] =	vst v63  }
0x1c8: {  	_ =	swait.ge [sflag:s24], $0x2EE0  }
0x1c9: {  	[sflag:s24] =	ssyncset.done $0x0  }
0x1ca: {  	[sflag:s24] =	ssyncadd.s32 $0xFFFFD120  }
0x1cb: {  	[spmem:s12] =	stream.linear.scatter [tilespmem:s23], [sflag:$0x3], $0x2EE0, $0x38;
	[tilespmem:$0x1DF60] =	vst v63  }
0x1cc: {  	_ =	swait.ge [sflag:s24], $0x2EE0  }
0x1cd: {  	[sflag:s24] =	ssyncset.done $0x0  }
0x1ce: {  	s22 =	simm.s32 $0x0;
	[sflag:s24] =	ssyncadd.s32 $0xFFFFD120  }
0x1cf: {  	[tilespmem:s22], [sflag:$0x3] =	stream.linear.gather [hbm4b:s13+s22], $0x2710, $0x38;
	[tilespmem:$0x1DF60] =	vst v63  }
0x1d0: {  	_ =	swait.ge [sflag:s24], $0x2710  }
0x1d1: {  	[sflag:s24] =	ssyncset.done $0x0  }
0x1d2: {  	[sflag:s24] =	ssyncadd.s32 $0xFFFFD8F0  }
0x1d3: {  	[tilespmem:s25], [sflag:$0x3] =	stream.linear.gather [hbm4b:s14+s22], $0x2710, $0x38;
	[tilespmem:$0x1DF60] =	vst v63  }
0x1d4: {  	_ =	swait.ge [sflag:s24], $0x2710  }
0x1d5: {  	[sflag:s24] =	ssyncset.done $0x0  }
0x1d6: {  	s15 =	simm.s32 $0x0;
	[sflag:s24] =	ssyncadd.s32 $0xFFFFD8F0  }
0x1d7: {  	v4 =	vld [tilespmem:s15+$0x0]  }
0x1d8: {  	v6 =	vld [tilespmem:s15+$0x10]  }
0x1d9: {  	v7 =	vld [tilespmem:s15+$0x20]  }
0x1da: {  	s20 =	simm.s32 $0x140;
	v5 =	vld [tilespmem:s15+$0x30]  }
.LBB2_26:
0x1db: {  	p0 =	sne.s32 s20, $0x9B00;
	v8 =	vld [tilespmem:s15+$0x40]  }
0x1dc: {  	v4 =	vmul.u32 $0x6, v4  }
0x1dd: {  	v6 =	vmul.u32 $0x6, v6  }
0x1de: {  	v4 =	vadd.s32 v2, v4;
	v7 =	vmul.u32 $0x6, v7  }
.Ltmp19:
0x1df: {  	s16 =	sshra.s32 s20, $0x2;
	[tilespmem:s15+$0x0] =	vst v4;
	v6 =	vadd.s32 v2, v6;
	v5 =	vmul.u32 $0x6, v5;
	(pc) =	sbr.rel @p0 .LBB2_26-.Ltmp19, $4  }
0x1e0: {  	v4 =	vld [tilespmem:s16+$0x0];
	[tilespmem:s15+$0x10] =	vst v6;
	v7 =	vadd.s32 v2, v7;
	v8 =	vmul.u32 $0x6, v8  }
0x1e1: {  	v6 =	vld [tilespmem:s16+$0x10];
	[tilespmem:s15+$0x20] =	vst v7;
	v5 =	vadd.s32 v2, v5  }
0x1e2: {  	v7 =	vld [tilespmem:s16+$0x20];
	[tilespmem:s15+$0x30] =	vst v5;
	v8 =	vadd.s32 v2, v8  }
0x1e3: {  	s20 =	sadd.s32 $0x140, s20;
	v5 =	vld [tilespmem:s16+$0x30];
	[tilespmem:s15+$0x40] =	vst v8;
	s15 =	smov.u32 s16  }
0x1e4: {  	v8 =	vld [tilespmem:s15+$0x40]  }
0x1e5: {  	v4 =	vmul.u32 $0x6, v4  }
0x1e6: {  	v6 =	vmul.u32 $0x6, v6  }
0x1e7: {  	v4 =	vadd.s32 v2, v4;
	v7 =	vmul.u32 $0x6, v7  }
0x1e8: {  	[tilespmem:s15+$0x0] =	vst v4;
	v4 =	vadd.s32 v2, v6;
	v5 =	vmul.u32 $0x6, v5  }
0x1e9: {  	[tilespmem:s15+$0x10] =	vst v4;
	v4 =	vadd.s32 v2, v7;
	v63 =	vmul.u32 $0x6, v8  }
0x1ea: {  	[tilespmem:s15+$0x20] =	vst v4;
	v4 =	vadd.s32 v2, v5  }
0x1eb: {  	[tilespmem:s15+$0x30] =	vst v4;
	v4 =	vadd.s32 v2, v63  }
.Ltmp20:
0x1ec: {  	[tilespmem:s15+$0x40] =	vst v4;
	(pc) =	sbr.rel .LBB2_28-.Ltmp20, $4  }
0x1ed: {  	s20 =	simm.s32 $0x0;
	[bflag:$0x0] =	sbarrier.arrive $0xFFFF  }
0x1ee: {  	[tilespmem:s28], [sflag:$0x1] =	stream.indirect.gather [hbm4b:s4+s26], $0x30, s20, s26, $0xb8;
	[tilespmem:$0x1DF60] =	vst v63  }
0x1ef: {  	s22 =	rddreg [dreg:$0x8]  }
0x1f0: {  	[tilespmem:s29], [sflag:$0x1] =	stream.linear.gather [hbm4b:s22+s20], $0xF00, $0x38;
	[tilespmem:$0x1DF60] =	vst v63  }
.LBB2_34:
0x1f1: {  	v6 =	vshll.u32 v5, $0x10;
	v7 =	vshll.u32 v4, $0x10  }
0x1f2: {  	v5 =	vand.u32 $0xFFFF0000, v5;
	v4 =	vand.u32 $0xFFFF0000, v4;
	v6 =	vadd.f32 v7, v6  }
0x1f3: {  	s15 =	smul.u32 $0x140, s20;
	v4 =	vadd.f32 v4, v5  }
0x1f4: {  	v5 =	vmax.f32 v6, $0.0e+00  }
0x1f5: {  	s15 =	sshra.s32 s15, $0x2;
	v4 =	vmax.f32 v4, $0.0e+00;
	[tilespmem:s22+$0x10] =	vst v5  }
0x1f6: {  	s15 =	sadd.s32 $0x2710, s15;
	[tilespmem:s22+$0x20] =	vst v4  }
0x1f7: {  	[spmem:s2] =	stream.indirect.scatter.add.f32 [tilespmem:s1], [sflag:$0x3], $0x60, s15, s26, $0xb8;
	[tilespmem:$0x1DF60] =	vst v63  }
0x1f8: {  	s15 =	simm.s32 $0x3  }
.LBB2_35:
0x1f9: {  	s20 =	sadd.s32 $0x1, s20  }
0x1fa: {  	p0 =	sne.s32 s20, $0x7D  }
.Ltmp21:
0x1fb: {  	_ = 	snop;
	(pc) =	sbr.rel @!p0 .LBB2_36-.Ltmp21, $4  }
0x1fc: {  	_ = 	snop  }
0x1fd: {  	_ =	swait.ge [sflag:s15], $0x1E00  }
0x1fe: {  	[sflag:s15] =	ssyncset.done $0x0  }
0x1ff: {  	[sflag:s15] =	ssyncadd.s32 $0xFFFFE200  }
.LBB2_28:
0x200: {  	s15 =	sand.u32 $0x1, s20  }
0x201: {  	p0 =	seq.s32 s15, $0x1  }
.Ltmp22:
0x202: {  	_ = 	snop;
	(pc) =	sbr.rel @p0 .LBB2_32-.Ltmp22, $1  }
0x203: {  	_ =	sdelay $0x3  }
0x204: {  	_ =	swait.ge [sflag:s30], $0xF00;
	p0 =	seq.s32 s20, $0x7C  }
0x205: {  	[sflag:s30] =	ssyncset.done $0x0;
	s15 =	smul.u32 @!p0 $0x50, s20  }
0x206: {  	[sflag:s30] =	ssyncadd.s32 $0xFFFFF100  }
0x207: {  	_ =	swait.ge [sflag:s30], $0xF00;
	s15 =	sadd.s32 @!p0 $0x50, s15  }
0x208: {  	s21 =	simm.s32 @!p0 $0x50;
	[sflag:s30] =	ssyncset.done $0x0;
	s16 =	sadd.s32 @!p0 s19, s15  }
0x209: {  	s22 =	simm.s32 @!p0 $0x5D20;
	[sflag:s30] =	ssyncadd.s32 $0xFFFFF100;
	s16 =	smul.u32 @!p0 $0x6, s16  }
0x20a: {  	[tilespmem:s22], [sflag:$0x2] =	stream.indirect.gather @!p0 [hbm4b:s4+s21], $0x30, s15, s21, $0xb8;
	[tilespmem:$0x1DF60] =	vst v63  }
0x20b: {  	s21 =	simm.s32 @!p0 $0x7B20  }
0x20c: {  	s22 =	simm.s32 $0x0;
	s15 =	sadd.s32 @!p0 s5, s16;
	s16 =	simm.s32 @!p0 $0x0  }
0x20d: {  	[tilespmem:s21], [sflag:$0x2] =	stream.linear.gather @!p0 [hbm4b:s15+s16], $0xF00, $0x38;
	[tilespmem:$0x1DF60] =	vst v63  }
0x20e: {  	v4 =	vld [tilespmem:s22+$0x4E20]  }
0x20f: {  	v5 =	vld [tilespmem:s22+$0x6C20];
	_ =	sdelay $0x4  }
0x210: {  	v6 =	vshll.u32 v4, $0x10;
	v7 =	vshll.u32 v5, $0x10  }
0x211: {  	v4 =	vand.u32 $0xFFFF0000, v4;
	v5 =	vand.u32 $0xFFFF0000, v5;
	v6 =	vadd.f32 v7, v6  }
0x212: {  	v4 =	vadd.f32 v5, v4  }
0x213: {  	s21 =	simm.s32 $0x8A50;
	v5 =	vmax.f32 v6, $0.0e+00  }
0x214: {  	v4 =	vmax.f32 v4, $0.0e+00;
	[tilespmem:s21+$0xFFFFFFD0] =	vst v5  }
0x215: {  	[tilespmem:s21+$0xFFFFFFE0] =	vst v4  }
0x216: {  	v4 =	vld [tilespmem:s22+$0x4E30]  }
0x217: {  	v5 =	vld [tilespmem:s22+$0x6C30];
	_ =	sdelay $0x4  }
0x218: {  	v6 =	vshll.u32 v4, $0x10;
	v7 =	vshll.u32 v5, $0x10  }
0x219: {  	v4 =	vand.u32 $0xFFFF0000, v4;
	v5 =	vand.u32 $0xFFFF0000, v5;
	v6 =	vadd.f32 v7, v6  }
0x21a: {  	v4 =	vadd.f32 v5, v4  }
0x21b: {  	v5 =	vmax.f32 v6, $0.0e+00  }
0x21c: {  	v4 =	vmax.f32 v4, $0.0e+00;
	[tilespmem:s21+$0xFFFFFFF0] =	vst v5  }
0x21d: {  	[tilespmem:s21+$0x0] =	vst v4  }
0x21e: {  	v5 =	vld [tilespmem:s22+$0x4E40]  }
0x21f: {  	s15 =	simm.s32 $0xC0;
	v4 =	vld [tilespmem:s22+$0x6C40];
	s22 =	simm.s32 $0x8A50  }
.LBB2_30:
0x220: {  	_ =	sdelay $0x1  }
0x221: {  	p0 =	sne.s32 s15, $0x3B40  }
0x222: {  	s21 =	sadd.s32 $0x60, s21;
	s16 =	smov.u32 s15;
	s15 =	sadd.s32 $0xC0, s15;
	v6 =	vshll.u32 v5, $0x10;
	v5 =	vand.u32 $0xFFFF0000, v5  }
0x223: {  	v7 =	vshll.u32 v4, $0x10;
	v4 =	vand.u32 $0xFFFF0000, v4  }
0x224: {  	v6 =	vadd.f32 v7, v6;
	v4 =	vadd.f32 v4, v5;
	_ =	sdelay $0x1  }
0x225: {  	v5 =	vmax.f32 v6, $0.0e+00;
	v4 =	vmax.f32 v4, $0.0e+00  }
0x226: {  	[tilespmem:s22+$0x10] =	vst v5  }
0x227: {  	s16 =	sshra.s32 s16, $0x2;
	[tilespmem:s22+$0x20] =	vst v4;
	s22 =	smov.u32 s21  }
0x228: {  	v4 =	vld [tilespmem:s16+$0x4E20]  }
0x229: {  	v5 =	vld [tilespmem:s16+$0x6C20];
	_ =	sdelay $0x3  }
0x22a: {  	v6 =	vshll.u32 v4, $0x10;
	v4 =	vand.u32 $0xFFFF0000, v4  }
0x22b: {  	v7 =	vshll.u32 v5, $0x10;
	v5 =	vand.u32 $0xFFFF0000, v5  }
0x22c: {  	v6 =	vadd.f32 v7, v6;
	v4 =	vadd.f32 v5, v4;
	_ =	sdelay $0x1  }
0x22d: {  	v5 =	vmax.f32 v6, $0.0e+00;
	v4 =	vmax.f32 v4, $0.0e+00  }
0x22e: {  	[tilespmem:s21+$0xFFFFFFD0] =	vst v5  }
0x22f: {  	[tilespmem:s21+$0xFFFFFFE0] =	vst v4  }
0x230: {  	v4 =	vld [tilespmem:s16+$0x4E30]  }
0x231: {  	v5 =	vld [tilespmem:s16+$0x6C30];
	_ =	sdelay $0x3  }
0x232: {  	v6 =	vshll.u32 v4, $0x10;
	v4 =	vand.u32 $0xFFFF0000, v4  }
0x233: {  	v7 =	vshll.u32 v5, $0x10;
	v5 =	vand.u32 $0xFFFF0000, v5  }
0x234: {  	v6 =	vadd.f32 v7, v6;
	v4 =	vadd.f32 v5, v4;
	_ =	sdelay $0x1  }
.Ltmp23:
0x235: {  	v5 =	vmax.f32 v6, $0.0e+00;
	v4 =	vmax.f32 v4, $0.0e+00;
	(pc) =	sbr.rel @p0 .LBB2_30-.Ltmp23, $4  }
0x236: {  	[tilespmem:s21+$0xFFFFFFF0] =	vst v5  }
0x237: {  	[tilespmem:s21+$0x0] =	vst v4  }
0x238: {  	v5 =	vld [tilespmem:s16+$0x4E40]  }
0x239: {  	v4 =	vld [tilespmem:s16+$0x6C40]  }
0x23a: {  	_ =	sdelay $0x3  }
0x23b: {  	v6 =	vshll.u32 v5, $0x10;
	v7 =	vshll.u32 v4, $0x10  }
0x23c: {  	v5 =	vand.u32 $0xFFFF0000, v5;
	v4 =	vand.u32 $0xFFFF0000, v4;
	v6 =	vadd.f32 v7, v6  }
0x23d: {  	s15 =	smul.u32 $0x140, s20;
	v4 =	vadd.f32 v4, v5  }
.Ltmp24:
0x23e: {  	v5 =	vmax.f32 v6, $0.0e+00;
	(pc) =	sbr.rel .LBB2_35-.Ltmp24, $4  }
0x23f: {  	s15 =	sshra.s32 s15, $0x2;
	v4 =	vmax.f32 v4, $0.0e+00;
	[tilespmem:s22+$0x10] =	vst v5  }
0x240: {  	s15 =	sadd.s32 $0x2710, s15;
	[tilespmem:s22+$0x20] =	vst v4  }
0x241: {  	[spmem:s2] =	stream.indirect.scatter.add.f32 [tilespmem:s31], [sflag:$0x4], $0x60, s15, s26, $0xb8;
	[tilespmem:$0x1DF60] =	vst v63  }
0x242: {  	s15 =	simm.s32 $0x4  }
.LBB2_32:
0x243: {  	_ =	swait.ge [sflag:s0], $0xF00  }
0x244: {  	s15 =	smul.u32 $0x50, s20;
	[sflag:s0] =	ssyncset.done $0x0  }
0x245: {  	[sflag:s0] =	ssyncadd.s32 $0xFFFFF100  }
0x246: {  	s15 =	sadd.s32 $0x50, s15;
	_ =	swait.ge [sflag:s0], $0xF00  }
0x247: {  	s16 =	sadd.s32 s19, s15;
	[sflag:s0] =	ssyncset.done $0x0  }
0x248: {  	s16 =	smul.u32 $0x6, s16;
	[sflag:s0] =	ssyncadd.s32 $0xFFFFF100  }
0x249: {  	[tilespmem:s28], [sflag:$0x1] =	stream.indirect.gather [hbm4b:s4+s26], $0x30, s15, s26, $0xb8;
	[tilespmem:$0x1DF60] =	vst v63  }
0x24a: {  	s21 =	simm.s32 $0x0;
	s22 =	simm.s32 $0x0;
	s16 =	sadd.s32 s5, s16  }
0x24b: {  	[tilespmem:s29], [sflag:$0x1] =	stream.linear.gather [hbm4b:s16+s21], $0xF00, $0x38;
	[tilespmem:$0x1DF60] =	vst v63  }
0x24c: {  	v4 =	vld [tilespmem:s22+$0x5D20]  }
0x24d: {  	v5 =	vld [tilespmem:s22+$0x7B20];
	_ =	sdelay $0x4  }
0x24e: {  	v6 =	vshll.u32 v4, $0x10;
	v7 =	vshll.u32 v5, $0x10  }
0x24f: {  	v4 =	vand.u32 $0xFFFF0000, v4;
	v5 =	vand.u32 $0xFFFF0000, v5;
	v6 =	vadd.f32 v7, v6  }
0x250: {  	v4 =	vadd.f32 v5, v4  }
0x251: {  	s21 =	simm.s32 $0xA850;
	v5 =	vmax.f32 v6, $0.0e+00  }
0x252: {  	v4 =	vmax.f32 v4, $0.0e+00;
	[tilespmem:s21+$0xFFFFFFD0] =	vst v5  }
0x253: {  	[tilespmem:s21+$0xFFFFFFE0] =	vst v4  }
0x254: {  	v4 =	vld [tilespmem:s22+$0x5D30]  }
0x255: {  	v5 =	vld [tilespmem:s22+$0x7B30];
	_ =	sdelay $0x4  }
0x256: {  	v6 =	vshll.u32 v4, $0x10;
	v7 =	vshll.u32 v5, $0x10  }
0x257: {  	v4 =	vand.u32 $0xFFFF0000, v4;
	v5 =	vand.u32 $0xFFFF0000, v5;
	v6 =	vadd.f32 v7, v6  }
0x258: {  	v4 =	vadd.f32 v5, v4  }
0x259: {  	v5 =	vmax.f32 v6, $0.0e+00  }
0x25a: {  	v4 =	vmax.f32 v4, $0.0e+00;
	[tilespmem:s21+$0xFFFFFFF0] =	vst v5  }
0x25b: {  	[tilespmem:s21+$0x0] =	vst v4  }
0x25c: {  	v5 =	vld [tilespmem:s22+$0x5D40]  }
0x25d: {  	v4 =	vld [tilespmem:s22+$0x7B40];
	_ =	sdelay $0x1  }
0x25e: {  	s15 =	simm.s32 $0xC0;
	s22 =	simm.s32 $0xA850  }
.LBB2_33:
0x25f: {  	p0 =	sne.s32 s15, $0x3B40  }
0x260: {  	v6 =	vshll.u32 v5, $0x10;
	v5 =	vand.u32 $0xFFFF0000, v5;
	s21 =	sadd.s32 $0x60, s21;
	s16 =	smov.u32 s15;
	s15 =	sadd.s32 $0xC0, s15  }
0x261: {  	v7 =	vshll.u32 v4, $0x10;
	v4 =	vand.u32 $0xFFFF0000, v4  }
0x262: {  	v6 =	vadd.f32 v7, v6;
	v4 =	vadd.f32 v4, v5;
	_ =	sdelay $0x1  }
0x263: {  	v5 =	vmax.f32 v6, $0.0e+00;
	v4 =	vmax.f32 v4, $0.0e+00  }
0x264: {  	[tilespmem:s22+$0x10] =	vst v5  }
0x265: {  	s16 =	sshra.s32 s16, $0x2;
	[tilespmem:s22+$0x20] =	vst v4;
	s22 =	smov.u32 s21  }
0x266: {  	v4 =	vld [tilespmem:s16+$0x5D20]  }
0x267: {  	v5 =	vld [tilespmem:s16+$0x7B20];
	_ =	sdelay $0x3  }
0x268: {  	v6 =	vshll.u32 v4, $0x10;
	v4 =	vand.u32 $0xFFFF0000, v4  }
0x269: {  	v7 =	vshll.u32 v5, $0x10;
	v5 =	vand.u32 $0xFFFF0000, v5  }
0x26a: {  	v6 =	vadd.f32 v7, v6;
	v4 =	vadd.f32 v5, v4;
	_ =	sdelay $0x1  }
0x26b: {  	v5 =	vmax.f32 v6, $0.0e+00;
	v4 =	vmax.f32 v4, $0.0e+00  }
0x26c: {  	[tilespmem:s21+$0xFFFFFFD0] =	vst v5  }
0x26d: {  	[tilespmem:s21+$0xFFFFFFE0] =	vst v4  }
0x26e: {  	v4 =	vld [tilespmem:s16+$0x5D30]  }
0x26f: {  	v5 =	vld [tilespmem:s16+$0x7B30];
	_ =	sdelay $0x3  }
0x270: {  	v6 =	vshll.u32 v4, $0x10;
	v4 =	vand.u32 $0xFFFF0000, v4  }
0x271: {  	v7 =	vshll.u32 v5, $0x10;
	v5 =	vand.u32 $0xFFFF0000, v5  }
0x272: {  	v6 =	vadd.f32 v7, v6;
	v4 =	vadd.f32 v5, v4;
	_ =	sdelay $0x1  }
.Ltmp25:
0x273: {  	v5 =	vmax.f32 v6, $0.0e+00;
	v4 =	vmax.f32 v4, $0.0e+00;
	(pc) =	sbr.rel @p0 .LBB2_33-.Ltmp25, $4  }
0x274: {  	[tilespmem:s21+$0xFFFFFFF0] =	vst v5  }
0x275: {  	[tilespmem:s21+$0x0] =	vst v4  }
0x276: {  	v5 =	vld [tilespmem:s16+$0x5D40]  }
0x277: {  	v4 =	vld [tilespmem:s16+$0x7B40]  }
.Ltmp26:
0x278: {  	_ = 	snop;
	(pc) =	sbr.rel .LBB2_34-.Ltmp26, $1  }
0x279: {  	_ =	sdelay $0x3  }
.LBB2_37:
0x27a: {  	_ =	sfence.sel $0x180000  }
0x27b: {  	[bflag:$0x0] =	sbarrier.arrive $0xFFFF  }
0x27c: {  	_ =	strace $0x9000004D  }
0x27d: {  	s0 =	stileid.u32;
	[bflag:$0x2] =	sbarrier.arrive $0xFFFF  }
0x27e: {  	p0 =	sne.s32 s0, $0x0;
	s0 =	rddreg [dreg:$0x3]  }
0x27f: {  	s0 =	sadd.s32 @!p0 $0x100000, s0  }
0x280: {  	[sflag:s0] =	ssyncadd.tile.s32 @!p0 $0x1;
	_ =	shalt  }
.Lfunc_end2:
_tile_overlayer_lowered:
.L_overlay_start_2:
0x281: {  	(tag) =	ssettag $0x2  }
0x282: {  	s0 =	rddreg [dreg:$0x0];
	s2 =	stileid.u32  }
0x283: {  	s1 =	rddreg [dreg:$0x1];
	p0 =	sne.s32 s2, $0x0  }
0x284: {  	s3 =	rddreg [dreg:$0x2];
	[bflag:$0x3] =	sbarrier.arrive $0xFFFF;
	s2 =	simm.s32 @!p0 $0x1C03  }
0x285: {  	[timem:s3], [sflag:s2] =	dma.local @!p0 [hbm:s0], s1  }
0x286: {  	s0 =	simm.s32 @!p0 $0x3  }
0x287: {  	_ =	swait.ge @!p0 [sflag:s0], s1  }
0x288: {  	s1 =	ssub.s32 @!p0 $0x0, s1;
	[sflag:s0] =	ssyncset.done @!p0 $0x0  }
0x289: {  	[sflag:s0] =	ssyncadd.s32 @!p0 s1  }
0x28a: {  	[bflag:$0x3] =	sbarrier.arrive $0xFFFF  }
0x28b: {  	_ =	shalt  }

// kernel: sparse-core-data-format-call.1.cloned.1.call-start
scs
called_computation.1_lowered:
.L_overlay_start_0:
0x0: {  	s1 =	sld [smem:$0x3FD9]  }
0x1: {  	s2 =	sld [smem:$0x3FFE];
	_ =	sdelay $0x1  }
0x2: {  	s3 =	srdreg.scid  }
0x3: {  	s0 =	sand.u32 $0x1, s3  }
0x4: {  	s17 =	sshll.u32 s0, $0xA;
	s1 =	sadd.s32 s2, s1  }
0x5: {  	s1 =	sadd.s32 s1, s17  }
0x6: {  	[smem:$0x3FBD] =	sst s1  }
0x7: {  	_ = 	snop  }
0x8: {  	(tm) =	ssettm $0x1  }
0x9: {  	s18 =	sld [smem:$0x3FFB];
	_ =	sdelay $0x3  }
0xa: {  	_ =	strace s18  }
0xb: {  	s1 =	sld [smem:$0x3FFC];
	_ =	sdelay $0x3  }
0xc: {  	_ =	strace s1  }
0xd: {  	s1 =	sld [smem:$0x3FFD];
	_ =	sdelay $0x3  }
0xe: {  	_ =	strace s1  }
0xf: {  	_ =	strace $0x8FFFFFFF  }
0x10: {  	s19 =	sld [smem:$0x3FDB];
	_ =	sdelay $0x1  }
0x11: {  	s20 =	simm.s32 $_scs_section_size  }
0x12: {  	s4 =	simm.s32 $_size__tile_overlayer_lowered;
	s5 =	simm.s32 $_tile_overlayer_lowered  }
0x13: {  	s23 =	simm.s32 $0x1BFF;
	s22 =	sshll.u32 s5, $0x1;
	s1 =	sadd.s32 s20, s19  }
0x14: {  	s6 =	simm.s32 $0x0;
	s21 =	sshll.u32 s4, $0x1;
	s4 =	sadd.s32 s22, s1  }
0x15: {  	[timem:s6], [sflag:s23] =	dma.local [hbm:s4], s21  }
0x16: {  	_ =	swait.ge [sflag:s23], s21  }
0x17: {  	s2 =	ssub.s32 $0x0, s21;
	[sflag:s23] =	ssyncset.done $0x0  }
0x18: {  	[sflag:s23] =	ssyncadd.s32 s2;
	_ =	sdelay $0x1  }
0x19: {  	s24 =	simm.s32 $0x1B8B  }
0x1a: {  	_ =	swait.ge [sflag:s24], $0x1  }
0x1b: {  	[sflag:s24] =	ssyncset.done $0x0  }
0x1c: {  	s26 =	simm.s32 $0x1B8E;
	s25 =	sld [smem:$0x3FFE];
	[sflag:s24] =	ssyncadd.s32 $0xFFFFFFFF  }
0x1d: {  	s27 =	simm.s32 $execute0_lowered;
	[smem:$0x3FD2] =	sst s26  }
0x1e: {  	s4 =	sshll.u32 s27, $0x1;
	_ =	strace $0x80000046;
	[dreg:$0x1] =	wrdreg $0xFFFFFFFF  }
0x1f: {  	s28 =	simm.s32 $_size_execute0_lowered;
	s1 =	sadd.s32 s1, s4;
	[dreg:$0x0] =	wrdreg $0x0  }
0x20: {  	s4 =	sshll.u32 s28, $0x1;
	[dreg:$0x2] =	wrdreg s1  }
0x21: {  	[dreg:$0x3] =	wrdreg s4  }
0x22: {  	[dreg:$0x4] =	wrdreg $0xC0  }
0x23: {  	_ =	task [dreg:s6], $0x5FFFF  }
0x24: {  	[dreg:$0x1] =	wrdreg $0xFFFFFFFF  }
0x25: {  	[dreg:$0x0] =	wrdreg $0x60  }
0x26: {  	[dreg:$0x2] =	wrdreg s25  }
0x27: {  	[dreg:$0x3] =	wrdreg $0x9  }
0x28: {  	_ =	task.clear_ibuf [dreg:s6], $0x4FFFF;
	_ =	strace $0x90000046  }
0x29: {  	s29 =	simm.s32 $0x9;
	_ =	strace $0x80000048  }
0x2a: {  	_ =	swait.ge [sflag:s29], $0x1  }
0x2b: {  	[sflag:s29] =	ssyncadd.s32 $0xFFFFFFFF  }
0x2c: {  	_ =	strace $0x90000048  }
0x2d: {  	_ =	sfence  }
0x2e: {  	s30 =	sld [smem:$0x0];
	_ =	sdelay $0x2  }
0x2f: {  	s31 =	sshll.u32 s3, $0xD;
	s3 =	sshrl.u32 s3, $0x2  }
0x30: {  	s2 =	sand.u32 $0x4000, s31;
	s1 =	sadd.s32 s3, s30  }
0x31: {  	s0 =	sor.u32 s2, s0;
	s1 =	sshll.u32 s1, $0x11  }
0x32: {  	s0 =	sor.u32 s1, s0  }
0x33: {  	s0 =	sadd.s32 $0x8F2B, s0  }
0x34: {  	[sflag:s0] =	ssyncadd.remote.s32 $0x1  }
0x35: {  	_ =	sfence.sel $0xFFFF  }
0x36: {  	[dreg:$0x0] =	wrdreg $0xFFFFFFFF;
	(pc) =	sbr.abs _section_cstart, $3  }
0x37: {  	[dreg:$0x1] =	wrdreg $0xFFFFFFFF  }
0x38: {  	_ =	task.clear_ibuf [dreg:s6], $0x2FFFF;
	_ =	strace $0x9FFFFFFF  }
0x39: {  	(tm) =	ssettm $0x7FFFFFFF  }
tec
execute0_lowered:
.L_overlay_start_1:
0x0: {  	(tag) =	ssettag $0x1  }
0x1: {  	s0 =	srdreg.scid  }
0x2: {  	s1 =	sshll.u32 s0, $0x4  }
0x3: {  	s0 =	stileid.u32;
	s1 =	sand.u32 $0x10, s1  }
0x4: {  	s6 =	rddreg [dreg:$0x0];
	s4 =	simm.s32 $0x1;
	s1 =	sor.u32 s0, s1  }
0x5: {  	s7 =	simm.s32 $0x2;
	s14 =	simm.s32 $0x0;
	s2 =	sshll.u32 s1, $0x7  }
0x6: {  	s8 =	simm.s32 $0x138800;
	s15 =	simm.s32 $0x0;
	s3 =	ssub.s32 $0x27100, s2  }
0x7: {  	s9 =	simm.s32 $0x0;
	s10 =	simm.s32 $0x0;
	s31 =	sand.u32 $0xF80, s3  }
0x8: {  	s12 =	simm.s32 $0x0;
	s1 =	rddreg [dreg:$0x1];
	p0 =	sne.s32 s31, $0x0  }
.Ltmp0:
0x9: {  	s5 =	sshrl.u32 s3, $0xC;
	s4 =	simm.s32 @!p0 $0x0;
	(pc) =	sbr.rel .LBB1_1-.Ltmp0, $4  }
0xa: {  	_ =	strace $0x80000047;
	s3 =	simm.s32 $0x1;
	s4 =	sadd.s32 s4, s5  }
0xb: {  	s13 =	simm.s32 $0x0;
	[sflag:s3] =	ssyncpa.u1 $0x0;
	s4 =	smul.u32 $0x6, s4  }
0xc: {  	s11 =	smov.u32 s2;
	[sflag:s7] =	ssyncpa.u1 $0x0;
	p0 =	por $0x0, $0x0  }
0xd: {  	s5 =	sadd.s32 $0x9C6400, s6;
	s6 =	sadd.s32 $0x186C400, s6;
	s7 =	sor.u32 $0x1, s4  }
.LBB1_4:
0xe: {  	s21 =	sshll.u32 s9, $0x3;
	s20 =	sshra.s32 s20, $0x2;
	s22 =	sand.u32 $0x7F, s9  }
0xf: {  	p1 =	sgt.s32 s10, $0x5;
	s29 =	sshra.s32 s10, $0x1F;
	s21 =	sand.u32 $0xFFFFFC00, s21  }
0x10: {  	s25 =	sshra.s32 s9, $0x1F;
	s19 =	sadd.s32 s20, s19;
	s23 =	smulhi.u32 $0xD1B71759, s21  }
0x11: {  	s25 =	sand.u32 s25, s9;
	s20 =	sor.u32 s22, s21;
	s22 =	smov.u32 s10  }
0x12: {  	s22 =	simm.s32 @!p1 $0x5;
	s30 =	smulhi.u32 $0xD1B71759, s20;
	s28 =	sshrl.u32 s23, $0x11  }
0x13: {  	v5 =	vld [tilespmem:s17+$0xFFFFFFD0];
	[tilespmem:s18+$0x2040 ss:$0x81] =	vst.msk $0xffff, v4;
	p1 =	sgt.s32 s9, $0x27080;
	s23 =	sand.u32 s29, s10;
	s24 =	smul.u32 $0x2AAB, s28  }
0x14: {  	v58 =	vld [tilespmem:s17+$0xFFFFFFE0];
	[tilespmem:s18+$0x2850 ss:$0x81] =	vst.msk $0xffff, v3;
	s22 =	ssub.s32 s22, s23;
	s23 =	smov.u32 s9;
	s27 =	sshrl.u32 s30, $0x11  }
0x15: {  	v59 =	vld [tilespmem:s17+$0xFFFFFFF0];
	[tilespmem:s18+$0x3060 ss:$0x81] =	vst.msk $0xffff, v2;
	s30 =	smul.u32 $0x1D4C00, s10;
	s26 =	ssub.s32 $0x6, s22;
	s23 =	simm.s32 @!p1 $0x27080  }
0x16: {  	[tilespmem:s18+$0x0 ss:$0x81] =	vst.msk $0xffff, v1;
	v60 =	vld [tilespmem:s17+$0x0];
	s22 =	sadd.s32 $0xFFFFFFFB, s22;
	s26 =	smul.u32 $0x60, s26;
	s23 =	ssub.s32 s23, s25  }
0x17: {  	v61 =	vld [tilespmem:s17+$0x10];
	[tilespmem:s19+$0x3870 ss:$0x81] =	vst.msk $0xffff, v0;
	p1 =	sgt.s32 s22, $0x0;
	s24 =	sshrl.u32 s24, $0x14;
	s22 =	smul.u32 $0x27100, s27  }
0x18: {  	v62 =	vld [tilespmem:s17+$0x20];
	[tilespmem:s19+$0x810 ss:$0x81] =	vst.msk $0xffff, v5;
	s31 =	sadd.s32 $0xFFFD8F80, s23;
	s18 =	smul.u32 $0x60, s24  }
0x19: {  	v63 =	vld [tilespmem:s17+$0xFFFFFFC0];
	[tilespmem:s19+$0x1020 ss:$0x81] =	vst.msk $0xffff, v58;
	s21 =	sadd.s32 s6, s30;
	s23 =	ssub.s32 $0x27100, s23;
	p2 =	sgt.s32 s31, $0x7F  }
0x1a: {  	[tilespmem:s19+$0x1830 ss:$0x81] =	vst.msk $0xffff, v59;
	s26 =	simm.s32 @p1 $0x0;
	s23 =	simm.s32 @p2 $0x0;
	s28 =	ssub.s32 s28, s18  }
0x1b: {  	[tilespmem:s19+$0x2040 ss:$0x81] =	vst.msk $0xffff, v60;
	s20 =	ssub.s32 s20, s22;
	s29 =	smul.u32 s23, s26;
	s17 =	sand.u32 $0xFFFF, s28  }
0x1c: {  	[tilespmem:s19+$0x2850 ss:$0x81] =	vst.msk $0xffff, v61;
	s22 =	sshrl.u32 s20, $0x3;
	s20 =	sand.u32 $0x7, s20;
	s17 =	smul.u32 $0x4E20, s17  }
0x1d: {  	[tilespmem:s19+$0x3060 ss:$0x81] =	vst.msk $0xffff, v62;
	s21 =	sadd.s32 s22, s21;
	s20 =	sshll.u32 s20, $0x12  }
0x1e: {  	[tilespmem:s19+$0x0 ss:$0x81] =	vst.msk $0xffff, v63;
	s31 =	sor.u32 $0x400, s20;
	s18 =	sand.u32 $0x3FFFFFE0, s29;
	s17 =	sadd.s32 s17, s21  }
0x1f: {  	[hbm4b:s17+s31] =	stream.strided.scatter [tilespmem:s16], [sflag:$0x2], s18, s8, s31, $0x20;
	[tilespmem:$0x10100] =	vst v63  }
.LBB1_5:
0x20: {  	p1 =	slt.u32 s13, $0x2  }
0x21: {  	s17 =	smov.u32 s15;
	p2 =	sgt.s32 @!p1 s15, $0x5;
	s16 =	sshra.s32 @!p1 s15, $0x1F  }
0x22: {  	p3 =	sgt.s32 @!p1 s14, $0x27080;
	s18 =	sshra.s32 @!p1 s14, $0x1F;
	p2 =	por !p2, p1  }
0x23: {  	s15 =	sand.u32 @!p1 s16, s15;
	p3 =	por !p3, p1;
	s16 =	smov.u32 s14  }
0x24: {  	s14 =	sand.u32 @!p1 s18, s14;
	s17 =	simm.s32 @p2 $0x5;
	s16 =	simm.s32 @p3 $0x27080  }
0x25: {  	s15 =	ssub.s32 @!p1 s17, s15;
	s14 =	ssub.s32 @!p1 s16, s14  }
0x26: {  	s16 =	sadd.s32 @!p1 $0xFFFFFFFB, s15;
	s15 =	ssub.s32 @!p1 $0x6, s15;
	s17 =	sadd.s32 @!p1 $0xFFFD8F80, s14  }
0x27: {  	p2 =	sgt.s32 @!p1 s16, $0x0;
	s15 =	smul.u32 @!p1 $0x60, s15;
	p3 =	sgt.s32 @!p1 s17, $0x7F  }
0x28: {  	s14 =	ssub.s32 @!p1 $0x27100, s14;
	p2 =	por !p2, p1;
	p3 =	por !p3, p1  }
0x29: {  	s16 =	sadd.s32 $0x1000, s11;
	s15 =	simm.s32 @!p2 $0x0;
	s14 =	simm.s32 @!p3 $0x0  }
0x2a: {  	p2 =	sgt.s32 s16, $0x270FF;
	s14 =	smul.u32 @!p1 s14, s15;
	s15 =	simm.s32 $0x1  }
0x2b: {  	s15 =	simm.s32 @!p2 $0x0  }
0x2c: {  	s19 =	sadd.s32 s15, s12  }
0x2d: {  	s16 =	smov.u32 @p2 s2;
	p2 =	sgt.s32 s19, $0x5  }
0x2e: {  	s19 =	simm.s32 @p2 $0x0;
	p2 =	sne.s32 s13, s7  }
.Ltmp1:
0x2f: {  	p0 =	por !p0, !p0;
	s17 =	simm.s32 @!p1 $0x2;
	(pc) =	sbr.rel @!p2 .LBB1_6-.Ltmp1, $4  }
0x30: {  	s14 =	sand.u32 @!p1 $0x3FFFFFE0, s14;
	s15 =	smov.u32 s10;
	s10 =	smov.u32 s12  }
0x31: {  	_ =	swait.ge @!p1 [sflag:s17], s14;
	s18 =	ssub.s32 @!p1 $0x0, s14;
	s14 =	smov.u32 s9  }
0x32: {  	s9 =	smov.u32 s11;
	s11 =	smov.u32 s16;
	[sflag:s17] =	ssyncset.done @!p1 $0x0  }
0x33: {  	s13 =	sadd.s32 $0x1, s13;
	[sflag:s17] =	ssyncadd.s32 @!p1 s18;
	s12 =	smov.u32 s19  }
.LBB1_1:
0x34: {  	p1 =	sge.u32 s13, s4  }
0x35: {  	s16 =	sand.u32 @!p1 $0x1FFFFFF, s11  }
0x36: {  	s17 =	smulhi.u32 @!p1 $0x1A36E2F, s16;
	_ =	sdelay $0x1  }
0x37: {  	s17 =	sshrl.u32 @!p1 s17, $0xA  }
0x38: {  	s17 =	smul.u32 @!p1 $0x27100, s17  }
0x39: {  	s18 =	smul.u32 @!p1 $0x271000, s12  }
0x3a: {  	s31 =	sadd.s32 $0xFFFFFFFF, s13;
	s16 =	ssub.s32 @!p1 s16, s17;
	s17 =	sxor.u32 @!p1 $0xFFFFFFFF, s13  }
0x3b: {  	s18 =	sadd.s32 @!p1 s5, s18;
	s17 =	sshll.u32 @!p1 s17, $0xE;
	s16 =	sshll.u32 @!p1 s16, $0x4  }
0x3c: {  	s17 =	sand.u32 @!p1 $0x4000, s17;
	s16 =	sadd.s32 @!p1 s16, s18;
	s18 =	simm.s32 @!p1 $0x0  }
0x3d: {  	[tilespmem:s17], [sflag:$0x1] =	stream.linear.gather @!p1 [hbm4b:s16+s18], $0x4000, $0x38;
	[tilespmem:$0x10100] =	vst v63  }
0x3e: {  	p1 =	sge.u32 s31, s4  }
.Ltmp2:
0x3f: {  	_ = 	snop;
	(pc) =	sbr.rel @p1 .LBB1_5-.Ltmp2, $1  }
0x40: {  	_ =	sdelay $0x3  }
0x41: {  	s16 =	simm.s32 $0x1  }
0x42: {  	_ =	swait.ge [sflag:s3], $0x4000;
	s16 =	simm.s32 @!p0 $0x0  }
0x43: {  	[sflag:s3] =	ssyncset.done $0x0;
	s17 =	sshll.u32 s16, $0xE  }
0x44: {  	[sflag:s3] =	ssyncadd.s32 $0xFFFFC000;
	s17 =	sor.u32 $0x40, s17  }
0x45: {  	s16 =	smul.u32 $0x10200, s16;
	v0 =	vld [tilespmem:s17+$0x30]  }
0x46: {  	v1 =	vld [tilespmem:s17+$0xFFFFFFD0]  }
0x47: {  	s16 =	sshrl.u32 s16, $0x2;
	v5 =	vld [tilespmem:s17+$0xFFFFFFE0]  }
0x48: {  	v6 =	vld [tilespmem:s17+$0xFFFFFFF0];
	s19 =	sor.u32 $0x8000, s16  }
0x49: {  	s31 =	sand.u32 $0x1, s13;
	v4 =	vld [tilespmem:s17+$0x0];
	s18 =	sadd.s32 $0x0, s19  }
0x4a: {  	v3 =	vld [tilespmem:s17+$0x10];
	s16 =	smul.u32 $0x10200, s31;
	[tilespmem:s18+$0x3870 ss:$0x81] =	vst.msk $0xffff, v0  }
0x4b: {  	v2 =	vld [tilespmem:s17+$0x20];
	[tilespmem:s18+$0x810 ss:$0x81] =	vst.msk $0xffff, v1  }
0x4c: {  	s16 =	sshrl.u32 s16, $0x2;
	v1 =	vld [tilespmem:s17+$0xFFFFFFC0];
	[tilespmem:s18+$0x1020 ss:$0x81] =	vst.msk $0xffff, v5;
	s17 =	sadd.s32 $0x80, s17  }
0x4d: {  	s20 =	simm.s32 $0x4;
	s21 =	simm.s32 $0x8;
	s16 =	sor.u32 $0x8000, s16;
	[tilespmem:s18+$0x1830 ss:$0x81] =	vst.msk $0xffff, v6;
	v0 =	vld [tilespmem:s17+$0x30]  }
.LBB1_3:
0x4e: {  	p1 =	sne.s32 s21, $0x1FC;
	v5 =	vld [tilespmem:s17+$0xFFFFFFD0];
	[tilespmem:s18+$0x2040 ss:$0x81] =	vst.msk $0xffff, v4  }
0x4f: {  	v6 =	vld [tilespmem:s17+$0xFFFFFFE0];
	[tilespmem:s18+$0x2850 ss:$0x81] =	vst.msk $0xffff, v3  }
0x50: {  	s22 =	sshra.s32 s20, $0x2;
	s20 =	smov.u32 s21;
	v7 =	vld [tilespmem:s17+$0xFFFFFFF0];
	[tilespmem:s18+$0x3060 ss:$0x81] =	vst.msk $0xffff, v2  }
.Ltmp3:
0x51: {  	v4 =	vld [tilespmem:s17+$0x0];
	[tilespmem:s18+$0x0 ss:$0x81] =	vst.msk $0xffff, v1;
	s18 =	sadd.s32 s22, s19;
	(pc) =	sbr.rel @p1 .LBB1_3-.Ltmp3, $4  }
0x52: {  	v3 =	vld [tilespmem:s17+$0x10];
	[tilespmem:s18+$0x3870 ss:$0x81] =	vst.msk $0xffff, v0  }
0x53: {  	[tilespmem:s18+$0x810 ss:$0x81] =	vst.msk $0xffff, v5;
	v2 =	vld [tilespmem:s17+$0x20]  }
0x54: {  	v1 =	vld [tilespmem:s17+$0xFFFFFFC0];
	[tilespmem:s18+$0x1020 ss:$0x81] =	vst.msk $0xffff, v6;
	s17 =	sadd.s32 $0x80, s17  }
0x55: {  	s21 =	sadd.s32 $0x4, s21;
	v0 =	vld [tilespmem:s17+$0x30];
	[tilespmem:s18+$0x1830 ss:$0x81] =	vst.msk $0xffff, v7  }
.Ltmp4:
0x56: {  	_ = 	snop;
	(pc) =	sbr.rel .LBB1_4-.Ltmp4, $1  }
0x57: {  	_ =	sdelay $0x3  }
.LBB1_6:
0x58: {  	_ =	sfence.sel $0x180000  }
0x59: {  	s2 =	simm.s32 $0x1;
	[bflag:$0x0] =	sbarrier.arrive $0xFFFF  }
0x5a: {  	s31 =	simm.s32 $0x2;
	[sflag:s2] =	ssyncpa.u1 $0x1  }
0x5b: {  	[sflag:s31] =	ssyncpa.u1 $0x1  }
0x5c: {  	p0 =	sne.s32 s0, $0x0;
	_ =	strace $0x90000047  }
0x5d: {  	s0 =	sadd.s32 @!p0 $0x100000, s1;
	[bflag:$0x2] =	sbarrier.arrive $0xFFFF  }
0x5e: {  	[sflag:s0] =	ssyncadd.tile.s32 @!p0 $0x1;
	_ =	shalt  }
.Lfunc_end1:
_tile_overlayer_lowered:
.L_overlay_start_2:
0x5f: {  	(tag) =	ssettag $0x2  }
0x60: {  	s0 =	rddreg [dreg:$0x0];
	s2 =	stileid.u32  }
0x61: {  	s1 =	rddreg [dreg:$0x1];
	p0 =	sne.s32 s2, $0x0  }
0x62: {  	s3 =	rddreg [dreg:$0x2];
	[bflag:$0x3] =	sbarrier.arrive $0xFFFF;
	s2 =	simm.s32 @!p0 $0x1C01  }
0x63: {  	[timem:s3], [sflag:s2] =	dma.local @!p0 [hbm:s0], s1  }
0x64: {  	s0 =	simm.s32 @!p0 $0x1  }
0x65: {  	_ =	swait.ge @!p0 [sflag:s0], s1  }
0x66: {  	s1 =	ssub.s32 @!p0 $0x0, s1;
	[sflag:s0] =	ssyncset.done @!p0 $0x0  }
0x67: {  	[sflag:s0] =	ssyncadd.s32 @!p0 s1  }
0x68: {  	[bflag:$0x3] =	sbarrier.arrive $0xFFFF  }
0x69: {  	_ =	shalt  }

// kernel: sparse-core-data-format-call.cloned.1.call-start
scs
called_computation_lowered:
.L_overlay_start_0:
0x0: {  	s1 =	sld [smem:$0x3FD9]  }
0x1: {  	s2 =	sld [smem:$0x3FFE];
	_ =	sdelay $0x1  }
0x2: {  	s3 =	srdreg.scid  }
0x3: {  	s0 =	sand.u32 $0x1, s3  }
0x4: {  	s17 =	sshll.u32 s0, $0xA;
	s1 =	sadd.s32 s2, s1  }
0x5: {  	s1 =	sadd.s32 s1, s17  }
0x6: {  	[smem:$0x3FBD] =	sst s1  }
0x7: {  	_ = 	snop  }
0x8: {  	(tm) =	ssettm $0x1  }
0x9: {  	s18 =	sld [smem:$0x3FFB];
	_ =	sdelay $0x3  }
0xa: {  	_ =	strace s18  }
0xb: {  	s1 =	sld [smem:$0x3FFC];
	_ =	sdelay $0x3  }
0xc: {  	_ =	strace s1  }
0xd: {  	s1 =	sld [smem:$0x3FFD];
	_ =	sdelay $0x3  }
0xe: {  	_ =	strace s1  }
0xf: {  	_ =	strace $0x8FFFFFFF  }
0x10: {  	s19 =	sld [smem:$0x3FDB];
	_ =	sdelay $0x1  }
0x11: {  	s20 =	simm.s32 $_scs_section_size  }
0x12: {  	s4 =	simm.s32 $_size__tile_overlayer_lowered;
	s5 =	simm.s32 $_tile_overlayer_lowered  }
0x13: {  	s23 =	simm.s32 $0x1BFF;
	s22 =	sshll.u32 s5, $0x1;
	s1 =	sadd.s32 s20, s19  }
0x14: {  	s6 =	simm.s32 $0x0;
	s21 =	sshll.u32 s4, $0x1;
	s4 =	sadd.s32 s22, s1  }
0x15: {  	[timem:s6], [sflag:s23] =	dma.local [hbm:s4], s21  }
0x16: {  	_ =	swait.ge [sflag:s23], s21  }
0x17: {  	s2 =	ssub.s32 $0x0, s21;
	[sflag:s23] =	ssyncset.done $0x0  }
0x18: {  	[sflag:s23] =	ssyncadd.s32 s2;
	_ =	sdelay $0x1  }
0x19: {  	s24 =	simm.s32 $0x1B8B  }
0x1a: {  	_ =	swait.ge [sflag:s24], $0x1  }
0x1b: {  	[sflag:s24] =	ssyncset.done $0x0  }
0x1c: {  	s26 =	simm.s32 $0x1B8E;
	s25 =	sld [smem:$0x3FFE];
	[sflag:s24] =	ssyncadd.s32 $0xFFFFFFFF  }
0x1d: {  	s27 =	simm.s32 $execute0_lowered;
	[smem:$0x3FD2] =	sst s26  }
0x1e: {  	s4 =	sshll.u32 s27, $0x1;
	_ =	strace $0x80000049;
	[dreg:$0x1] =	wrdreg $0xFFFFFFFF  }
0x1f: {  	s28 =	simm.s32 $_size_execute0_lowered;
	s1 =	sadd.s32 s1, s4;
	[dreg:$0x0] =	wrdreg $0x0  }
0x20: {  	s4 =	sshll.u32 s28, $0x1;
	[dreg:$0x2] =	wrdreg s1  }
0x21: {  	[dreg:$0x3] =	wrdreg s4  }
0x22: {  	[dreg:$0x4] =	wrdreg $0xC0  }
0x23: {  	_ =	task [dreg:s6], $0x5FFFF  }
0x24: {  	[dreg:$0x1] =	wrdreg $0xFFFFFFFF  }
0x25: {  	[dreg:$0x0] =	wrdreg $0x60  }
0x26: {  	[dreg:$0x2] =	wrdreg s25  }
0x27: {  	[dreg:$0x3] =	wrdreg $0x9  }
0x28: {  	_ =	task.clear_ibuf [dreg:s6], $0x4FFFF;
	_ =	strace $0x90000049  }
0x29: {  	s29 =	simm.s32 $0x9;
	_ =	strace $0x8000004B  }
0x2a: {  	_ =	swait.ge [sflag:s29], $0x1  }
0x2b: {  	[sflag:s29] =	ssyncadd.s32 $0xFFFFFFFF  }
0x2c: {  	_ =	strace $0x9000004B  }
0x2d: {  	_ =	sfence  }
0x2e: {  	s30 =	sld [smem:$0x0];
	_ =	sdelay $0x2  }
0x2f: {  	s31 =	sshll.u32 s3, $0xD;
	s3 =	sshrl.u32 s3, $0x2  }
0x30: {  	s2 =	sand.u32 $0x4000, s31;
	s1 =	sadd.s32 s3, s30  }
0x31: {  	s0 =	sor.u32 s2, s0;
	s1 =	sshll.u32 s1, $0x11  }
0x32: {  	s0 =	sor.u32 s1, s0  }
0x33: {  	s0 =	sadd.s32 $0x8F2B, s0  }
0x34: {  	[sflag:s0] =	ssyncadd.remote.s32 $0x1  }
0x35: {  	_ =	sfence.sel $0xFFFF  }
0x36: {  	[dreg:$0x0] =	wrdreg $0xFFFFFFFF;
	(pc) =	sbr.abs _section_cstart, $3  }
0x37: {  	[dreg:$0x1] =	wrdreg $0xFFFFFFFF  }
0x38: {  	_ =	task.clear_ibuf [dreg:s6], $0x2FFFF;
	_ =	strace $0x9FFFFFFF  }
0x39: {  	(tm) =	ssettm $0x7FFFFFFF  }
tec
execute0_lowered:
.L_overlay_start_1:
0x0: {  	(tag) =	ssettag $0x1  }
0x1: {  	s0 =	srdreg.scid  }
0x2: {  	s1 =	sshll.u32 s0, $0x4  }
0x3: {  	s6 =	rddreg [dreg:$0x0];
	s0 =	stileid.u32;
	s1 =	sand.u32 $0x10, s1  }
0x4: {  	s7 =	simm.s32 $0x2;
	s16 =	simm.s32 $0x0;
	s1 =	sor.u32 s0, s1  }
0x5: {  	s8 =	simm.s32 $0x138800;
	s9 =	simm.s32 $0x80;
	s2 =	sshll.u32 s1, $0x8  }
0x6: {  	s14 =	simm.s32 $0x0;
	s15 =	simm.s32 $0x0;
	s1 =	ssub.s32 $0x27100, s2  }
0x7: {  	s11 =	simm.s32 $0x0;
	s12 =	simm.s32 $0x0;
	s3 =	sand.u32 $0x1F00, s1  }
0x8: {  	s13 =	simm.s32 $0x0;
	p0 =	sne.s32 s3, $0x0;
	s3 =	simm.s32 $0x1  }
.Ltmp0:
0x9: {  	s4 =	sshrl.u32 s1, $0xD;
	s3 =	simm.s32 @!p0 $0x0;
	(pc) =	sbr.rel .LBB1_1-.Ltmp0, $4  }
0xa: {  	s5 =	sadd.s32 $0x2400, s6;
	s1 =	rddreg [dreg:$0x1];
	s4 =	sadd.s32 s3, s4  }
0xb: {  	_ =	strace $0x8000004A;
	s3 =	simm.s32 $0x1;
	s4 =	smul.u32 $0x6, s4  }
0xc: {  	s6 =	sadd.s32 $0x580800, s6;
	s10 =	smov.u32 s2;
	[sflag:s3] =	ssyncpa.u1 $0x0  }
0xd: {  	p0 =	por $0x0, $0x0;
	[sflag:s7] =	ssyncpa.u1 $0x0;
	s7 =	sor.u32 $0x1, s4  }
.LBB1_6:
0xe: {  	_ =	sdelay $0x3  }
0xf: {  	s24 =	sor.u32 s27, s26;
	v47 =	vld.idx.msk [tilespmem:v0+s19+$0x470 ss:$0x1], $0xffff  }
0x10: {  	v57 =	vld.idx.msk [tilespmem:v0+s24+$0x410 ss:$0x1], $0xffff  }
0x11: {  	[tilespmem:s21+$0x1860 ss:$0x41] =	vst.msk $0xffff, v8;
	v58 =	vld.idx.msk [tilespmem:v0+s24+$0x420 ss:$0x1], $0xffff  }
0x12: {  	[tilespmem:s21+$0x1C70 ss:$0x41] =	vst.msk $0xffff, v7;
	v59 =	vld.idx.msk [tilespmem:v0+s24+$0x430 ss:$0x1], $0xffff  }
0x13: {  	[tilespmem:s21+$0x2490 ss:$0x41] =	vst.msk $0xffff, v1;
	v60 =	vld.idx.msk [tilespmem:v0+s24+$0x440 ss:$0x1], $0xffff  }
0x14: {  	[tilespmem:s21+$0x28A0 ss:$0x41] =	vst.msk $0xffff, v2;
	s25 =	sand.u32 $0x3B00, s24;
	v61 =	vld.idx.msk [tilespmem:v0+s24+$0x450 ss:$0x1], $0xffff  }
0x15: {  	s23 =	sand.u32 $0x80, s23;
	[tilespmem:s21+$0x2CB0 ss:$0x41] =	vst.msk $0xffff, v3;
	v62 =	vld.idx.msk [tilespmem:v0+s24+$0x460 ss:$0x1], $0xffff;
	s18 =	sadd.s32 s25, s18  }
0x16: {  	[tilespmem:s21+$0x30C0 ss:$0x41] =	vst.msk $0xffff, v4;
	v63 =	vld.idx.msk [tilespmem:v0+s24+$0x470 ss:$0x1], $0xffff;
	s18 =	sadd.s32 s23, s18  }
0x17: {  	[tilespmem:s21+$0x34D0 ss:$0x41] =	vst.msk $0xffff, v5;
	v48 =	vld [tilespmem:s18+$0x400]  }
0x18: {  	s26 =	sshra.s32 s22, $0x2;
	[tilespmem:s21+$0x38E0 ss:$0x41] =	vst.msk $0xffff, v6;
	v49 =	vld [tilespmem:s18+$0x0]  }
0x19: {  	s19 =	sadd.s32 s26, s20;
	v50 =	vld [tilespmem:s18+$0x10];
	[tilespmem:s21+$0x3CF0 ss:$0x41] =	vst.msk $0xffff, v47  }
0x1a: {  	v51 =	vld [tilespmem:s18+$0x20];
	[tilespmem:s19+$0x2490 ss:$0x41] =	vst.msk $0xffff, v57  }
0x1b: {  	v52 =	vld [tilespmem:s18+$0x30];
	[tilespmem:s19+$0x28A0 ss:$0x41] =	vst.msk $0xffff, v58  }
0x1c: {  	v53 =	vld [tilespmem:s18+$0x40];
	[tilespmem:s19+$0x2CB0 ss:$0x41] =	vst.msk $0xffff, v59  }
0x1d: {  	s16 =	sshll.u32 s16, $0x7;
	s27 =	sshll.u32 s14, $0x3;
	v54 =	vld [tilespmem:s18+$0x50];
	[tilespmem:s19+$0x30C0 ss:$0x41] =	vst.msk $0xffff, v60  }
0x1e: {  	s28 =	sand.u32 $0xFFFFFC00, s16;
	s20 =	sand.u32 $0xFFFFFC00, s27;
	v55 =	vld [tilespmem:s18+$0x60];
	[tilespmem:s19+$0x34D0 ss:$0x41] =	vst.msk $0xffff, v61  }
0x1f: {  	s16 =	sand.u32 $0x380, s16;
	v56 =	vld [tilespmem:s18+$0x70];
	s18 =	sadd.s32 s20, s28;
	[tilespmem:s19+$0x38E0 ss:$0x41] =	vst.msk $0xffff, v62  }
0x20: {  	s16 =	sor.u32 s16, s18;
	[tilespmem:s19+$0x3CF0 ss:$0x41] =	vst.msk $0xffff, v63  }
0x21: {  	s16 =	sshrl.u32 s16, $0x7;
	[tilespmem:s19+$0x2080 ss:$0x41] =	vst.msk $0xffff, v48  }
0x22: {  	s29 =	smulhi.u32 $0x1A36E2F, s16;
	[tilespmem:s19+$0x0 ss:$0x41] =	vst.msk $0xffff, v49  }
0x23: {  	[tilespmem:s19+$0x410 ss:$0x41] =	vst.msk $0xffff, v50  }
0x24: {  	s15 =	smul.u32 $0x271000, s15;
	[tilespmem:s19+$0x820 ss:$0x41] =	vst.msk $0xffff, v51;
	s18 =	sshrl.u32 s29, $0xA  }
0x25: {  	[tilespmem:s19+$0xC30 ss:$0x41] =	vst.msk $0xffff, v52;
	s18 =	smul.u32 $0x27100, s18  }
0x26: {  	s30 =	sshrl.u32 s14, $0x3;
	s31 =	sand.u32 $0x7, s14;
	[tilespmem:s19+$0x1040 ss:$0x41] =	vst.msk $0xffff, v53  }
0x27: {  	s15 =	sadd.s32 s6, s15;
	[tilespmem:s19+$0x1450 ss:$0x41] =	vst.msk $0xffff, v54;
	s16 =	ssub.s32 s16, s18;
	s18 =	sand.u32 $0xF, s30  }
0x28: {  	s14 =	sshll.u32 s31, $0x12;
	[tilespmem:s19+$0x1860 ss:$0x41] =	vst.msk $0xffff, v55;
	s16 =	sshll.u32 s16, $0x4;
	s15 =	sadd.s32 s18, s15  }
0x29: {  	s14 =	sor.u32 $0x40, s14;
	[tilespmem:s19+$0x1C70 ss:$0x41] =	vst.msk $0xffff, v56;
	s15 =	sadd.s32 s16, s15  }
0x2a: {  	[hbm4b:s15+s14] =	stream.strided.scatter [tilespmem:s17], [sflag:$0x2], $0x4000, s9, s14, $0x18;
	[tilespmem:$0x10200] =	vst v63  }
.LBB1_7:
0x2b: {  	s17 =	sadd.s32 $0x2000, s10  }
0x2c: {  	s14 =	sadd.s32 $0x40, s11;
	s18 =	smov.u32 s11;
	p2 =	sgt.s32 s17, $0x270FF  }
0x2d: {  	s18 =	smov.u32 @p2 s14  }
0x2e: {  	s14 =	simm.s32 $0x1;
	p3 =	sgt.s32 s18, $0x2F  }
0x2f: {  	s14 =	simm.s32 @!p3 $0x0  }
0x30: {  	s20 =	sadd.s32 s14, s12  }
0x31: {  	s17 =	smov.u32 @p2 s2;
	p2 =	sgt.s32 s20, $0x5  }
0x32: {  	p1 =	slt.u32 s13, $0x2;
	s20 =	simm.s32 @p2 $0x0;
	p2 =	sne.s32 s13, s7  }
.Ltmp1:
0x33: {  	s19 =	simm.s32 @!p1 $0x2;
	(pc) =	sbr.rel @!p2 .LBB1_8-.Ltmp1, $4  }
0x34: {  	s16 =	smov.u32 s10;
	s15 =	smov.u32 s12;
	_ =	swait.ge @!p1 [sflag:s19], $0x4000  }
0x35: {  	p0 =	por !p0, !p0;
	[sflag:s19] =	ssyncset.done @!p1 $0x0;
	s10 =	smov.u32 s17  }
0x36: {  	s18 =	simm.s32 @p3 $0x0;
	[sflag:s19] =	ssyncadd.s32 @!p1 $0xFFFFC000;
	s14 =	smov.u32 s11  }
0x37: {  	s11 =	smov.u32 s18;
	s13 =	sadd.s32 $0x1, s13;
	s12 =	smov.u32 s20  }
.LBB1_1:
0x38: {  	p1 =	sge.u32 s13, s4  }
.Ltmp2:
0x39: {  	_ = 	snop;
	(pc) =	sbr.rel @p1 .LBB1_3-.Ltmp2, $1  }
0x3a: {  	_ =	sdelay $0x3  }
0x3b: {  	s17 =	sshrl.u32 s11, $0x3;
	s18 =	sshll.u32 s10, $0x3;
	s28 =	sshll.u32 s11, $0x7  }
0x3c: {  	p1 =	sgt.s32 s12, $0x5;
	s19 =	smov.u32 s12;
	s20 =	sshra.s32 s12, $0x1F  }
0x3d: {  	s30 =	sand.u32 $0x7F, s10;
	s25 =	sshra.s32 s11, $0x1F;
	s17 =	smul.u32 $0x138800, s17  }
0x3e: {  	s23 =	sshra.s32 s10, $0x1F;
	s18 =	sand.u32 $0xFFFFFC00, s18;
	s19 =	simm.s32 @!p1 $0x5  }
0x3f: {  	s29 =	sand.u32 s20, s12;
	s17 =	sadd.s32 s17, s18;
	s18 =	sand.u32 $0x380, s28  }
0x40: {  	s23 =	sand.u32 s23, s10;
	s17 =	sor.u32 s18, s17;
	s18 =	ssub.s32 s19, s29  }
0x41: {  	s21 =	smulhi.u32 $0xD1B71759, s17;
	s17 =	sor.u32 s30, s17;
	s19 =	sadd.s32 $0xFFFFFFFB, s18  }
0x42: {  	s18 =	ssub.s32 $0x6, s18;
	p1 =	sgt.s32 s19, $0x0;
	s19 =	smov.u32 s11  }
0x43: {  	s26 =	smulhi.u32 $0xD1B71759, s17;
	s18 =	simm.s32 @p1 $0x0;
	p1 =	sgt.s32 s11, $0xFFFFFFF0  }
0x44: {  	s31 =	sshrl.u32 s21, $0x11;
	s21 =	sand.u32 s25, s11;
	s19 =	simm.s32 @!p1 $0xFFFFFFF0  }
0x45: {  	s22 =	smul.u32 $0x2AAB, s31;
	p1 =	sgt.s32 s10, $0x27000;
	s19 =	ssub.s32 s19, s21  }
0x46: {  	s29 =	sshrl.u32 s26, $0x11;
	s21 =	smov.u32 s10;
	s24 =	sadd.s32 $0x10, s19  }
0x47: {  	s21 =	simm.s32 @!p1 $0x27000;
	s19 =	ssub.s32 $0x30, s19;
	p1 =	sgt.s32 s24, $0x3F  }
0x48: {  	s28 =	sshrl.u32 s22, $0x13;
	s22 =	smul.u32 $0x27100, s29;
	s19 =	simm.s32 @p1 $0x0  }
0x49: {  	s30 =	sxor.u32 $0xFFFFFFFF, s13;
	s21 =	ssub.s32 s21, s23;
	s18 =	smul.u32 s18, s19  }
0x4a: {  	s20 =	sshll.u32 s30, $0xE;
	s27 =	sadd.s32 $0xFFFD9000, s21;
	s19 =	smul.u32 $0x30, s28  }
0x4b: {  	s21 =	ssub.s32 $0x27100, s21;
	s17 =	ssub.s32 s17, s22;
	p1 =	sgt.s32 s27, $0xFF  }
0x4c: {  	s21 =	simm.s32 @p1 $0x0;
	s19 =	ssub.s32 s31, s19;
	s31 =	smul.u32 $0xEA600, s12  }
0x4d: {  	s22 =	sshrl.u32 s17, $0x3;
	s18 =	smul.u32 s21, s18;
	s19 =	sand.u32 $0xFFFF, s19  }
0x4e: {  	s17 =	sand.u32 $0x7, s17;
	s19 =	smul.u32 $0x4E20, s19;
	s21 =	sadd.s32 s5, s31  }
0x4f: {  	s20 =	sand.u32 $0x4000, s20;
	s17 =	sshll.u32 s17, $0x12;
	s21 =	sadd.s32 s22, s21  }
0x50: {  	s17 =	sor.u32 $0x800, s17;
	s18 =	sand.u32 $0x3FFFFFFF, s18;
	s19 =	sadd.s32 s19, s21  }
0x51: {  	[tilespmem:s20], [sflag:$0x1] =	stream.strided.gather [hbm4b:s19+s17], s18, s8, s17, $0x38;
	[tilespmem:$0x10200] =	vst v63  }
.LBB1_3:
0x52: {  	s17 =	sadd.s32 $0xFFFFFFFF, s13  }
0x53: {  	p1 =	sge.u32 s17, s4  }
.Ltmp3:
0x54: {  	_ = 	snop;
	(pc) =	sbr.rel @p1 .LBB1_7-.Ltmp3, $1  }
0x55: {  	_ =	sdelay $0x3  }
0x56: {  	p1 =	sgt.s32 s15, $0x5;
	s17 =	smov.u32 s15;
	s18 =	sshra.s32 s15, $0x1F  }
0x57: {  	s17 =	simm.s32 @!p1 $0x5;
	s18 =	sand.u32 s18, s15  }
0x58: {  	s17 =	ssub.s32 s17, s18  }
0x59: {  	p2 =	sgt.s32 s14, $0xFFFFFFF0;
	s19 =	sshra.s32 s14, $0x1F;
	s18 =	sadd.s32 $0xFFFFFFFB, s17  }
0x5a: {  	s20 =	sshra.s32 s16, $0x1F;
	p1 =	sgt.s32 s18, $0x0;
	s18 =	smov.u32 s14  }
0x5b: {  	s19 =	sand.u32 s19, s14;
	s20 =	sand.u32 s20, s16;
	s18 =	simm.s32 @!p2 $0xFFFFFFF0  }
0x5c: {  	p2 =	sgt.s32 s16, $0x27000;
	s18 =	ssub.s32 s18, s19;
	s19 =	smov.u32 s16  }
0x5d: {  	s17 =	ssub.s32 $0x6, s17;
	s21 =	sadd.s32 $0x10, s18;
	s19 =	simm.s32 @!p2 $0x27000  }
0x5e: {  	s18 =	ssub.s32 $0x30, s18;
	p2 =	sgt.s32 s21, $0x3F;
	s19 =	ssub.s32 s19, s20  }
0x5f: {  	s17 =	simm.s32 @p1 $0x0;
	s18 =	simm.s32 @p2 $0x0;
	s20 =	sadd.s32 $0xFFFD9000, s19  }
0x60: {  	s17 =	smul.u32 s17, s18;
	p1 =	sgt.s32 s20, $0xFF;
	s18 =	ssub.s32 $0x27100, s19  }
0x61: {  	s22 =	sand.u32 $0x1, s13;
	s18 =	simm.s32 @p1 $0x0  }
0x62: {  	s17 =	smul.u32 s18, s17;
	s18 =	sshll.u32 s22, $0xE  }
0x63: {  	v0 =	vmov s18  }
0x64: {  	s28 =	simm.s32 $0x0;
	s17 =	sand.u32 $0x3FFFFFFF, s17  }
0x65: {  	s29 =	sand.u32 $0x3800, s28;
	_ =	swait.ge [sflag:s3], s17  }
0x66: {  	s30 =	sand.u32 $0x380, s28;
	s26 =	ssub.s32 $0x0, s17;
	[sflag:s3] =	ssyncset.done $0x0  }
0x67: {  	s19 =	sor.u32 s30, s29;
	[sflag:s3] =	ssyncadd.s32 s26  }
0x68: {  	s20 =	sand.u32 $0x3B00, s19;
	v1 =	vld.idx.msk [tilespmem:v0+s19+$0x410 ss:$0x1], $0xffff  }
0x69: {  	s21 =	simm.s32 $0x1;
	s20 =	sadd.s32 s20, s18;
	s17 =	sand.u32 $0x80, s28;
	v2 =	vld.idx.msk [tilespmem:v0+s19+$0x420 ss:$0x1], $0xffff  }
0x6a: {  	s21 =	simm.s32 @!p0 $0x0;
	s17 =	sadd.s32 s17, s20;
	v3 =	vld.idx.msk [tilespmem:v0+s19+$0x430 ss:$0x1], $0xffff  }
0x6b: {  	s31 =	smul.u32 $0x10400, s21;
	v4 =	vld [tilespmem:s17+$0x400]  }
0x6c: {  	v5 =	vld [tilespmem:s17+$0x0]  }
0x6d: {  	s20 =	sshrl.u32 s31, $0x2;
	v6 =	vld [tilespmem:s17+$0x10]  }
0x6e: {  	s20 =	sor.u32 $0x8000, s20;
	v7 =	vld [tilespmem:s17+$0x20]  }
0x6f: {  	s21 =	sadd.s32 $0x0, s20;
	v9 =	vld [tilespmem:s17+$0x30]  }
0x70: {  	v10 =	vld [tilespmem:s17+$0x40];
	[tilespmem:s21+$0x2080 ss:$0x41] =	vst.msk $0xffff, v4  }
0x71: {  	v11 =	vld [tilespmem:s17+$0x50];
	[tilespmem:s21+$0x0 ss:$0x41] =	vst.msk $0xffff, v5  }
0x72: {  	v8 =	vld [tilespmem:s17+$0x60];
	[tilespmem:s21+$0x410 ss:$0x41] =	vst.msk $0xffff, v6  }
0x73: {  	s22 =	smul.u32 $0x10400, s22;
	[tilespmem:s21+$0x820 ss:$0x41] =	vst.msk $0xffff, v7;
	v7 =	vld [tilespmem:s17+$0x70]  }
0x74: {  	s23 =	simm.s32 $0x80;
	s24 =	simm.s32 $0x100;
	[tilespmem:s21+$0xC30 ss:$0x41] =	vst.msk $0xffff, v9;
	v4 =	vld.idx.msk [tilespmem:v0+s19+$0x440 ss:$0x1], $0xffff  }
0x75: {  	s25 =	simm.s32 $0x8;
	s27 =	sand.u32 $0x380, s23;
	s22 =	sshrl.u32 s22, $0x2;
	[tilespmem:s21+$0x1040 ss:$0x41] =	vst.msk $0xffff, v10;
	v5 =	vld.idx.msk [tilespmem:v0+s19+$0x450 ss:$0x1], $0xffff  }
0x76: {  	s26 =	sand.u32 $0x3800, s24;
	s17 =	sor.u32 $0x8000, s22;
	s22 =	simm.s32 $0x4;
	[tilespmem:s21+$0x1450 ss:$0x41] =	vst.msk $0xffff, v11;
	v6 =	vld.idx.msk [tilespmem:v0+s19+$0x460 ss:$0x1], $0xffff  }
.LBB1_5:
0x77: {  	p1 =	sne.s32 s25, $0xFC;
	[tilespmem:s21+$0x1860 ss:$0x41] =	vst.msk $0xffff, v8;
	v8 =	vld.idx.msk [tilespmem:v0+s19+$0x470 ss:$0x1], $0xffff;
	s19 =	sor.u32 s27, s26  }
0x78: {  	s26 =	sand.u32 $0x3B00, s19;
	v9 =	vld.idx.msk [tilespmem:v0+s19+$0x410 ss:$0x1], $0xffff;
	[tilespmem:s21+$0x1C70 ss:$0x41] =	vst.msk $0xffff, v7  }
0x79: {  	s27 =	sand.u32 $0x80, s23;
	s26 =	sadd.s32 s26, s18;
	v7 =	vld.idx.msk [tilespmem:v0+s19+$0x420 ss:$0x1], $0xffff;
	[tilespmem:s21+$0x2490 ss:$0x41] =	vst.msk $0xffff, v1  }
0x7a: {  	s26 =	sadd.s32 s27, s26;
	v10 =	vld.idx.msk [tilespmem:v0+s19+$0x430 ss:$0x1], $0xffff;
	[tilespmem:s21+$0x28A0 ss:$0x41] =	vst.msk $0xffff, v2  }
0x7b: {  	v11 =	vld [tilespmem:s26+$0x400];
	[tilespmem:s21+$0x2CB0 ss:$0x41] =	vst.msk $0xffff, v3  }
0x7c: {  	v12 =	vld [tilespmem:s26+$0x0];
	[tilespmem:s21+$0x30C0 ss:$0x41] =	vst.msk $0xffff, v4  }
0x7d: {  	v4 =	vld [tilespmem:s26+$0x10];
	[tilespmem:s21+$0x34D0 ss:$0x41] =	vst.msk $0xffff, v5  }
0x7e: {  	s27 =	sshra.s32 s22, $0x2;
	s22 =	smov.u32 s25;
	v1 =	vmov v9;
	v5 =	vld [tilespmem:s26+$0x20];
	[tilespmem:s21+$0x38E0 ss:$0x41] =	vst.msk $0xffff, v6  }
0x7f: {  	v2 =	vmov v7;
	v6 =	vld [tilespmem:s26+$0x30];
	[tilespmem:s21+$0x3CF0 ss:$0x41] =	vst.msk $0xffff, v8;
	s21 =	sadd.s32 s27, s20  }
0x80: {  	v3 =	vmov v10;
	v9 =	vld [tilespmem:s26+$0x40];
	[tilespmem:s21+$0x2080 ss:$0x41] =	vst.msk $0xffff, v11  }
0x81: {  	[tilespmem:s21+$0x0 ss:$0x41] =	vst.msk $0xffff, v12;
	v10 =	vld [tilespmem:s26+$0x50]  }
.Ltmp4:
0x82: {  	[tilespmem:s21+$0x410 ss:$0x41] =	vst.msk $0xffff, v4;
	v8 =	vld [tilespmem:s26+$0x60];
	(pc) =	sbr.rel @p1 .LBB1_5-.Ltmp4, $4  }
0x83: {  	[tilespmem:s21+$0x820 ss:$0x41] =	vst.msk $0xffff, v5;
	v7 =	vld [tilespmem:s26+$0x70]  }
0x84: {  	[tilespmem:s21+$0xC30 ss:$0x41] =	vst.msk $0xffff, v6;
	v4 =	vld.idx.msk [tilespmem:v0+s19+$0x440 ss:$0x1], $0xffff  }
0x85: {  	s23 =	sadd.s32 $0x80, s23;
	s24 =	sadd.s32 $0x100, s24;
	[tilespmem:s21+$0x1040 ss:$0x41] =	vst.msk $0xffff, v9;
	v5 =	vld.idx.msk [tilespmem:v0+s19+$0x450 ss:$0x1], $0xffff  }
0x86: {  	s25 =	sadd.s32 $0x4, s25;
	s27 =	sand.u32 $0x380, s23;
	s26 =	sand.u32 $0x3800, s24;
	[tilespmem:s21+$0x1450 ss:$0x41] =	vst.msk $0xffff, v10;
	v6 =	vld.idx.msk [tilespmem:v0+s19+$0x460 ss:$0x1], $0xffff  }
.Ltmp5:
0x87: {  	_ = 	snop;
	(pc) =	sbr.rel .LBB1_6-.Ltmp5, $1  }
0x88: {  	_ =	sdelay $0x3  }
.LBB1_8:
0x89: {  	_ =	sfence.sel $0x180000  }
0x8a: {  	s2 =	simm.s32 $0x1;
	[bflag:$0x0] =	sbarrier.arrive $0xFFFF  }
0x8b: {  	s31 =	simm.s32 $0x2;
	[sflag:s2] =	ssyncpa.u1 $0x1  }
0x8c: {  	[sflag:s31] =	ssyncpa.u1 $0x1  }
0x8d: {  	p0 =	sne.s32 s0, $0x0;
	_ =	strace $0x9000004A  }
0x8e: {  	s0 =	sadd.s32 @!p0 $0x100000, s1;
	[bflag:$0x2] =	sbarrier.arrive $0xFFFF  }
0x8f: {  	[sflag:s0] =	ssyncadd.tile.s32 @!p0 $0x1;
	_ =	shalt  }
.Lfunc_end1:
_tile_overlayer_lowered:
.L_overlay_start_2:
0x90: {  	(tag) =	ssettag $0x2  }
0x91: {  	s0 =	rddreg [dreg:$0x0];
	s2 =	stileid.u32  }
0x92: {  	s1 =	rddreg [dreg:$0x1];
	p0 =	sne.s32 s2, $0x0  }
0x93: {  	s3 =	rddreg [dreg:$0x2];
	[bflag:$0x3] =	sbarrier.arrive $0xFFFF;
	s2 =	simm.s32 @!p0 $0x1C01  }
0x94: {  	[timem:s3], [sflag:s2] =	dma.local @!p0 [hbm:s0], s1  }
0x95: {  	s0 =	simm.s32 @!p0 $0x1  }
0x96: {  	_ =	swait.ge @!p0 [sflag:s0], s1  }
0x97: {  	s1 =	ssub.s32 @!p0 $0x0, s1;
	[sflag:s0] =	ssyncset.done @!p0 $0x0  }
0x98: {  	[sflag:s0] =	ssyncadd.s32 @!p0 s1  }
0x99: {  	[bflag:$0x3] =	sbarrier.arrive $0xFFFF  }
0x9a: {  	_ =	shalt  }

</sc_bundles>
